<compile_context>
chip_gen: v7x
topology: tpu7x:2x2x1
jax: 0.10.2.dev20260603
libtpu: 0.0.44.dev20260713+nightly
codegen_flags: <defaults>
</compile_context>

<pallas_src>
import functools

import jax
import jax.numpy as jnp
from jax.experimental import pallas as pl
from jax.experimental.pallas import tpu as pltpu
from jax.experimental.pallas import tpu_sc as plsc


_E1Y = {0: ((0, 3, -1), (1, 0, 0), (2, 1, 0)),
        1: ((0, 1, 0), (1, 2, 0), (2, 3, 0))}
_E2Y = ((0, 1, -1), (1, 0, 0), (2, 1, 0))


def _encvq_kernel(xp_ref, w1_ref, w2_ref, w3_ref, cb_ref, cbsq_ref,
                  b1_ref, b2_ref, b3_ref, idx_ref, acc_ref, xs_ref, p1_ref):
    @pl.when(pl.program_id(0) == 0)
    def _init():
        xs_ref[...] = jnp.zeros_like(xs_ref)
        p1_ref[...] = jnp.zeros_like(p1_ref)
        acc_ref[...] = jnp.zeros_like(acc_ref)

    xc = jax.lax.broadcasted_iota(jnp.int32, (1, _NT), 1) % 56
    m_not55 = xc != 55
    m_not0 = xc != 0

    for phi in range(4):
        for psi in range(4):
            p = 4 * phi + psi
            xs_ref[8 * p:8 * p + 3, _OFF:_OFF + _NT] = xp_ref[0, phi, psi]

    b1v = b1_ref[:, 0:1]
    for a in range(2):
        for b in range(2):
            accp = jnp.broadcast_to(b1v, (32, _NT))
            for (ky, fy, sy) in _E1Y[a]:
                for (kx, fx, sx) in _E1Y[b]:
                    tap = ky * 3 + kx
                    p = 4 * fy + fx
                    slab = jax.lax.dot_general(
                        w1_ref[tap * 32:(tap + 1) * 32, :],
                        xs_ref[8 * p:8 * p + 8, :], (((1,), (0,)), ((), ())),
                        preferred_element_type=jnp.float32)
                    s = sy * 56 + sx
                    sl = slab[:, _OFF + s:_OFF + s + _NT]
                    if sx == -1:
                        sl = jnp.where(m_not0, sl, 0.0)
                    accp = accp + sl
            p1_ref[32 * (2 * a + b):32 * (2 * a + b + 1), _OFF:_OFF + _NT] = (
                jax.nn.relu(accp).astype(jnp.bfloat16))

    z2 = jnp.broadcast_to(b2_ref[:, 0:1], (64, _NT))
    for (ky, r, sy) in _E2Y:
        for (kx, c, sx) in _E2Y:
            tap = ky * 3 + kx
            slab = jax.lax.dot_general(
                w2_ref[tap * 64:(tap + 1) * 64, :],
                p1_ref[32 * (2 * r + c):32 * (2 * r + c + 1), :],
                (((1,), (0,)), ((), ())), preferred_element_type=jnp.float32)
            s = sy * 56 + sx
            sl = slab[:, _OFF + s:_OFF + s + _NT]
            if sx == -1:
                sl = jnp.where(m_not0, sl, 0.0)
            z2 = z2 + sl
    z2 = jax.nn.relu(z2)

    z3 = jax.lax.dot_general(
        w3_ref[...], z2.astype(jnp.bfloat16), (((1,), (0,)), ((), ())),
        preferred_element_type=jnp.float32) + b3_ref[:, 0:1]
    scores = jax.lax.dot_general(
        cb_ref[...], z3.astype(jnp.bfloat16), (((1,), (0,)), ((), ())),
        preferred_element_type=jnp.float32)
    d2 = cbsq_ref[:, 0:1] - 2.0 * scores
    mmin = jnp.min(d2, axis=0)
    ri = jax.lax.broadcasted_iota(jnp.int32, d2.shape, 0)
    idx_ref[0, 0, :] = jnp.min(jnp.where(d2 <= mmin[None, :], ri, 512), axis=0)
    partial = jnp.sum(mmin) + jnp.sum(z3 * z3)

    acc_ref[...] += partial


def _enc_vq(xp, w1, b1, w2, b2, w3, b3, codebook):
    n = xp.shape[0]
    w1e = jnp.pad(jnp.transpose(w1, (2, 3, 0, 1)),
                  ((0, 0), (0, 0), (0, 0), (0, 5))).reshape(288, 8)
    w2e = jnp.transpose(w2, (2, 3, 0, 1)).reshape(576, 32).astype(jnp.bfloat16)
    w3e = w3.reshape(64, 64).astype(jnp.bfloat16)
    cb = codebook.astype(jnp.bfloat16)
    cbsq = jnp.broadcast_to(
        jnp.sum(codebook * codebook, axis=1)[:, None], (512, 128))
    b1m = jnp.broadcast_to(b1[:, None], (32, 128))
    b2m = jnp.broadcast_to(b2[:, None], (64, 128))
    b3m = jnp.broadcast_to(b3[:, None], (64, 128))
    idx, acc = pl.pallas_call(
        _encvq_kernel,
        grid=(n,),
        in_specs=[
            pl.BlockSpec((1, 4, 4, 3, _NT), lambda i: (i, 0, 0, 0, 0)),
            pl.BlockSpec((288, 8), lambda i: (0, 0)),
            pl.BlockSpec((576, 32), lambda i: (0, 0)),
            pl.BlockSpec((64, 64), lambda i: (0, 0)),
            pl.BlockSpec((512, 64), lambda i: (0, 0)),
            pl.BlockSpec((512, 128), lambda i: (0, 0)),
            pl.BlockSpec((32, 128), lambda i: (0, 0)),
            pl.BlockSpec((64, 128), lambda i: (0, 0)),
            pl.BlockSpec((64, 128), lambda i: (0, 0)),
        ],
        out_specs=[
            pl.BlockSpec((1, 1, _NT), lambda i: (i, 0, 0)),
            pl.BlockSpec((8, 128), lambda i: (0, 0)),
        ],
        out_shape=[
            jax.ShapeDtypeStruct((n, 1, _NT), jnp.int32),
            jax.ShapeDtypeStruct((8, 128), jnp.float32),
        ],
        scratch_shapes=[
            pltpu.VMEM((128, _LB), jnp.float32),
            pltpu.VMEM((128, _LB), jnp.bfloat16),
        ],
    )(xp, w1e, w2e, w3e, cb, cbsq, b1m, b2m, b3m)
    return idx.reshape(n * _NT), acc[0, 0]


def _sc_gather_rows(table, idx):
    b = idx.shape[0]
    d = 128
    table128 = jnp.pad(table, ((0, 0), (0, d - table.shape[1])))
    nw = 32
    chunks = 7
    depth = 4
    b_per_w = b // nw
    b_chunk = b_per_w // chunks
    mesh = plsc.VectorSubcoreMesh(core_axis_name="c", subcore_axis_name="s")

    @functools.partial(
        pl.kernel, mesh=mesh,
        out_type=jax.ShapeDtypeStruct((b, d), jnp.float32),
        scratch_types=[
            pltpu.VMEM((b_per_w,), jnp.int32),
            pltpu.VMEM_SHARED((512, 128), jnp.float32),
            [pltpu.VMEM((b_chunk, d), jnp.float32) for _ in range(depth)],
            [pltpu.SemaphoreType.DMA for _ in range(depth)],
            [pltpu.SemaphoreType.DMA for _ in range(depth)],
        ],
    )
    def k(table_hbm, idx_hbm, out_hbm, idx_v, table_s, rows_v, gsems, wsems):
        sid = jax.lax.axis_index("s")
        wid = sid * 2 + jax.lax.axis_index("c")
        base = wid * b_per_w

        @pl.when(sid == 0)
        def _stage_table():
            pltpu.sync_copy(table_hbm, table_s)

        pltpu.sync_copy(idx_hbm.at[pl.ds(base, b_per_w)], idx_v)
        plsc.subcore_barrier()

        def gather(g):
            buf = g % depth
            return pltpu.async_copy(
                table_s.at[idx_v.at[pl.ds(g * b_chunk, b_chunk)]],
                rows_v[buf], gsems[buf])

        def writeback(g):
            buf = g % depth
            return pltpu.async_copy(
                rows_v[buf], out_hbm.at[pl.ds(base + g * b_chunk, b_chunk)],
                wsems[buf])

        ghandles = [None] * chunks
        whandles = [None] * chunks
        for g in range(depth):
            ghandles[g] = gather(g)
        for g in range(chunks):
            ghandles[g].wait()
            whandles[g] = writeback(g)
            if g + depth < chunks:
                whandles[g].wait()
                ghandles[g + depth] = gather(g + depth)
        for g in range(max(0, chunks - depth), chunks):
            whandles[g].wait()

    return k(table128, idx)


_OFF = 128
_NT = 3136
_LB = 3328
_K0 = ((1, 0),)
_K1 = ((0, 0), (2, 1))


def _decoder_kernel(q_ref, xp_ref, w1_ref, w2_ref, w3_ref, b1_ref, b2_ref,
                    b3_ref, acc_ref, qs_ref, p_ref, h_ref):
    @pl.when(pl.program_id(0) == 0)
    def _init():
        qs_ref[...] = jnp.zeros_like(qs_ref)
        p_ref[...] = jnp.zeros_like(p_ref)
        h_ref[...] = jnp.zeros_like(h_ref)
        acc_ref[...] = jnp.zeros_like(acc_ref)

    xc = jax.lax.broadcasted_iota(jnp.int32, (1, _NT), 1) % 56
    m_not55 = xc != 55
    m_not0 = xc != 0

    qs_ref[_OFF:_OFF + _NT, :] = q_ref[0].astype(jnp.bfloat16)
    t1 = jax.lax.dot_general(
        w1_ref[...], qs_ref[...], (((1,), (1,)), ((), ())),
        preferred_element_type=jnp.float32)
    b1v = b1_ref[:, 0:1]
    for a in range(2):
        for b in range(2):
            accp = jnp.broadcast_to(b1v, (64, _NT))
            for (ky, sy) in (_K0 if a == 0 else _K1):
                for (kx, sx) in (_K0 if b == 0 else _K1):
                    tap = ky * 3 + kx
                    s = sy * 56 + sx
                    sl = t1[tap * 64:(tap + 1) * 64, _OFF + s:_OFF + s + _NT]
                    if sx:
                        sl = jnp.where(m_not55, sl, 0.0)
                    accp = accp + sl
            p_ref[64 * (2 * a + b):64 * (2 * a + b + 1), _OFF:_OFF + _NT] = (
                jax.nn.relu(accp).astype(jnp.bfloat16))

    t2 = [jax.lax.dot_general(
        w2_ref[...], p_ref[64 * rc:64 * (rc + 1), :], (((1,), (0,)), ((), ())),
        preferred_element_type=jnp.float32) for rc in range(4)]
    b2v = b2_ref[:, 0:1]
    for a2 in range(2):
        for r1 in range(2):
            for bb in range(2):
                for r2 in range(2):
                    accs = jnp.broadcast_to(b2v, (32, _NT))
                    for (ky, sy) in (_K0 if a2 == 0 else _K1):
                        for (kx, sx) in (_K0 if bb == 0 else _K1):
                            r = (r1 + sy) % 2
                            c = (r2 + sx) % 2
                            s = ((r1 + sy) // 2) * 56 + ((r2 + sx) // 2)
                            tap = ky * 3 + kx
                            sl = t2[2 * r + c][
                                tap * 32:(tap + 1) * 32, _OFF + s:_OFF + s + _NT]
                            if (r2 + sx) // 2:
                                sl = jnp.where(m_not55, sl, 0.0)
                            accs = accs + sl
                    plane = 4 * (2 * r1 + a2) + (2 * r2 + bb)
                    h_ref[32 * plane:32 * (plane + 1), _OFF:_OFF + _NT] = (
                        jax.nn.relu(accs).astype(jnp.bfloat16))

    t3 = [jax.lax.dot_general(
        w3_ref[...], h_ref[32 * i:32 * (i + 1), :], (((1,), (0,)), ((), ())),
        preferred_element_type=jnp.float32) for i in range(16)]
    b3v = b3_ref[0:3, 0:1]
    total = jnp.zeros((), jnp.float32)
    for fo in range(4):
        for po in range(4):
            o = jnp.zeros((8, _NT), jnp.float32)
            for dy in (-1, 0, 1):
                for dx in (-1, 0, 1):
                    fsrc = (fo + dy) % 4
                    psrc = (po + dx) % 4
                    s56y = (fo + dy - fsrc) // 4
                    s56x = (po + dx - psrc) // 4
                    tap = (dy + 1) * 3 + (dx + 1)
                    s = s56y * 56 + s56x
                    sl = t3[4 * fsrc + psrc][
                        tap * 8:(tap + 1) * 8, _OFF + s:_OFF + s + _NT]
                    if s56x == 1:
                        sl = jnp.where(m_not55, sl, 0.0)
                    elif s56x == -1:
                        sl = jnp.where(m_not0, sl, 0.0)
                    o = o + sl
            diff = o[0:3] + b3v - xp_ref[0, fo, po]
            total = total + jnp.sum(diff * diff)
    acc_ref[...] += total


def _decoder_loss(q, xp, xsize, w1, b1, w2, b2, w3, b3):
    n = q.shape[0]
    w1p = jnp.pad(jnp.transpose(w1, (2, 3, 0, 1)).reshape(576, 64),
                  ((0, 0), (0, 64))).astype(jnp.bfloat16)
    w2a = jnp.transpose(w2, (2, 3, 0, 1)).reshape(288, 64).astype(jnp.bfloat16)
    w3a = jnp.pad(jnp.transpose(w3, (2, 3, 0, 1)),
                  ((0, 0), (0, 0), (0, 5), (0, 0))).reshape(72, 32).astype(
                      jnp.bfloat16)
    b1m = jnp.broadcast_to(b1[:, None], (64, 128))
    b2m = jnp.broadcast_to(b2[:, None], (32, 128))
    b3m = jnp.broadcast_to(jnp.pad(b3, (0, 5))[:, None], (8, 128))
    acc = pl.pallas_call(
        _decoder_kernel,
        grid=(n,),
        in_specs=[
            pl.BlockSpec((1, _NT, 128), lambda i: (i, 0, 0)),
            pl.BlockSpec((1, 4, 4, 3, _NT), lambda i: (i, 0, 0, 0, 0)),
            pl.BlockSpec((576, 128), lambda i: (0, 0)),
            pl.BlockSpec((288, 64), lambda i: (0, 0)),
            pl.BlockSpec((72, 32), lambda i: (0, 0)),
            pl.BlockSpec((64, 128), lambda i: (0, 0)),
            pl.BlockSpec((32, 128), lambda i: (0, 0)),
            pl.BlockSpec((8, 128), lambda i: (0, 0)),
        ],
        out_specs=pl.BlockSpec((8, 128), lambda i: (0, 0)),
        out_shape=jax.ShapeDtypeStruct((8, 128), jnp.float32),
        scratch_shapes=[
            pltpu.VMEM((_LB, 128), jnp.bfloat16),
            pltpu.VMEM((256, _LB), jnp.bfloat16),
            pltpu.VMEM((512, _LB), jnp.bfloat16),
        ],
    )(q, xp, w1p, w2a, w3a, b1m, b2m, b3m)
    return acc[0, 0] / xsize


def kernel(x, flag, enc_w1, enc_b1, enc_w2, enc_b2, enc_w3, enc_b3, codebook,
           dec_w1, dec_b1, dec_w2, dec_b2, dec_w3, dec_b3):
    commitment_cost = 0.25
    n = x.shape[0]
    xp = jnp.transpose(x.reshape(n, 3, 56, 4, 56, 4),
                       (0, 3, 5, 1, 2, 4)).reshape(n, 4, 4, 3, _NT)
    idx, sqsum = _enc_vq(xp, enc_w1, enc_b1, enc_w2, enc_b2, enc_w3, enc_b3,
                         codebook)
    vq_loss = (1.0 + commitment_cost) * sqsum / (n * _NT * 64)
    q128 = _sc_gather_rows(codebook, idx)
    recon_loss = _decoder_loss(q128.reshape(n, _NT, 128), xp, x.size,
                               dec_w1, dec_b1, dec_w2, dec_b2, dec_w3, dec_b3)
    return vq_loss + recon_loss

# --- scband reference (transcript-rebuilt; emitter-appended) ---
"""Pipeline reference for scband-vqvae-55078660603977 (READ-ONLY COPY).

The authoritative reference and input builder live on the scoring server;
editing this copy changes nothing except your own understanding.
"""

import jax, jax.numpy as jnp
import numpy as np


def _conv(x, w, b, stride, pad):
    y = jax.lax.conv_general_dilated(x, w, (stride, stride), ((pad, pad), (pad, pad)), dimension_numbers=('NCHW', 'OIHW', 'NCHW'))
    return y + b[None, :, None, None]


def _convT2(x, w, b):
    # PyTorch ConvTranspose2d(k=3, stride=2, padding=1, output_padding=1) as dilated conv
    y = jax.lax.conv_general_dilated(x, w, (1, 1), ((1, 2), (1, 2)), lhs_dilation=(2, 2), dimension_numbers=('NCHW', 'OIHW', 'NCHW'))
    return y + b[None, :, None, None]


def _forward(x, flag, enc_w1, enc_b1, enc_w2, enc_b2, enc_w3, enc_b3, codebook, dec_w1, dec_b1, dec_w2, dec_b2, dec_w3, dec_b3, commitment_cost=0.25, data_variance=1.0):
    # flag selects encoder_s (True) vs encoder_t; here flag=1 -> encoder_s params are the ones provided
    z = jax.nn.relu(_conv(x, enc_w1, enc_b1, 2, 1))
    z = jax.nn.relu(_conv(z, enc_w2, enc_b2, 2, 1))
    z = _conv(z, enc_w3, enc_b3, 1, 0)
    # VectorQuantizer (training branch)
    zp = jnp.transpose(z, (0, 2, 3, 1))
    D = zp.shape[-1]
    flat = zp.reshape(-1, D)
    d2 = jnp.sum(flat ** 2, axis=1, keepdims=True) + jnp.sum(codebook ** 2, axis=1) - 2.0 * (flat @ codebook.T)
    idx = jnp.argmin(d2, axis=1)
    q = jnp.take(codebook, idx, axis=0).reshape(zp.shape)
    q_latent_loss = jnp.mean((q - jax.lax.stop_gradient(zp)) ** 2)
    e_latent_loss = jnp.mean((zp - jax.lax.stop_gradient(q)) ** 2)
    vq_loss = q_latent_loss + commitment_cost * e_latent_loss
    q_st = zp + jax.lax.stop_gradient(q - zp)
    e = jnp.transpose(q_st, (0, 3, 1, 2))
    # Decoder
    h = jax.nn.relu(_convT2(e, dec_w1, dec_b1))
    h = jax.nn.relu(_convT2(h, dec_w2, dec_b2))
    x_recon = _conv(h, dec_w3, dec_b3, 1, 1)
    recon_loss = jnp.mean((x_recon - x) ** 2) / data_variance
    return vq_loss + recon_loss


def setup_inputs(seed: int = 0):
    key = jax.random.key(seed)
    ks = jax.random.split(key, 16)
    x = jax.random.normal(ks[0], (16, 3, 224, 224), dtype=jnp.float32)
    p = {
        'enc_w1': jax.random.normal(ks[1], (32, 3, 3, 3), jnp.float32) * 0.05,
        'enc_b1': jnp.zeros((32,), jnp.float32),
        'enc_w2': jax.random.normal(ks[2], (64, 32, 3, 3), jnp.float32) * 0.05,
        'enc_b2': jnp.zeros((64,), jnp.float32),
        'enc_w3': jax.random.normal(ks[3], (64, 64, 1, 1), jnp.float32) * 0.05,
        'enc_b3': jnp.zeros((64,), jnp.float32),
        'codebook': jax.random.normal(ks[4], (512, 64), jnp.float32),
        'dec_w1': jax.random.normal(ks[5], (64, 64, 3, 3), jnp.float32) * 0.05,
        'dec_b1': jnp.zeros((64,), jnp.float32),
        'dec_w2': jax.random.normal(ks[6], (32, 64, 3, 3), jnp.float32) * 0.05,
        'dec_b2': jnp.zeros((32,), jnp.float32),
        'dec_w3': jax.random.normal(ks[7], (3, 32, 3, 3), jnp.float32) * 0.05,
        'dec_b3': jnp.zeros((3,), jnp.float32),
    }
    return {'x': x, 'flag': 1, **p}


def reference(x, flag, enc_w1, enc_b1, enc_w2, enc_b2, enc_w3, enc_b3, codebook, dec_w1, dec_b1, dec_w2, dec_b2, dec_w3, dec_b3):
    return _forward(x, flag, enc_w1, enc_b1, enc_w2, enc_b2, enc_w3, enc_b3, codebook, dec_w1, dec_b1, dec_w2, dec_b2, dec_w3, dec_b3)

if __name__ == "__main__":
    import jax
    _d = setup_inputs()
    print(jax.jit(kernel)(*tuple(_d.values())))

</pallas_src>

<mosaic_0001>
#map = affine_map<(d0, d1) -> (0, 0)>
#map1 = affine_map<(d0, d1) -> (0)>
module attributes {stable_mosaic.version = 14 : i64} {
  func.func @k(%arg0: i32, %arg1: i32, %arg2: memref<512x128xf32, #tpu.memory_space<hbm>>, %arg3: memref<50176xi32, #tpu.memory_space<hbm>>, %arg4: memref<50176x128xf32, #tpu.memory_space<hbm>>, %arg5: memref<1568xi32, #tpu.memory_space<vmem>>, %arg6: memref<512x128xf32, #tpu.memory_space<vmem_shared>>, %arg7: memref<224x128xf32, #tpu.memory_space<vmem>>, %arg8: memref<224x128xf32, #tpu.memory_space<vmem>>, %arg9: memref<224x128xf32, #tpu.memory_space<vmem>>, %arg10: memref<224x128xf32, #tpu.memory_space<vmem>>, %arg11: memref<!tpu.dma_semaphore, #tpu.memory_space<semaphore_mem>>, %arg12: memref<!tpu.dma_semaphore, #tpu.memory_space<semaphore_mem>>, %arg13: memref<!tpu.dma_semaphore, #tpu.memory_space<semaphore_mem>>, %arg14: memref<!tpu.dma_semaphore, #tpu.memory_space<semaphore_mem>>, %arg15: memref<!tpu.dma_semaphore, #tpu.memory_space<semaphore_mem>>, %arg16: memref<!tpu.dma_semaphore, #tpu.memory_space<semaphore_mem>>, %arg17: memref<!tpu.dma_semaphore, #tpu.memory_space<semaphore_mem>>, %arg18: memref<!tpu.dma_semaphore, #tpu.memory_space<semaphore_mem>>) attributes {dimension_semantics = [#tpu.dimension_semantics<core_parallel>, #tpu.dimension_semantics<subcore_parallel>], iteration_bounds = array<i64: 2, 16>, scalar_prefetch = 0 : i64, scratch_operands = 14 : i64, tpu.core_type = #tpu.core_type<sc_vector_subcore>, window_params = [{transform_indices = #map}, {transform_indices = #map1}, {transform_indices = #map}]} {
    %mul3A = arith.constant 2 : i32
    %mul3A_0 = arith.muli %arg1, %mul3A : i32
    %add3A = arith.addi %mul3A_0, %arg0 : i32
    %mul3A_1 = arith.constant 1568 : i32
    %mul3A_2 = arith.muli %add3A, %mul3A_1 : i32
    %eq3A = arith.constant 0 : i32
    %eq3A_3 = arith.cmpi eq, %arg1, %eq3A : i32
    %convert_element_type3A = arith.extui %eq3A_3 : i1 to i32
    %cond3A = arith.constant 0 : i32
    %cond3A_4 = arith.cmpi ne, %convert_element_type3A, %cond3A : i32
    scf.if %cond3A_4 {
      "tpu.region"() ({
        %run_scoped3A = tpu.sem_alloc : memref<!tpu.dma_semaphore, #tpu.memory_space<semaphore_mem>>
        tpu.enqueue_dma source(%arg2 : memref<512x128xf32, #tpu.memory_space<hbm>>) target(%arg6 : memref<512x128xf32, #tpu.memory_space<vmem_shared>>) target_semaphore(%run_scoped3A : memref<!tpu.dma_semaphore, #tpu.memory_space<semaphore_mem>>)
        tpu.wait_dma2 semaphore(%run_scoped3A : memref<!tpu.dma_semaphore, #tpu.memory_space<semaphore_mem>>) src(%arg2 : memref<512x128xf32, #tpu.memory_space<hbm>>) dst(%arg6 : memref<512x128xf32, #tpu.memory_space<vmem_shared>>)
        tpu.yield
      }) : () -> ()
    } else {
    }
    "tpu.region"() ({
      %run_scoped3A = tpu.sem_alloc : memref<!tpu.dma_semaphore, #tpu.memory_space<semaphore_mem>>
      %dma_start3A_143 = tpu.memref_slice %arg3[%mul3A_2] : memref<50176xi32, #tpu.memory_space<hbm>> -> memref<1568xi32, #tpu.memory_space<hbm>>
      %dma_start3A_144 = tpu.memref_slice %arg3[%mul3A_2] : memref<50176xi32, #tpu.memory_space<hbm>> -> memref<1568xi32, #tpu.memory_space<hbm>>
      tpu.enqueue_dma source(%dma_start3A_144 : memref<1568xi32, #tpu.memory_space<hbm>>) target(%arg5 : memref<1568xi32, #tpu.memory_space<vmem>>) target_semaphore(%run_scoped3A : memref<!tpu.dma_semaphore, #tpu.memory_space<semaphore_mem>>)
      %dma_wait3A_145 = tpu.memref_slice %arg3[%mul3A_2] : memref<50176xi32, #tpu.memory_space<hbm>> -> memref<1568xi32, #tpu.memory_space<hbm>>
      %dma_wait3A_146 = tpu.memref_slice %arg3[%mul3A_2] : memref<50176xi32, #tpu.memory_space<hbm>> -> memref<1568xi32, #tpu.memory_space<hbm>>
      tpu.wait_dma2 semaphore(%run_scoped3A : memref<!tpu.dma_semaphore, #tpu.memory_space<semaphore_mem>>) src(%dma_wait3A_146 : memref<1568xi32, #tpu.memory_space<hbm>>) dst(%arg5 : memref<1568xi32, #tpu.memory_space<vmem>>)
      tpu.yield
    }) : () -> ()
    %barrier3A = arith.constant 0 : index
    tpu.barrier barrier_id(%barrier3A)
    %dma_start3A = arith.constant 0 : i32
    %dma_start3A_5 = tpu.memref_slice %arg5[%dma_start3A] : memref<1568xi32, #tpu.memory_space<vmem>> -> memref<224xi32, #tpu.memory_space<vmem>>
    %dma_start3A_6 = arith.constant 0 : i32
    %dma_start3A_7 = arith.constant 0 : i32
    %dma_start3A_8 = tpu.memref_slice %arg6[%dma_start3A_6, %dma_start3A_7] : memref<512x128xf32, #tpu.memory_space<vmem_shared>> -> memref<512x128xf32, #tpu.memory_space<vmem_shared>>
    tpu.enqueue_indirect_dma source(%dma_start3A_8 : memref<512x128xf32, #tpu.memory_space<vmem_shared>>) target(%arg7 : memref<224x128xf32, #tpu.memory_space<vmem>>) offsets(%dma_start3A_5 : memref<224xi32, #tpu.memory_space<vmem>>) semaphore(%arg11 : memref<!tpu.dma_semaphore, #tpu.memory_space<semaphore_mem>>)
    %dma_start3A_9 = arith.constant 224 : i32
    %dma_start3A_10 = tpu.memref_slice %arg5[%dma_start3A_9] : memref<1568xi32, #tpu.memory_space<vmem>> -> memref<224xi32, #tpu.memory_space<vmem>>
    %dma_start3A_11 = arith.constant 0 : i32
    %dma_start3A_12 = arith.constant 0 : i32
    %dma_start3A_13 = tpu.memref_slice %arg6[%dma_start3A_11, %dma_start3A_12] : memref<512x128xf32, #tpu.memory_space<vmem_shared>> -> memref<512x128xf32, #tpu.memory_space<vmem_shared>>
    tpu.enqueue_indirect_dma source(%dma_start3A_13 : memref<512x128xf32, #tpu.memory_space<vmem_shared>>) target(%arg8 : memref<224x128xf32, #tpu.memory_space<vmem>>) offsets(%dma_start3A_10 : memref<224xi32, #tpu.memory_space<vmem>>) semaphore(%arg12 : memref<!tpu.dma_semaphore, #tpu.memory_space<semaphore_mem>>)
    %dma_start3A_14 = arith.constant 448 : i32
    %dma_start3A_15 = tpu.memref_slice %arg5[%dma_start3A_14] : memref<1568xi32, #tpu.memory_space<vmem>> -> memref<224xi32, #tpu.memory_space<vmem>>
    %dma_start3A_16 = arith.constant 0 : i32
    %dma_start3A_17 = arith.constant 0 : i32
    %dma_start3A_18 = tpu.memref_slice %arg6[%dma_start3A_16, %dma_start3A_17] : memref<512x128xf32, #tpu.memory_space<vmem_shared>> -> memref<512x128xf32, #tpu.memory_space<vmem_shared>>
    tpu.enqueue_indirect_dma source(%dma_start3A_18 : memref<512x128xf32, #tpu.memory_space<vmem_shared>>) target(%arg9 : memref<224x128xf32, #tpu.memory_space<vmem>>) offsets(%dma_start3A_15 : memref<224xi32, #tpu.memory_space<vmem>>) semaphore(%arg13 : memref<!tpu.dma_semaphore, #tpu.memory_space<semaphore_mem>>)
    %dma_start3A_19 = arith.constant 672 : i32
    %dma_start3A_20 = tpu.memref_slice %arg5[%dma_start3A_19] : memref<1568xi32, #tpu.memory_space<vmem>> -> memref<224xi32, #tpu.memory_space<vmem>>
    %dma_start3A_21 = arith.constant 0 : i32
    %dma_start3A_22 = arith.constant 0 : i32
    %dma_start3A_23 = tpu.memref_slice %arg6[%dma_start3A_21, %dma_start3A_22] : memref<512x128xf32, #tpu.memory_space<vmem_shared>> -> memref<512x128xf32, #tpu.memory_space<vmem_shared>>
    tpu.enqueue_indirect_dma source(%dma_start3A_23 : memref<512x128xf32, #tpu.memory_space<vmem_shared>>) target(%arg10 : memref<224x128xf32, #tpu.memory_space<vmem>>) offsets(%dma_start3A_20 : memref<224xi32, #tpu.memory_space<vmem>>) semaphore(%arg14 : memref<!tpu.dma_semaphore, #tpu.memory_space<semaphore_mem>>)
    %dma_wait3A = arith.constant 0 : i32
    %dma_wait3A_24 = tpu.memref_slice %arg5[%dma_wait3A] : memref<1568xi32, #tpu.memory_space<vmem>> -> memref<224xi32, #tpu.memory_space<vmem>>
    %dma_wait3A_25 = arith.constant 0 : i32
    %dma_wait3A_26 = arith.constant 0 : i32
    %dma_wait3A_27 = tpu.memref_slice %arg6[%dma_wait3A_25, %dma_wait3A_26] : memref<512x128xf32, #tpu.memory_space<vmem_shared>> -> memref<512x128xf32, #tpu.memory_space<vmem_shared>>
    tpu.wait_indirect_dma semaphore(%arg11 : memref<!tpu.dma_semaphore, #tpu.memory_space<semaphore_mem>>) src(%dma_wait3A_27 : memref<512x128xf32, #tpu.memory_space<vmem_shared>>) dst(%arg7 : memref<224x128xf32, #tpu.memory_space<vmem>>)
    %add3A_28 = arith.constant 0 : i32
    %add3A_29 = arith.addi %mul3A_2, %add3A_28 : i32
    %dma_start3A_30 = arith.constant 0 : i32
    %dma_start3A_31 = tpu.memref_slice %arg4[%add3A_29, %dma_start3A_30] : memref<50176x128xf32, #tpu.memory_space<hbm>> -> memref<224x128xf32, #tpu.memory_space<hbm>>
    %dma_start3A_32 = arith.constant 0 : i32
    %dma_start3A_33 = tpu.memref_slice %arg4[%add3A_29, %dma_start3A_32] : memref<50176x128xf32, #tpu.memory_space<hbm>> -> memref<224x128xf32, #tpu.memory_space<hbm>>
    tpu.enqueue_dma source(%arg7 : memref<224x128xf32, #tpu.memory_space<vmem>>) target(%dma_start3A_33 : memref<224x128xf32, #tpu.memory_space<hbm>>) target_semaphore(%arg15 : memref<!tpu.dma_semaphore, #tpu.memory_space<semaphore_mem>>)
    %dma_wait3A_34 = arith.constant 0 : i32
    %dma_wait3A_35 = tpu.memref_slice %arg4[%add3A_29, %dma_wait3A_34] : memref<50176x128xf32, #tpu.memory_space<hbm>> -> memref<224x128xf32, #tpu.memory_space<hbm>>
    %dma_wait3A_36 = arith.constant 0 : i32
    %dma_wait3A_37 = tpu.memref_slice %arg4[%add3A_29, %dma_wait3A_36] : memref<50176x128xf32, #tpu.memory_space<hbm>> -> memref<224x128xf32, #tpu.memory_space<hbm>>
    tpu.wait_dma2 semaphore(%arg15 : memref<!tpu.dma_semaphore, #tpu.memory_space<semaphore_mem>>) src(%arg7 : memref<224x128xf32, #tpu.memory_space<vmem>>) dst(%dma_wait3A_37 : memref<224x128xf32, #tpu.memory_space<hbm>>)
    %dma_start3A_38 = arith.constant 896 : i32
    %dma_start3A_39 = tpu.memref_slice %arg5[%dma_start3A_38] : memref<1568xi32, #tpu.memory_space<vmem>> -> memref<224xi32, #tpu.memory_space<vmem>>
    %dma_start3A_40 = arith.constant 0 : i32
    %dma_start3A_41 = arith.constant 0 : i32
    %dma_start3A_42 = tpu.memref_slice %arg6[%dma_start3A_40, %dma_start3A_41] : memref<512x128xf32, #tpu.memory_space<vmem_shared>> -> memref<512x128xf32, #tpu.memory_space<vmem_shared>>
    tpu.enqueue_indirect_dma source(%dma_start3A_42 : memref<512x128xf32, #tpu.memory_space<vmem_shared>>) target(%arg7 : memref<224x128xf32, #tpu.memory_space<vmem>>) offsets(%dma_start3A_39 : memref<224xi32, #tpu.memory_space<vmem>>) semaphore(%arg11 : memref<!tpu.dma_semaphore, #tpu.memory_space<semaphore_mem>>)
    %dma_wait3A_43 = arith.constant 224 : i32
    %dma_wait3A_44 = tpu.memref_slice %arg5[%dma_wait3A_43] : memref<1568xi32, #tpu.memory_space<vmem>> -> memref<224xi32, #tpu.memory_space<vmem>>
    %dma_wait3A_45 = arith.constant 0 : i32
    %dma_wait3A_46 = arith.constant 0 : i32
    %dma_wait3A_47 = tpu.memref_slice %arg6[%dma_wait3A_45, %dma_wait3A_46] : memref<512x128xf32, #tpu.memory_space<vmem_shared>> -> memref<512x128xf32, #tpu.memory_space<vmem_shared>>
    tpu.wait_indirect_dma semaphore(%arg12 : memref<!tpu.dma_semaphore, #tpu.memory_space<semaphore_mem>>) src(%dma_wait3A_47 : memref<512x128xf32, #tpu.memory_space<vmem_shared>>) dst(%arg8 : memref<224x128xf32, #tpu.memory_space<vmem>>)
    %add3A_48 = arith.constant 224 : i32
    %add3A_49 = arith.addi %mul3A_2, %add3A_48 : i32
    %dma_start3A_50 = arith.constant 0 : i32
    %dma_start3A_51 = tpu.memref_slice %arg4[%add3A_49, %dma_start3A_50] : memref<50176x128xf32, #tpu.memory_space<hbm>> -> memref<224x128xf32, #tpu.memory_space<hbm>>
    %dma_start3A_52 = arith.constant 0 : i32
    %dma_start3A_53 = tpu.memref_slice %arg4[%add3A_49, %dma_start3A_52] : memref<50176x128xf32, #tpu.memory_space<hbm>> -> memref<224x128xf32, #tpu.memory_space<hbm>>
    tpu.enqueue_dma source(%arg8 : memref<224x128xf32, #tpu.memory_space<vmem>>) target(%dma_start3A_53 : memref<224x128xf32, #tpu.memory_space<hbm>>) target_semaphore(%arg16 : memref<!tpu.dma_semaphore, #tpu.memory_space<semaphore_mem>>)
    %dma_wait3A_54 = arith.constant 0 : i32
    %dma_wait3A_55 = tpu.memref_slice %arg4[%add3A_49, %dma_wait3A_54] : memref<50176x128xf32, #tpu.memory_space<hbm>> -> memref<224x128xf32, #tpu.memory_space<hbm>>
    %dma_wait3A_56 = arith.constant 0 : i32
    %dma_wait3A_57 = tpu.memref_slice %arg4[%add3A_49, %dma_wait3A_56] : memref<50176x128xf32, #tpu.memory_space<hbm>> -> memref<224x128xf32, #tpu.memory_space<hbm>>
    tpu.wait_dma2 semaphore(%arg16 : memref<!tpu.dma_semaphore, #tpu.memory_space<semaphore_mem>>) src(%arg8 : memref<224x128xf32, #tpu.memory_space<vmem>>) dst(%dma_wait3A_57 : memref<224x128xf32, #tpu.memory_space<hbm>>)
    %dma_start3A_58 = arith.constant 1120 : i32
    %dma_start3A_59 = tpu.memref_slice %arg5[%dma_start3A_58] : memref<1568xi32, #tpu.memory_space<vmem>> -> memref<224xi32, #tpu.memory_space<vmem>>
    %dma_start3A_60 = arith.constant 0 : i32
    %dma_start3A_61 = arith.constant 0 : i32
    %dma_start3A_62 = tpu.memref_slice %arg6[%dma_start3A_60, %dma_start3A_61] : memref<512x128xf32, #tpu.memory_space<vmem_shared>> -> memref<512x128xf32, #tpu.memory_space<vmem_shared>>
    tpu.enqueue_indirect_dma source(%dma_start3A_62 : memref<512x128xf32, #tpu.memory_space<vmem_shared>>) target(%arg8 : memref<224x128xf32, #tpu.memory_space<vmem>>) offsets(%dma_start3A_59 : memref<224xi32, #tpu.memory_space<vmem>>) semaphore(%arg12 : memref<!tpu.dma_semaphore, #tpu.memory_space<semaphore_mem>>)
    %dma_wait3A_63 = arith.constant 448 : i32
    %dma_wait3A_64 = tpu.memref_slice %arg5[%dma_wait3A_63] : memref<1568xi32, #tpu.memory_space<vmem>> -> memref<224xi32, #tpu.memory_space<vmem>>
    %dma_wait3A_65 = arith.constant 0 : i32
    %dma_wait3A_66 = arith.constant 0 : i32
    %dma_wait3A_67 = tpu.memref_slice %arg6[%dma_wait3A_65, %dma_wait3A_66] : memref<512x128xf32, #tpu.memory_space<vmem_shared>> -> memref<512x128xf32, #tpu.memory_space<vmem_shared>>
    tpu.wait_indirect_dma semaphore(%arg13 : memref<!tpu.dma_semaphore, #tpu.memory_space<semaphore_mem>>) src(%dma_wait3A_67 : memref<512x128xf32, #tpu.memory_space<vmem_shared>>) dst(%arg9 : memref<224x128xf32, #tpu.memory_space<vmem>>)
    %add3A_68 = arith.constant 448 : i32
    %add3A_69 = arith.addi %mul3A_2, %add3A_68 : i32
    %dma_start3A_70 = arith.constant 0 : i32
    %dma_start3A_71 = tpu.memref_slice %arg4[%add3A_69, %dma_start3A_70] : memref<50176x128xf32, #tpu.memory_space<hbm>> -> memref<224x128xf32, #tpu.memory_space<hbm>>
    %dma_start3A_72 = arith.constant 0 : i32
    %dma_start3A_73 = tpu.memref_slice %arg4[%add3A_69, %dma_start3A_72] : memref<50176x128xf32, #tpu.memory_space<hbm>> -> memref<224x128xf32, #tpu.memory_space<hbm>>
    tpu.enqueue_dma source(%arg9 : memref<224x128xf32, #tpu.memory_space<vmem>>) target(%dma_start3A_73 : memref<224x128xf32, #tpu.memory_space<hbm>>) target_semaphore(%arg17 : memref<!tpu.dma_semaphore, #tpu.memory_space<semaphore_mem>>)
    %dma_wait3A_74 = arith.constant 0 : i32
    %dma_wait3A_75 = tpu.memref_slice %arg4[%add3A_69, %dma_wait3A_74] : memref<50176x128xf32, #tpu.memory_space<hbm>> -> memref<224x128xf32, #tpu.memory_space<hbm>>
    %dma_wait3A_76 = arith.constant 0 : i32
    %dma_wait3A_77 = tpu.memref_slice %arg4[%add3A_69, %dma_wait3A_76] : memref<50176x128xf32, #tpu.memory_space<hbm>> -> memref<224x128xf32, #tpu.memory_space<hbm>>
    tpu.wait_dma2 semaphore(%arg17 : memref<!tpu.dma_semaphore, #tpu.memory_space<semaphore_mem>>) src(%arg9 : memref<224x128xf32, #tpu.memory_space<vmem>>) dst(%dma_wait3A_77 : memref<224x128xf32, #tpu.memory_space<hbm>>)
    %dma_start3A_78 = arith.constant 1344 : i32
    %dma_start3A_79 = tpu.memref_slice %arg5[%dma_start3A_78] : memref<1568xi32, #tpu.memory_space<vmem>> -> memref<224xi32, #tpu.memory_space<vmem>>
    %dma_start3A_80 = arith.constant 0 : i32
    %dma_start3A_81 = arith.constant 0 : i32
    %dma_start3A_82 = tpu.memref_slice %arg6[%dma_start3A_80, %dma_start3A_81] : memref<512x128xf32, #tpu.memory_space<vmem_shared>> -> memref<512x128xf32, #tpu.memory_space<vmem_shared>>
    tpu.enqueue_indirect_dma source(%dma_start3A_82 : memref<512x128xf32, #tpu.memory_space<vmem_shared>>) target(%arg9 : memref<224x128xf32, #tpu.memory_space<vmem>>) offsets(%dma_start3A_79 : memref<224xi32, #tpu.memory_space<vmem>>) semaphore(%arg13 : memref<!tpu.dma_semaphore, #tpu.memory_space<semaphore_mem>>)
    %dma_wait3A_83 = arith.constant 672 : i32
    %dma_wait3A_84 = tpu.memref_slice %arg5[%dma_wait3A_83] : memref<1568xi32, #tpu.memory_space<vmem>> -> memref<224xi32, #tpu.memory_space<vmem>>
    %dma_wait3A_85 = arith.constant 0 : i32
    %dma_wait3A_86 = arith.constant 0 : i32
    %dma_wait3A_87 = tpu.memref_slice %arg6[%dma_wait3A_85, %dma_wait3A_86] : memref<512x128xf32, #tpu.memory_space<vmem_shared>> -> memref<512x128xf32, #tpu.memory_space<vmem_shared>>
    tpu.wait_indirect_dma semaphore(%arg14 : memref<!tpu.dma_semaphore, #tpu.memory_space<semaphore_mem>>) src(%dma_wait3A_87 : memref<512x128xf32, #tpu.memory_space<vmem_shared>>) dst(%arg10 : memref<224x128xf32, #tpu.memory_space<vmem>>)
    %add3A_88 = arith.constant 672 : i32
    %add3A_89 = arith.addi %mul3A_2, %add3A_88 : i32
    %dma_start3A_90 = arith.constant 0 : i32
    %dma_start3A_91 = tpu.memref_slice %arg4[%add3A_89, %dma_start3A_90] : memref<50176x128xf32, #tpu.memory_space<hbm>> -> memref<224x128xf32, #tpu.memory_space<hbm>>
    %dma_start3A_92 = arith.constant 0 : i32
    %dma_start3A_93 = tpu.memref_slice %arg4[%add3A_89, %dma_start3A_92] : memref<50176x128xf32, #tpu.memory_space<hbm>> -> memref<224x128xf32, #tpu.memory_space<hbm>>
    tpu.enqueue_dma source(%arg10 : memref<224x128xf32, #tpu.memory_space<vmem>>) target(%dma_start3A_93 : memref<224x128xf32, #tpu.memory_space<hbm>>) target_semaphore(%arg18 : memref<!tpu.dma_semaphore, #tpu.memory_space<semaphore_mem>>)
    %dma_wait3A_94 = arith.constant 896 : i32
    %dma_wait3A_95 = tpu.memref_slice %arg5[%dma_wait3A_94] : memref<1568xi32, #tpu.memory_space<vmem>> -> memref<224xi32, #tpu.memory_space<vmem>>
    %dma_wait3A_96 = arith.constant 0 : i32
    %dma_wait3A_97 = arith.constant 0 : i32
    %dma_wait3A_98 = tpu.memref_slice %arg6[%dma_wait3A_96, %dma_wait3A_97] : memref<512x128xf32, #tpu.memory_space<vmem_shared>> -> memref<512x128xf32, #tpu.memory_space<vmem_shared>>
    tpu.wait_indirect_dma semaphore(%arg11 : memref<!tpu.dma_semaphore, #tpu.memory_space<semaphore_mem>>) src(%dma_wait3A_98 : memref<512x128xf32, #tpu.memory_space<vmem_shared>>) dst(%arg7 : memref<224x128xf32, #tpu.memory_space<vmem>>)
    %add3A_99 = arith.constant 896 : i32
    %add3A_100 = arith.addi %mul3A_2, %add3A_99 : i32
    %dma_start3A_101 = arith.constant 0 : i32
    %dma_start3A_102 = tpu.memref_slice %arg4[%add3A_100, %dma_start3A_101] : memref<50176x128xf32, #tpu.memory_space<hbm>> -> memref<224x128xf32, #tpu.memory_space<hbm>>
    %dma_start3A_103 = arith.constant 0 : i32
    %dma_start3A_104 = tpu.memref_slice %arg4[%add3A_100, %dma_start3A_103] : memref<50176x128xf32, #tpu.memory_space<hbm>> -> memref<224x128xf32, #tpu.memory_space<hbm>>
    tpu.enqueue_dma source(%arg7 : memref<224x128xf32, #tpu.memory_space<vmem>>) target(%dma_start3A_104 : memref<224x128xf32, #tpu.memory_space<hbm>>) target_semaphore(%arg15 : memref<!tpu.dma_semaphore, #tpu.memory_space<semaphore_mem>>)
    %dma_wait3A_105 = arith.constant 1120 : i32
    %dma_wait3A_106 = tpu.memref_slice %arg5[%dma_wait3A_105] : memref<1568xi32, #tpu.memory_space<vmem>> -> memref<224xi32, #tpu.memory_space<vmem>>
    %dma_wait3A_107 = arith.constant 0 : i32
    %dma_wait3A_108 = arith.constant 0 : i32
    %dma_wait3A_109 = tpu.memref_slice %arg6[%dma_wait3A_107, %dma_wait3A_108] : memref<512x128xf32, #tpu.memory_space<vmem_shared>> -> memref<512x128xf32, #tpu.memory_space<vmem_shared>>
    tpu.wait_indirect_dma semaphore(%arg12 : memref<!tpu.dma_semaphore, #tpu.memory_space<semaphore_mem>>) src(%dma_wait3A_109 : memref<512x128xf32, #tpu.memory_space<vmem_shared>>) dst(%arg8 : memref<224x128xf32, #tpu.memory_space<vmem>>)
    %add3A_110 = arith.constant 1120 : i32
    %add3A_111 = arith.addi %mul3A_2, %add3A_110 : i32
    %dma_start3A_112 = arith.constant 0 : i32
    %dma_start3A_113 = tpu.memref_slice %arg4[%add3A_111, %dma_start3A_112] : memref<50176x128xf32, #tpu.memory_space<hbm>> -> memref<224x128xf32, #tpu.memory_space<hbm>>
    %dma_start3A_114 = arith.constant 0 : i32
    %dma_start3A_115 = tpu.memref_slice %arg4[%add3A_111, %dma_start3A_114] : memref<50176x128xf32, #tpu.memory_space<hbm>> -> memref<224x128xf32, #tpu.memory_space<hbm>>
    tpu.enqueue_dma source(%arg8 : memref<224x128xf32, #tpu.memory_space<vmem>>) target(%dma_start3A_115 : memref<224x128xf32, #tpu.memory_space<hbm>>) target_semaphore(%arg16 : memref<!tpu.dma_semaphore, #tpu.memory_space<semaphore_mem>>)
    %dma_wait3A_116 = arith.constant 1344 : i32
    %dma_wait3A_117 = tpu.memref_slice %arg5[%dma_wait3A_116] : memref<1568xi32, #tpu.memory_space<vmem>> -> memref<224xi32, #tpu.memory_space<vmem>>
    %dma_wait3A_118 = arith.constant 0 : i32
    %dma_wait3A_119 = arith.constant 0 : i32
    %dma_wait3A_120 = tpu.memref_slice %arg6[%dma_wait3A_118, %dma_wait3A_119] : memref<512x128xf32, #tpu.memory_space<vmem_shared>> -> memref<512x128xf32, #tpu.memory_space<vmem_shared>>
    tpu.wait_indirect_dma semaphore(%arg13 : memref<!tpu.dma_semaphore, #tpu.memory_space<semaphore_mem>>) src(%dma_wait3A_120 : memref<512x128xf32, #tpu.memory_space<vmem_shared>>) dst(%arg9 : memref<224x128xf32, #tpu.memory_space<vmem>>)
    %add3A_121 = arith.constant 1344 : i32
    %add3A_122 = arith.addi %mul3A_2, %add3A_121 : i32
    %dma_start3A_123 = arith.constant 0 : i32
    %dma_start3A_124 = tpu.memref_slice %arg4[%add3A_122, %dma_start3A_123] : memref<50176x128xf32, #tpu.memory_space<hbm>> -> memref<224x128xf32, #tpu.memory_space<hbm>>
    %dma_start3A_125 = arith.constant 0 : i32
    %dma_start3A_126 = tpu.memref_slice %arg4[%add3A_122, %dma_start3A_125] : memref<50176x128xf32, #tpu.memory_space<hbm>> -> memref<224x128xf32, #tpu.memory_space<hbm>>
    tpu.enqueue_dma source(%arg9 : memref<224x128xf32, #tpu.memory_space<vmem>>) target(%dma_start3A_126 : memref<224x128xf32, #tpu.memory_space<hbm>>) target_semaphore(%arg17 : memref<!tpu.dma_semaphore, #tpu.memory_space<semaphore_mem>>)
    %dma_wait3A_127 = arith.constant 0 : i32
    %dma_wait3A_128 = tpu.memref_slice %arg4[%add3A_89, %dma_wait3A_127] : memref<50176x128xf32, #tpu.memory_space<hbm>> -> memref<224x128xf32, #tpu.memory_space<hbm>>
    %dma_wait3A_129 = arith.constant 0 : i32
    %dma_wait3A_130 = tpu.memref_slice %arg4[%add3A_89, %dma_wait3A_129] : memref<50176x128xf32, #tpu.memory_space<hbm>> -> memref<224x128xf32, #tpu.memory_space<hbm>>
    tpu.wait_dma2 semaphore(%arg18 : memref<!tpu.dma_semaphore, #tpu.memory_space<semaphore_mem>>) src(%arg10 : memref<224x128xf32, #tpu.memory_space<vmem>>) dst(%dma_wait3A_130 : memref<224x128xf32, #tpu.memory_space<hbm>>)
    %dma_wait3A_131 = arith.constant 0 : i32
    %dma_wait3A_132 = tpu.memref_slice %arg4[%add3A_100, %dma_wait3A_131] : memref<50176x128xf32, #tpu.memory_space<hbm>> -> memref<224x128xf32, #tpu.memory_space<hbm>>
    %dma_wait3A_133 = arith.constant 0 : i32
    %dma_wait3A_134 = tpu.memref_slice %arg4[%add3A_100, %dma_wait3A_133] : memref<50176x128xf32, #tpu.memory_space<hbm>> -> memref<224x128xf32, #tpu.memory_space<hbm>>
    tpu.wait_dma2 semaphore(%arg15 : memref<!tpu.dma_semaphore, #tpu.memory_space<semaphore_mem>>) src(%arg7 : memref<224x128xf32, #tpu.memory_space<vmem>>) dst(%dma_wait3A_134 : memref<224x128xf32, #tpu.memory_space<hbm>>)
    %dma_wait3A_135 = arith.constant 0 : i32
    %dma_wait3A_136 = tpu.memref_slice %arg4[%add3A_111, %dma_wait3A_135] : memref<50176x128xf32, #tpu.memory_space<hbm>> -> memref<224x128xf32, #tpu.memory_space<hbm>>
    %dma_wait3A_137 = arith.constant 0 : i32
    %dma_wait3A_138 = tpu.memref_slice %arg4[%add3A_111, %dma_wait3A_137] : memref<50176x128xf32, #tpu.memory_space<hbm>> -> memref<224x128xf32, #tpu.memory_space<hbm>>
    tpu.wait_dma2 semaphore(%arg16 : memref<!tpu.dma_semaphore, #tpu.memory_space<semaphore_mem>>) src(%arg8 : memref<224x128xf32, #tpu.memory_space<vmem>>) dst(%dma_wait3A_138 : memref<224x128xf32, #tpu.memory_space<hbm>>)
    %dma_wait3A_139 = arith.constant 0 : i32
    %dma_wait3A_140 = tpu.memref_slice %arg4[%add3A_122, %dma_wait3A_139] : memref<50176x128xf32, #tpu.memory_space<hbm>> -> memref<224x128xf32, #tpu.memory_space<hbm>>
    %dma_wait3A_141 = arith.constant 0 : i32
    %dma_wait3A_142 = tpu.memref_slice %arg4[%add3A_122, %dma_wait3A_141] : memref<50176x128xf32, #tpu.memory_space<hbm>> -> memref<224x128xf32, #tpu.memory_space<hbm>>
    tpu.wait_dma2 semaphore(%arg17 : memref<!tpu.dma_semaphore, #tpu.memory_space<semaphore_mem>>) src(%arg9 : memref<224x128xf32, #tpu.memory_space<vmem>>) dst(%dma_wait3A_142 : memref<224x128xf32, #tpu.memory_space<hbm>>)
    return
  }
}

module attributes {stable_mosaic.version = 14 : i64} {
  func.func @_encvq_kernel(%arg0: i32, %arg1: memref<1x4x4x3x3136xf32, #tpu.memory_space<vmem>>, %arg2: memref<288x8xf32, #tpu.memory_space<vmem>>, %arg3: memref<576x32xbf16, #tpu.memory_space<vmem>>, %arg4: memref<64x64xbf16, #tpu.memory_space<vmem>>, %arg5: memref<512x64xbf16, #tpu.memory_space<vmem>>, %arg6: memref<512x128xf32, #tpu.memory_space<vmem>>, %arg7: memref<32x128xf32, #tpu.memory_space<vmem>>, %arg8: memref<64x128xf32, #tpu.memory_space<vmem>>, %arg9: memref<64x128xf32, #tpu.memory_space<vmem>>, %arg10: memref<1x1x3136xi32, #tpu.memory_space<vmem>>, %arg11: memref<8x128xf32, #tpu.memory_space<vmem>>, %arg12: memref<128x3328xf32, #tpu.memory_space<vmem>>, %arg13: memref<128x3328xbf16, #tpu.memory_space<vmem>>) attributes {dimension_semantics = [#tpu.dimension_semantics<arbitrary>], iteration_bounds = array<i64: 16>, scalar_prefetch = 0 : i64, scratch_operands = 2 : i64, tpu.core_type = #tpu.core_type<tc>, window_params = [{transform_indices = @transform_0, window_bounds = array<i64: 1, 4, 4, 3, 3136>}, {pipeline_mode = #tpu.pipeline_mode<synchronous>, transform_indices = @transform_1, window_bounds = array<i64: 288, 8>}, {pipeline_mode = #tpu.pipeline_mode<synchronous>, transform_indices = @transform_2, window_bounds = array<i64: 576, 32>}, {pipeline_mode = #tpu.pipeline_mode<synchronous>, transform_indices = @transform_3, window_bounds = array<i64: 64, 64>}, {pipeline_mode = #tpu.pipeline_mode<synchronous>, transform_indices = @transform_4, window_bounds = array<i64: 512, 64>}, {pipeline_mode = #tpu.pipeline_mode<synchronous>, transform_indices = @transform_5, window_bounds = array<i64: 512, 128>}, {pipeline_mode = #tpu.pipeline_mode<synchronous>, transform_indices = @transform_6, window_bounds = array<i64: 32, 128>}, {pipeline_mode = #tpu.pipeline_mode<synchronous>, transform_indices = @transform_7, window_bounds = array<i64: 64, 128>}, {pipeline_mode = #tpu.pipeline_mode<synchronous>, transform_indices = @transform_8, window_bounds = array<i64: 64, 128>}, {transform_indices = @transform_9, window_bounds = array<i64: 1, 1, 3136>}, {pipeline_mode = #tpu.pipeline_mode<synchronous>, transform_indices = @transform_10, window_bounds = array<i64: 8, 128>}]} {
    %eq3A = arith.constant 0 : i32
    %eq3A_0 = arith.cmpi eq, %arg0, %eq3A : i32
    %convert_element_type3A = arith.extui %eq3A_0 : i1 to i32
    %cond3A = arith.constant 0 : i32
    %cond3A_1 = arith.cmpi ne, %convert_element_type3A, %cond3A : i32
    scf.if %cond3A_1 {
      %broadcast_in_dim3A_773 = arith.constant 0.000000e+00 : f32
      %broadcast_in_dim3A_774 = vector.broadcast %broadcast_in_dim3A_773 : f32 to vector<128x3328xf32>
      %swap3A_775 = arith.constant 0 : index
      %swap3A_776 = arith.constant 0 : index
      %swap3A_777 = vector.load %arg12[%swap3A_775, %swap3A_776] : memref<128x3328xf32, #tpu.memory_space<vmem>>, vector<128x3328xf32>
      tpu.vector_store %arg12[%swap3A_775, %swap3A_776], %broadcast_in_dim3A_774 {strides = array<i32>} : memref<128x3328xf32, #tpu.memory_space<vmem>>, vector<128x3328xf32>,
      %broadcast_in_dim3A_778 = arith.constant 0.000000e+00 : bf16
      %broadcast_in_dim3A_779 = vector.broadcast %broadcast_in_dim3A_778 : bf16 to vector<128x3328xbf16>
      %swap3A_780 = arith.constant 0 : index
      %swap3A_781 = arith.constant 0 : index
      %swap3A_782 = vector.load %arg13[%swap3A_780, %swap3A_781] : memref<128x3328xbf16, #tpu.memory_space<vmem>>, vector<128x3328xbf16>
      tpu.vector_store %arg13[%swap3A_780, %swap3A_781], %broadcast_in_dim3A_779 {strides = array<i32>} : memref<128x3328xbf16, #tpu.memory_space<vmem>>, vector<128x3328xbf16>,
      %broadcast_in_dim3A_783 = arith.constant 0.000000e+00 : f32
      %broadcast_in_dim3A_784 = vector.broadcast %broadcast_in_dim3A_783 : f32 to vector<8x128xf32>
      %swap3A_785 = arith.constant 0 : index
      %swap3A_786 = arith.constant 0 : index
      %swap3A_787 = vector.load %arg11[%swap3A_785, %swap3A_786] : memref<8x128xf32, #tpu.memory_space<vmem>>, vector<8x128xf32>
      tpu.vector_store %arg11[%swap3A_785, %swap3A_786], %broadcast_in_dim3A_784 {strides = array<i32>} : memref<8x128xf32, #tpu.memory_space<vmem>>, vector<8x128xf32>,
    } else {
    }
    %iota3A = tpu.iota {dimensions = array<i32: 1>} : vector<1x3136xi32>
    %jit3A = arith.constant 56 : i32
    %eq3A_2 = arith.constant 0 : i32
    %eq3A_3 = arith.cmpi eq, %jit3A, %eq3A_2 : i32
    %jit3A_4 = arith.constant 1 : i32
    %select_n3A = arith.select %eq3A_3, %jit3A_4, %jit3A : i32
    %rem3A = vector.broadcast %select_n3A : i32 to vector<1x3136xi32>
    %rem3A_5 = arith.remsi %iota3A, %rem3A : vector<1x3136xi32>
    %ne3A = arith.constant 0 : i32
    %ne3A_6 = vector.broadcast %ne3A : i32 to vector<1x3136xi32>
    %ne3A_7 = arith.cmpi ne, %rem3A_5, %ne3A_6 : vector<1x3136xi32>
    %lt3A = arith.constant 0 : i32
    %lt3A_8 = vector.broadcast %lt3A : i32 to vector<1x3136xi32>
    %lt3A_9 = arith.cmpi slt, %rem3A_5, %lt3A_8 : vector<1x3136xi32>
    %lt3A_10 = arith.constant 0 : i32
    %lt3A_11 = arith.cmpi slt, %select_n3A, %lt3A_10 : i32
    %ne3A_12 = vector.broadcast %lt3A_11 : i1 to vector<1x3136xi1>
    %ne3A_13 = vector.broadcast %ne3A_12 : vector<1x3136xi1> to vector<1x3136xi1>
    %ne3A_14 = arith.xori %lt3A_9, %ne3A_13 : vector<1x3136xi1>
    %and3A = arith.andi %ne3A_14, %ne3A_7 : vector<1x3136xi1>
    %add3A = vector.broadcast %select_n3A : i32 to vector<1x3136xi32>
    %add3A_15 = arith.addi %rem3A_5, %add3A : vector<1x3136xi32>
    %select_n3A_16 = arith.select %and3A, %add3A_15, %rem3A_5 : vector<1x3136xi1>, vector<1x3136xi32>
    %ne3A_17 = arith.constant 0 : i32
    %ne3A_18 = vector.broadcast %ne3A_17 : i32 to vector<1x3136xi32>
    %ne3A_19 = arith.cmpi ne, %select_n3A_16, %ne3A_18 : vector<1x3136xi32>
    %get3A = arith.constant 0 : index
    %get3A_20 = arith.constant 0 : index
    %get3A_21 = arith.constant 0 : index
    %get3A_22 = arith.constant 0 : index
    %get3A_23 = arith.constant 0 : index
    %get3A_24 = vector.load %arg1[%get3A, %get3A_20, %get3A_21, %get3A_22, %get3A_23] : memref<1x4x4x3x3136xf32, #tpu.memory_space<vmem>>, vector<1x1x1x3x3136xf32>
    %get3A_25 = vector.shape_cast %get3A_24 : vector<1x1x1x3x3136xf32> to vector<3x3136xf32>
    %swap3A = arith.constant 0 : index
    %swap3A_26 = arith.constant 128 : index
    %swap3A_27 = vector.load %arg12[%swap3A, %swap3A_26] : memref<128x3328xf32, #tpu.memory_space<vmem>>, vector<3x3136xf32>
    tpu.vector_store %arg12[%swap3A, %swap3A_26], %get3A_25 {strides = array<i32>} : memref<128x3328xf32, #tpu.memory_space<vmem>>, vector<3x3136xf32>,
    %get3A_28 = arith.constant 0 : index
    %get3A_29 = arith.constant 0 : index
    %get3A_30 = arith.constant 1 : index
    %get3A_31 = arith.constant 0 : index
    %get3A_32 = arith.constant 0 : index
    %get3A_33 = vector.load %arg1[%get3A_28, %get3A_29, %get3A_30, %get3A_31, %get3A_32] : memref<1x4x4x3x3136xf32, #tpu.memory_space<vmem>>, vector<1x1x1x3x3136xf32>
    %get3A_34 = vector.shape_cast %get3A_33 : vector<1x1x1x3x3136xf32> to vector<3x3136xf32>
    %swap3A_35 = arith.constant 8 : index
    %swap3A_36 = arith.constant 128 : index
    %swap3A_37 = vector.load %arg12[%swap3A_35, %swap3A_36] : memref<128x3328xf32, #tpu.memory_space<vmem>>, vector<3x3136xf32>
    tpu.vector_store %arg12[%swap3A_35, %swap3A_36], %get3A_34 {strides = array<i32>} : memref<128x3328xf32, #tpu.memory_space<vmem>>, vector<3x3136xf32>,
    %get3A_38 = arith.constant 0 : index
    %get3A_39 = arith.constant 0 : index
    %get3A_40 = arith.constant 2 : index
    %get3A_41 = arith.constant 0 : index
    %get3A_42 = arith.constant 0 : index
    %get3A_43 = vector.load %arg1[%get3A_38, %get3A_39, %get3A_40, %get3A_41, %get3A_42] : memref<1x4x4x3x3136xf32, #tpu.memory_space<vmem>>, vector<1x1x1x3x3136xf32>
    %get3A_44 = vector.shape_cast %get3A_43 : vector<1x1x1x3x3136xf32> to vector<3x3136xf32>
    %swap3A_45 = arith.constant 16 : index
    %swap3A_46 = arith.constant 128 : index
    %swap3A_47 = vector.load %arg12[%swap3A_45, %swap3A_46] : memref<128x3328xf32, #tpu.memory_space<vmem>>, vector<3x3136xf32>
    tpu.vector_store %arg12[%swap3A_45, %swap3A_46], %get3A_44 {strides = array<i32>} : memref<128x3328xf32, #tpu.memory_space<vmem>>, vector<3x3136xf32>,
    %get3A_48 = arith.constant 0 : index
    %get3A_49 = arith.constant 0 : index
    %get3A_50 = arith.constant 3 : index
    %get3A_51 = arith.constant 0 : index
    %get3A_52 = arith.constant 0 : index
    %get3A_53 = vector.load %arg1[%get3A_48, %get3A_49, %get3A_50, %get3A_51, %get3A_52] : memref<1x4x4x3x3136xf32, #tpu.memory_space<vmem>>, vector<1x1x1x3x3136xf32>
    %get3A_54 = vector.shape_cast %get3A_53 : vector<1x1x1x3x3136xf32> to vector<3x3136xf32>
    %swap3A_55 = arith.constant 24 : index
    %swap3A_56 = arith.constant 128 : index
    %swap3A_57 = vector.load %arg12[%swap3A_55, %swap3A_56] : memref<128x3328xf32, #tpu.memory_space<vmem>>, vector<3x3136xf32>
    tpu.vector_store %arg12[%swap3A_55, %swap3A_56], %get3A_54 {strides = array<i32>} : memref<128x3328xf32, #tpu.memory_space<vmem>>, vector<3x3136xf32>,
    %get3A_58 = arith.constant 0 : index
    %get3A_59 = arith.constant 1 : index
    %get3A_60 = arith.constant 0 : index
    %get3A_61 = arith.constant 0 : index
    %get3A_62 = arith.constant 0 : index
    %get3A_63 = vector.load %arg1[%get3A_58, %get3A_59, %get3A_60, %get3A_61, %get3A_62] : memref<1x4x4x3x3136xf32, #tpu.memory_space<vmem>>, vector<1x1x1x3x3136xf32>
    %get3A_64 = vector.shape_cast %get3A_63 : vector<1x1x1x3x3136xf32> to vector<3x3136xf32>
    %swap3A_65 = arith.constant 32 : index
    %swap3A_66 = arith.constant 128 : index
    %swap3A_67 = vector.load %arg12[%swap3A_65, %swap3A_66] : memref<128x3328xf32, #tpu.memory_space<vmem>>, vector<3x3136xf32>
    tpu.vector_store %arg12[%swap3A_65, %swap3A_66], %get3A_64 {strides = array<i32>} : memref<128x3328xf32, #tpu.memory_space<vmem>>, vector<3x3136xf32>,
    %get3A_68 = arith.constant 0 : index
    %get3A_69 = arith.constant 1 : index
    %get3A_70 = arith.constant 1 : index
    %get3A_71 = arith.constant 0 : index
    %get3A_72 = arith.constant 0 : index
    %get3A_73 = vector.load %arg1[%get3A_68, %get3A_69, %get3A_70, %get3A_71, %get3A_72] : memref<1x4x4x3x3136xf32, #tpu.memory_space<vmem>>, vector<1x1x1x3x3136xf32>
    %get3A_74 = vector.shape_cast %get3A_73 : vector<1x1x1x3x3136xf32> to vector<3x3136xf32>
    %swap3A_75 = arith.constant 40 : index
    %swap3A_76 = arith.constant 128 : index
    %swap3A_77 = vector.load %arg12[%swap3A_75, %swap3A_76] : memref<128x3328xf32, #tpu.memory_space<vmem>>, vector<3x3136xf32>
    tpu.vector_store %arg12[%swap3A_75, %swap3A_76], %get3A_74 {strides = array<i32>} : memref<128x3328xf32, #tpu.memory_space<vmem>>, vector<3x3136xf32>,
    %get3A_78 = arith.constant 0 : index
    %get3A_79 = arith.constant 1 : index
    %get3A_80 = arith.constant 2 : index
    %get3A_81 = arith.constant 0 : index
    %get3A_82 = arith.constant 0 : index
    %get3A_83 = vector.load %arg1[%get3A_78, %get3A_79, %get3A_80, %get3A_81, %get3A_82] : memref<1x4x4x3x3136xf32, #tpu.memory_space<vmem>>, vector<1x1x1x3x3136xf32>
    %get3A_84 = vector.shape_cast %get3A_83 : vector<1x1x1x3x3136xf32> to vector<3x3136xf32>
    %swap3A_85 = arith.constant 48 : index
    %swap3A_86 = arith.constant 128 : index
    %swap3A_87 = vector.load %arg12[%swap3A_85, %swap3A_86] : memref<128x3328xf32, #tpu.memory_space<vmem>>, vector<3x3136xf32>
    tpu.vector_store %arg12[%swap3A_85, %swap3A_86], %get3A_84 {strides = array<i32>} : memref<128x3328xf32, #tpu.memory_space<vmem>>, vector<3x3136xf32>,
    %get3A_88 = arith.constant 0 : index
    %get3A_89 = arith.constant 1 : index
    %get3A_90 = arith.constant 3 : index
    %get3A_91 = arith.constant 0 : index
    %get3A_92 = arith.constant 0 : index
    %get3A_93 = vector.load %arg1[%get3A_88, %get3A_89, %get3A_90, %get3A_91, %get3A_92] : memref<1x4x4x3x3136xf32, #tpu.memory_space<vmem>>, vector<1x1x1x3x3136xf32>
    %get3A_94 = vector.shape_cast %get3A_93 : vector<1x1x1x3x3136xf32> to vector<3x3136xf32>
    %swap3A_95 = arith.constant 56 : index
    %swap3A_96 = arith.constant 128 : index
    %swap3A_97 = vector.load %arg12[%swap3A_95, %swap3A_96] : memref<128x3328xf32, #tpu.memory_space<vmem>>, vector<3x3136xf32>
    tpu.vector_store %arg12[%swap3A_95, %swap3A_96], %get3A_94 {strides = array<i32>} : memref<128x3328xf32, #tpu.memory_space<vmem>>, vector<3x3136xf32>,
    %get3A_98 = arith.constant 0 : index
    %get3A_99 = arith.constant 2 : index
    %get3A_100 = arith.constant 0 : index
    %get3A_101 = arith.constant 0 : index
    %get3A_102 = arith.constant 0 : index
    %get3A_103 = vector.load %arg1[%get3A_98, %get3A_99, %get3A_100, %get3A_101, %get3A_102] : memref<1x4x4x3x3136xf32, #tpu.memory_space<vmem>>, vector<1x1x1x3x3136xf32>
    %get3A_104 = vector.shape_cast %get3A_103 : vector<1x1x1x3x3136xf32> to vector<3x3136xf32>
    %swap3A_105 = arith.constant 64 : index
    %swap3A_106 = arith.constant 128 : index
    %swap3A_107 = vector.load %arg12[%swap3A_105, %swap3A_106] : memref<128x3328xf32, #tpu.memory_space<vmem>>, vector<3x3136xf32>
    tpu.vector_store %arg12[%swap3A_105, %swap3A_106], %get3A_104 {strides = array<i32>} : memref<128x3328xf32, #tpu.memory_space<vmem>>, vector<3x3136xf32>,
    %get3A_108 = arith.constant 0 : index
    %get3A_109 = arith.constant 2 : index
    %get3A_110 = arith.constant 1 : index
    %get3A_111 = arith.constant 0 : index
    %get3A_112 = arith.constant 0 : index
    %get3A_113 = vector.load %arg1[%get3A_108, %get3A_109, %get3A_110, %get3A_111, %get3A_112] : memref<1x4x4x3x3136xf32, #tpu.memory_space<vmem>>, vector<1x1x1x3x3136xf32>
    %get3A_114 = vector.shape_cast %get3A_113 : vector<1x1x1x3x3136xf32> to vector<3x3136xf32>
    %swap3A_115 = arith.constant 72 : index
    %swap3A_116 = arith.constant 128 : index
    %swap3A_117 = vector.load %arg12[%swap3A_115, %swap3A_116] : memref<128x3328xf32, #tpu.memory_space<vmem>>, vector<3x3136xf32>
    tpu.vector_store %arg12[%swap3A_115, %swap3A_116], %get3A_114 {strides = array<i32>} : memref<128x3328xf32, #tpu.memory_space<vmem>>, vector<3x3136xf32>,
    %get3A_118 = arith.constant 0 : index
    %get3A_119 = arith.constant 2 : index
    %get3A_120 = arith.constant 2 : index
    %get3A_121 = arith.constant 0 : index
    %get3A_122 = arith.constant 0 : index
    %get3A_123 = vector.load %arg1[%get3A_118, %get3A_119, %get3A_120, %get3A_121, %get3A_122] : memref<1x4x4x3x3136xf32, #tpu.memory_space<vmem>>, vector<1x1x1x3x3136xf32>
    %get3A_124 = vector.shape_cast %get3A_123 : vector<1x1x1x3x3136xf32> to vector<3x3136xf32>
    %swap3A_125 = arith.constant 80 : index
    %swap3A_126 = arith.constant 128 : index
    %swap3A_127 = vector.load %arg12[%swap3A_125, %swap3A_126] : memref<128x3328xf32, #tpu.memory_space<vmem>>, vector<3x3136xf32>
    tpu.vector_store %arg12[%swap3A_125, %swap3A_126], %get3A_124 {strides = array<i32>} : memref<128x3328xf32, #tpu.memory_space<vmem>>, vector<3x3136xf32>,
    %get3A_128 = arith.constant 0 : index
    %get3A_129 = arith.constant 2 : index
    %get3A_130 = arith.constant 3 : index
    %get3A_131 = arith.constant 0 : index
    %get3A_132 = arith.constant 0 : index
    %get3A_133 = vector.load %arg1[%get3A_128, %get3A_129, %get3A_130, %get3A_131, %get3A_132] : memref<1x4x4x3x3136xf32, #tpu.memory_space<vmem>>, vector<1x1x1x3x3136xf32>
    %get3A_134 = vector.shape_cast %get3A_133 : vector<1x1x1x3x3136xf32> to vector<3x3136xf32>
    %swap3A_135 = arith.constant 88 : index
    %swap3A_136 = arith.constant 128 : index
    %swap3A_137 = vector.load %arg12[%swap3A_135, %swap3A_136] : memref<128x3328xf32, #tpu.memory_space<vmem>>, vector<3x3136xf32>
    tpu.vector_store %arg12[%swap3A_135, %swap3A_136], %get3A_134 {strides = array<i32>} : memref<128x3328xf32, #tpu.memory_space<vmem>>, vector<3x3136xf32>,
    %get3A_138 = arith.constant 0 : index
    %get3A_139 = arith.constant 3 : index
    %get3A_140 = arith.constant 0 : index
    %get3A_141 = arith.constant 0 : index
    %get3A_142 = arith.constant 0 : index
    %get3A_143 = vector.load %arg1[%get3A_138, %get3A_139, %get3A_140, %get3A_141, %get3A_142] : memref<1x4x4x3x3136xf32, #tpu.memory_space<vmem>>, vector<1x1x1x3x3136xf32>
    %get3A_144 = vector.shape_cast %get3A_143 : vector<1x1x1x3x3136xf32> to vector<3x3136xf32>
    %swap3A_145 = arith.constant 96 : index
    %swap3A_146 = arith.constant 128 : index
    %swap3A_147 = vector.load %arg12[%swap3A_145, %swap3A_146] : memref<128x3328xf32, #tpu.memory_space<vmem>>, vector<3x3136xf32>
    tpu.vector_store %arg12[%swap3A_145, %swap3A_146], %get3A_144 {strides = array<i32>} : memref<128x3328xf32, #tpu.memory_space<vmem>>, vector<3x3136xf32>,
    %get3A_148 = arith.constant 0 : index
    %get3A_149 = arith.constant 3 : index
    %get3A_150 = arith.constant 1 : index
    %get3A_151 = arith.constant 0 : index
    %get3A_152 = arith.constant 0 : index
    %get3A_153 = vector.load %arg1[%get3A_148, %get3A_149, %get3A_150, %get3A_151, %get3A_152] : memref<1x4x4x3x3136xf32, #tpu.memory_space<vmem>>, vector<1x1x1x3x3136xf32>
    %get3A_154 = vector.shape_cast %get3A_153 : vector<1x1x1x3x3136xf32> to vector<3x3136xf32>
    %swap3A_155 = arith.constant 104 : index
    %swap3A_156 = arith.constant 128 : index
    %swap3A_157 = vector.load %arg12[%swap3A_155, %swap3A_156] : memref<128x3328xf32, #tpu.memory_space<vmem>>, vector<3x3136xf32>
    tpu.vector_store %arg12[%swap3A_155, %swap3A_156], %get3A_154 {strides = array<i32>} : memref<128x3328xf32, #tpu.memory_space<vmem>>, vector<3x3136xf32>,
    %get3A_158 = arith.constant 0 : index
    %get3A_159 = arith.constant 3 : index
    %get3A_160 = arith.constant 2 : index
    %get3A_161 = arith.constant 0 : index
    %get3A_162 = arith.constant 0 : index
    %get3A_163 = vector.load %arg1[%get3A_158, %get3A_159, %get3A_160, %get3A_161, %get3A_162] : memref<1x4x4x3x3136xf32, #tpu.memory_space<vmem>>, vector<1x1x1x3x3136xf32>
    %get3A_164 = vector.shape_cast %get3A_163 : vector<1x1x1x3x3136xf32> to vector<3x3136xf32>
    %swap3A_165 = arith.constant 112 : index
    %swap3A_166 = arith.constant 128 : index
    %swap3A_167 = vector.load %arg12[%swap3A_165, %swap3A_166] : memref<128x3328xf32, #tpu.memory_space<vmem>>, vector<3x3136xf32>
    tpu.vector_store %arg12[%swap3A_165, %swap3A_166], %get3A_164 {strides = array<i32>} : memref<128x3328xf32, #tpu.memory_space<vmem>>, vector<3x3136xf32>,
    %get3A_168 = arith.constant 0 : index
    %get3A_169 = arith.constant 3 : index
    %get3A_170 = arith.constant 3 : index
    %get3A_171 = arith.constant 0 : index
    %get3A_172 = arith.constant 0 : index
    %get3A_173 = vector.load %arg1[%get3A_168, %get3A_169, %get3A_170, %get3A_171, %get3A_172] : memref<1x4x4x3x3136xf32, #tpu.memory_space<vmem>>, vector<1x1x1x3x3136xf32>
    %get3A_174 = vector.shape_cast %get3A_173 : vector<1x1x1x3x3136xf32> to vector<3x3136xf32>
    %swap3A_175 = arith.constant 120 : index
    %swap3A_176 = arith.constant 128 : index
    %swap3A_177 = vector.load %arg12[%swap3A_175, %swap3A_176] : memref<128x3328xf32, #tpu.memory_space<vmem>>, vector<3x3136xf32>
    tpu.vector_store %arg12[%swap3A_175, %swap3A_176], %get3A_174 {strides = array<i32>} : memref<128x3328xf32, #tpu.memory_space<vmem>>, vector<3x3136xf32>,
    %get3A_178 = arith.constant 0 : index
    %get3A_179 = arith.constant 0 : index
    %get3A_180 = vector.load %arg7[%get3A_178, %get3A_179] : memref<32x128xf32, #tpu.memory_space<vmem>>, vector<32x1xf32>
    %broadcast_in_dim3A = vector.shape_cast %get3A_180 : vector<32x1xf32> to vector<32x1xf32>
    %broadcast_in_dim3A_181 = vector.broadcast %broadcast_in_dim3A : vector<32x1xf32> to vector<32x3136xf32>
    %get3A_182 = arith.constant 0 : index
    %get3A_183 = arith.constant 0 : index
    %get3A_184 = vector.load %arg2[%get3A_182, %get3A_183] : memref<288x8xf32, #tpu.memory_space<vmem>>, vector<32x8xf32>
    %get3A_185 = arith.constant 120 : index
    %get3A_186 = arith.constant 0 : index
    %get3A_187 = vector.load %arg12[%get3A_185, %get3A_186] : memref<128x3328xf32, #tpu.memory_space<vmem>>, vector<8x3328xf32>
    %dot_general3A = arith.constant dense<0.000000e+00> : vector<32x3328xf32>
    %dot_general3A_188 = tpu.matmul %get3A_184, %get3A_187, %dot_general3A {dimension_numbers = #tpu.dot_dimension_numbers<[1], [0], [0], [1], [0, 0, 1, 1], [], []>, transpose_lhs_hint = false} : vector<32x8xf32>, vector<8x3328xf32>, vector<32x3328xf32> -> vector<32x3328xf32>
    %slice3A = vector.extract_strided_slice %dot_general3A_188 {offsets = [0, 71], sizes = [32, 3136], strides = [1, 1]} : vector<32x3328xf32> to vector<32x3136xf32>
    %jit3A_189 = arith.constant 0.000000e+00 : f32
    %broadcast_in_dim3A_190 = vector.shape_cast %ne3A_19 : vector<1x3136xi1> to vector<1x3136xi1>
    %broadcast_in_dim3A_191 = vector.broadcast %broadcast_in_dim3A_190 : vector<1x3136xi1> to vector<32x3136xi1>
    %broadcast_in_dim3A_192 = vector.broadcast %jit3A_189 : f32 to vector<32x3136xf32>
    %select_n3A_193 = arith.select %broadcast_in_dim3A_191, %slice3A, %broadcast_in_dim3A_192 : vector<32x3136xi1>, vector<32x3136xf32>
    %add3A_194 = arith.addf %broadcast_in_dim3A_181, %select_n3A_193 : vector<32x3136xf32>
    %get3A_195 = arith.constant 32 : index
    %get3A_196 = arith.constant 0 : index
    %get3A_197 = vector.load %arg2[%get3A_195, %get3A_196] : memref<288x8xf32, #tpu.memory_space<vmem>>, vector<32x8xf32>
    %get3A_198 = arith.constant 96 : index
    %get3A_199 = arith.constant 0 : index
    %get3A_200 = vector.load %arg12[%get3A_198, %get3A_199] : memref<128x3328xf32, #tpu.memory_space<vmem>>, vector<8x3328xf32>
    %dot_general3A_201 = arith.constant dense<0.000000e+00> : vector<32x3328xf32>
    %dot_general3A_202 = tpu.matmul %get3A_197, %get3A_200, %dot_general3A_201 {dimension_numbers = #tpu.dot_dimension_numbers<[1], [0], [0], [1], [0, 0, 1, 1], [], []>, transpose_lhs_hint = false} : vector<32x8xf32>, vector<8x3328xf32>, vector<32x3328xf32> -> vector<32x3328xf32>
    %slice3A_203 = vector.extract_strided_slice %dot_general3A_202 {offsets = [0, 72], sizes = [32, 3136], strides = [1, 1]} : vector<32x3328xf32> to vector<32x3136xf32>
    %add3A_204 = arith.addf %add3A_194, %slice3A_203 : vector<32x3136xf32>
    %get3A_205 = arith.constant 64 : index
    %get3A_206 = arith.constant 0 : index
    %get3A_207 = vector.load %arg2[%get3A_205, %get3A_206] : memref<288x8xf32, #tpu.memory_space<vmem>>, vector<32x8xf32>
    %get3A_208 = arith.constant 104 : index
    %get3A_209 = arith.constant 0 : index
    %get3A_210 = vector.load %arg12[%get3A_208, %get3A_209] : memref<128x3328xf32, #tpu.memory_space<vmem>>, vector<8x3328xf32>
    %dot_general3A_211 = arith.constant dense<0.000000e+00> : vector<32x3328xf32>
    %dot_general3A_212 = tpu.matmul %get3A_207, %get3A_210, %dot_general3A_211 {dimension_numbers = #tpu.dot_dimension_numbers<[1], [0], [0], [1], [0, 0, 1, 1], [], []>, transpose_lhs_hint = false} : vector<32x8xf32>, vector<8x3328xf32>, vector<32x3328xf32> -> vector<32x3328xf32>
    %slice3A_213 = vector.extract_strided_slice %dot_general3A_212 {offsets = [0, 72], sizes = [32, 3136], strides = [1, 1]} : vector<32x3328xf32> to vector<32x3136xf32>
    %add3A_214 = arith.addf %add3A_204, %slice3A_213 : vector<32x3136xf32>
    %get3A_215 = arith.constant 96 : index
    %get3A_216 = arith.constant 0 : index
    %get3A_217 = vector.load %arg2[%get3A_215, %get3A_216] : memref<288x8xf32, #tpu.memory_space<vmem>>, vector<32x8xf32>
    %get3A_218 = arith.constant 24 : index
    %get3A_219 = arith.constant 0 : index
    %get3A_220 = vector.load %arg12[%get3A_218, %get3A_219] : memref<128x3328xf32, #tpu.memory_space<vmem>>, vector<8x3328xf32>
    %dot_general3A_221 = arith.constant dense<0.000000e+00> : vector<32x3328xf32>
    %dot_general3A_222 = tpu.matmul %get3A_217, %get3A_220, %dot_general3A_221 {dimension_numbers = #tpu.dot_dimension_numbers<[1], [0], [0], [1], [0, 0, 1, 1], [], []>, transpose_lhs_hint = false} : vector<32x8xf32>, vector<8x3328xf32>, vector<32x3328xf32> -> vector<32x3328xf32>
    %slice3A_223 = vector.extract_strided_slice %dot_general3A_222 {offsets = [0, 127], sizes = [32, 3136], strides = [1, 1]} : vector<32x3328xf32> to vector<32x3136xf32>
    %jit3A_224 = arith.constant 0.000000e+00 : f32
    %broadcast_in_dim3A_225 = vector.shape_cast %ne3A_19 : vector<1x3136xi1> to vector<1x3136xi1>
    %broadcast_in_dim3A_226 = vector.broadcast %broadcast_in_dim3A_225 : vector<1x3136xi1> to vector<32x3136xi1>
    %broadcast_in_dim3A_227 = vector.broadcast %jit3A_224 : f32 to vector<32x3136xf32>
    %select_n3A_228 = arith.select %broadcast_in_dim3A_226, %slice3A_223, %broadcast_in_dim3A_227 : vector<32x3136xi1>, vector<32x3136xf32>
    %add3A_229 = arith.addf %add3A_214, %select_n3A_228 : vector<32x3136xf32>
    %get3A_230 = arith.constant 128 : index
    %get3A_231 = arith.constant 0 : index
    %get3A_232 = vector.load %arg2[%get3A_230, %get3A_231] : memref<288x8xf32, #tpu.memory_space<vmem>>, vector<32x8xf32>
    %get3A_233 = arith.constant 0 : index
    %get3A_234 = arith.constant 0 : index
    %get3A_235 = vector.load %arg12[%get3A_233, %get3A_234] : memref<128x3328xf32, #tpu.memory_space<vmem>>, vector<8x3328xf32>
    %dot_general3A_236 = arith.constant dense<0.000000e+00> : vector<32x3328xf32>
    %dot_general3A_237 = tpu.matmul %get3A_232, %get3A_235, %dot_general3A_236 {dimension_numbers = #tpu.dot_dimension_numbers<[1], [0], [0], [1], [0, 0, 1, 1], [], []>, transpose_lhs_hint = false} : vector<32x8xf32>, vector<8x3328xf32>, vector<32x3328xf32> -> vector<32x3328xf32>
    %slice3A_238 = vector.extract_strided_slice %dot_general3A_237 {offsets = [0, 128], sizes = [32, 3136], strides = [1, 1]} : vector<32x3328xf32> to vector<32x3136xf32>
    %add3A_239 = arith.addf %add3A_229, %slice3A_238 : vector<32x3136xf32>
    %get3A_240 = arith.constant 160 : index
    %get3A_241 = arith.constant 0 : index
    %get3A_242 = vector.load %arg2[%get3A_240, %get3A_241] : memref<288x8xf32, #tpu.memory_space<vmem>>, vector<32x8xf32>
    %get3A_243 = arith.constant 8 : index
    %get3A_244 = arith.constant 0 : index
    %get3A_245 = vector.load %arg12[%get3A_243, %get3A_244] : memref<128x3328xf32, #tpu.memory_space<vmem>>, vector<8x3328xf32>
    %dot_general3A_246 = arith.constant dense<0.000000e+00> : vector<32x3328xf32>
    %dot_general3A_247 = tpu.matmul %get3A_242, %get3A_245, %dot_general3A_246 {dimension_numbers = #tpu.dot_dimension_numbers<[1], [0], [0], [1], [0, 0, 1, 1], [], []>, transpose_lhs_hint = false} : vector<32x8xf32>, vector<8x3328xf32>, vector<32x3328xf32> -> vector<32x3328xf32>
    %slice3A_248 = vector.extract_strided_slice %dot_general3A_247 {offsets = [0, 128], sizes = [32, 3136], strides = [1, 1]} : vector<32x3328xf32> to vector<32x3136xf32>
    %add3A_249 = arith.addf %add3A_239, %slice3A_248 : vector<32x3136xf32>
    %get3A_250 = arith.constant 192 : index
    %get3A_251 = arith.constant 0 : index
    %get3A_252 = vector.load %arg2[%get3A_250, %get3A_251] : memref<288x8xf32, #tpu.memory_space<vmem>>, vector<32x8xf32>
    %get3A_253 = arith.constant 56 : index
    %get3A_254 = arith.constant 0 : index
    %get3A_255 = vector.load %arg12[%get3A_253, %get3A_254] : memref<128x3328xf32, #tpu.memory_space<vmem>>, vector<8x3328xf32>
    %dot_general3A_256 = arith.constant dense<0.000000e+00> : vector<32x3328xf32>
    %dot_general3A_257 = tpu.matmul %get3A_252, %get3A_255, %dot_general3A_256 {dimension_numbers = #tpu.dot_dimension_numbers<[1], [0], [0], [1], [0, 0, 1, 1], [], []>, transpose_lhs_hint = false} : vector<32x8xf32>, vector<8x3328xf32>, vector<32x3328xf32> -> vector<32x3328xf32>
    %slice3A_258 = vector.extract_strided_slice %dot_general3A_257 {offsets = [0, 127], sizes = [32, 3136], strides = [1, 1]} : vector<32x3328xf32> to vector<32x3136xf32>
    %jit3A_259 = arith.constant 0.000000e+00 : f32
    %broadcast_in_dim3A_260 = vector.shape_cast %ne3A_19 : vector<1x3136xi1> to vector<1x3136xi1>
    %broadcast_in_dim3A_261 = vector.broadcast %broadcast_in_dim3A_260 : vector<1x3136xi1> to vector<32x3136xi1>
    %broadcast_in_dim3A_262 = vector.broadcast %jit3A_259 : f32 to vector<32x3136xf32>
    %select_n3A_263 = arith.select %broadcast_in_dim3A_261, %slice3A_258, %broadcast_in_dim3A_262 : vector<32x3136xi1>, vector<32x3136xf32>
    %add3A_264 = arith.addf %add3A_249, %select_n3A_263 : vector<32x3136xf32>
    %get3A_265 = arith.constant 224 : index
    %get3A_266 = arith.constant 0 : index
    %get3A_267 = vector.load %arg2[%get3A_265, %get3A_266] : memref<288x8xf32, #tpu.memory_space<vmem>>, vector<32x8xf32>
    %get3A_268 = arith.constant 32 : index
    %get3A_269 = arith.constant 0 : index
    %get3A_270 = vector.load %arg12[%get3A_268, %get3A_269] : memref<128x3328xf32, #tpu.memory_space<vmem>>, vector<8x3328xf32>
    %dot_general3A_271 = arith.constant dense<0.000000e+00> : vector<32x3328xf32>
    %dot_general3A_272 = tpu.matmul %get3A_267, %get3A_270, %dot_general3A_271 {dimension_numbers = #tpu.dot_dimension_numbers<[1], [0], [0], [1], [0, 0, 1, 1], [], []>, transpose_lhs_hint = false} : vector<32x8xf32>, vector<8x3328xf32>, vector<32x3328xf32> -> vector<32x3328xf32>
    %slice3A_273 = vector.extract_strided_slice %dot_general3A_272 {offsets = [0, 128], sizes = [32, 3136], strides = [1, 1]} : vector<32x3328xf32> to vector<32x3136xf32>
    %add3A_274 = arith.addf %add3A_264, %slice3A_273 : vector<32x3136xf32>
    %get3A_275 = arith.constant 256 : index
    %get3A_276 = arith.constant 0 : index
    %get3A_277 = vector.load %arg2[%get3A_275, %get3A_276] : memref<288x8xf32, #tpu.memory_space<vmem>>, vector<32x8xf32>
    %get3A_278 = arith.constant 40 : index
    %get3A_279 = arith.constant 0 : index
    %get3A_280 = vector.load %arg12[%get3A_278, %get3A_279] : memref<128x3328xf32, #tpu.memory_space<vmem>>, vector<8x3328xf32>
    %dot_general3A_281 = arith.constant dense<0.000000e+00> : vector<32x3328xf32>
    %dot_general3A_282 = tpu.matmul %get3A_277, %get3A_280, %dot_general3A_281 {dimension_numbers = #tpu.dot_dimension_numbers<[1], [0], [0], [1], [0, 0, 1, 1], [], []>, transpose_lhs_hint = false} : vector<32x8xf32>, vector<8x3328xf32>, vector<32x3328xf32> -> vector<32x3328xf32>
    %slice3A_283 = vector.extract_strided_slice %dot_general3A_282 {offsets = [0, 128], sizes = [32, 3136], strides = [1, 1]} : vector<32x3328xf32> to vector<32x3136xf32>
    %add3A_284 = arith.addf %add3A_274, %slice3A_283 : vector<32x3136xf32>
    %max3A = arith.constant 0.000000e+00 : f32
    %max3A_285 = vector.broadcast %max3A : f32 to vector<32x3136xf32>
    %max3A_286 = arith.maximumf %add3A_284, %max3A_285 : vector<32x3136xf32>
    %convert_element_type3A_287 = arith.truncf %max3A_286 : vector<32x3136xf32> to vector<32x3136xbf16>
    %swap3A_288 = arith.constant 0 : index
    %swap3A_289 = arith.constant 128 : index
    %swap3A_290 = vector.load %arg13[%swap3A_288, %swap3A_289] : memref<128x3328xbf16, #tpu.memory_space<vmem>>, vector<32x3136xbf16>
    tpu.vector_store %arg13[%swap3A_288, %swap3A_289], %convert_element_type3A_287 {strides = array<i32>} : memref<128x3328xbf16, #tpu.memory_space<vmem>>, vector<32x3136xbf16>,
    %broadcast_in_dim3A_291 = vector.shape_cast %get3A_180 : vector<32x1xf32> to vector<32x1xf32>
    %broadcast_in_dim3A_292 = vector.broadcast %broadcast_in_dim3A_291 : vector<32x1xf32> to vector<32x3136xf32>
    %get3A_293 = arith.constant 0 : index
    %get3A_294 = arith.constant 0 : index
    %get3A_295 = vector.load %arg2[%get3A_293, %get3A_294] : memref<288x8xf32, #tpu.memory_space<vmem>>, vector<32x8xf32>
    %get3A_296 = arith.constant 104 : index
    %get3A_297 = arith.constant 0 : index
    %get3A_298 = vector.load %arg12[%get3A_296, %get3A_297] : memref<128x3328xf32, #tpu.memory_space<vmem>>, vector<8x3328xf32>
    %dot_general3A_299 = arith.constant dense<0.000000e+00> : vector<32x3328xf32>
    %dot_general3A_300 = tpu.matmul %get3A_295, %get3A_298, %dot_general3A_299 {dimension_numbers = #tpu.dot_dimension_numbers<[1], [0], [0], [1], [0, 0, 1, 1], [], []>, transpose_lhs_hint = false} : vector<32x8xf32>, vector<8x3328xf32>, vector<32x3328xf32> -> vector<32x3328xf32>
    %slice3A_301 = vector.extract_strided_slice %dot_general3A_300 {offsets = [0, 72], sizes = [32, 3136], strides = [1, 1]} : vector<32x3328xf32> to vector<32x3136xf32>
    %add3A_302 = arith.addf %broadcast_in_dim3A_292, %slice3A_301 : vector<32x3136xf32>
    %get3A_303 = arith.constant 32 : index
    %get3A_304 = arith.constant 0 : index
    %get3A_305 = vector.load %arg2[%get3A_303, %get3A_304] : memref<288x8xf32, #tpu.memory_space<vmem>>, vector<32x8xf32>
    %get3A_306 = arith.constant 112 : index
    %get3A_307 = arith.constant 0 : index
    %get3A_308 = vector.load %arg12[%get3A_306, %get3A_307] : memref<128x3328xf32, #tpu.memory_space<vmem>>, vector<8x3328xf32>
    %dot_general3A_309 = arith.constant dense<0.000000e+00> : vector<32x3328xf32>
    %dot_general3A_310 = tpu.matmul %get3A_305, %get3A_308, %dot_general3A_309 {dimension_numbers = #tpu.dot_dimension_numbers<[1], [0], [0], [1], [0, 0, 1, 1], [], []>, transpose_lhs_hint = false} : vector<32x8xf32>, vector<8x3328xf32>, vector<32x3328xf32> -> vector<32x3328xf32>
    %slice3A_311 = vector.extract_strided_slice %dot_general3A_310 {offsets = [0, 72], sizes = [32, 3136], strides = [1, 1]} : vector<32x3328xf32> to vector<32x3136xf32>
    %add3A_312 = arith.addf %add3A_302, %slice3A_311 : vector<32x3136xf32>
    %get3A_313 = arith.constant 64 : index
    %get3A_314 = arith.constant 0 : index
    %get3A_315 = vector.load %arg2[%get3A_313, %get3A_314] : memref<288x8xf32, #tpu.memory_space<vmem>>, vector<32x8xf32>
    %get3A_316 = arith.constant 120 : index
    %get3A_317 = arith.constant 0 : index
    %get3A_318 = vector.load %arg12[%get3A_316, %get3A_317] : memref<128x3328xf32, #tpu.memory_space<vmem>>, vector<8x3328xf32>
    %dot_general3A_319 = arith.constant dense<0.000000e+00> : vector<32x3328xf32>
    %dot_general3A_320 = tpu.matmul %get3A_315, %get3A_318, %dot_general3A_319 {dimension_numbers = #tpu.dot_dimension_numbers<[1], [0], [0], [1], [0, 0, 1, 1], [], []>, transpose_lhs_hint = false} : vector<32x8xf32>, vector<8x3328xf32>, vector<32x3328xf32> -> vector<32x3328xf32>
    %slice3A_321 = vector.extract_strided_slice %dot_general3A_320 {offsets = [0, 72], sizes = [32, 3136], strides = [1, 1]} : vector<32x3328xf32> to vector<32x3136xf32>
    %add3A_322 = arith.addf %add3A_312, %slice3A_321 : vector<32x3136xf32>
    %get3A_323 = arith.constant 96 : index
    %get3A_324 = arith.constant 0 : index
    %get3A_325 = vector.load %arg2[%get3A_323, %get3A_324] : memref<288x8xf32, #tpu.memory_space<vmem>>, vector<32x8xf32>
    %get3A_326 = arith.constant 8 : index
    %get3A_327 = arith.constant 0 : index
    %get3A_328 = vector.load %arg12[%get3A_326, %get3A_327] : memref<128x3328xf32, #tpu.memory_space<vmem>>, vector<8x3328xf32>
    %dot_general3A_329 = arith.constant dense<0.000000e+00> : vector<32x3328xf32>
    %dot_general3A_330 = tpu.matmul %get3A_325, %get3A_328, %dot_general3A_329 {dimension_numbers = #tpu.dot_dimension_numbers<[1], [0], [0], [1], [0, 0, 1, 1], [], []>, transpose_lhs_hint = false} : vector<32x8xf32>, vector<8x3328xf32>, vector<32x3328xf32> -> vector<32x3328xf32>
    %slice3A_331 = vector.extract_strided_slice %dot_general3A_330 {offsets = [0, 128], sizes = [32, 3136], strides = [1, 1]} : vector<32x3328xf32> to vector<32x3136xf32>
    %add3A_332 = arith.addf %add3A_322, %slice3A_331 : vector<32x3136xf32>
    %get3A_333 = arith.constant 128 : index
    %get3A_334 = arith.constant 0 : index
    %get3A_335 = vector.load %arg2[%get3A_333, %get3A_334] : memref<288x8xf32, #tpu.memory_space<vmem>>, vector<32x8xf32>
    %get3A_336 = arith.constant 16 : index
    %get3A_337 = arith.constant 0 : index
    %get3A_338 = vector.load %arg12[%get3A_336, %get3A_337] : memref<128x3328xf32, #tpu.memory_space<vmem>>, vector<8x3328xf32>
    %dot_general3A_339 = arith.constant dense<0.000000e+00> : vector<32x3328xf32>
    %dot_general3A_340 = tpu.matmul %get3A_335, %get3A_338, %dot_general3A_339 {dimension_numbers = #tpu.dot_dimension_numbers<[1], [0], [0], [1], [0, 0, 1, 1], [], []>, transpose_lhs_hint = false} : vector<32x8xf32>, vector<8x3328xf32>, vector<32x3328xf32> -> vector<32x3328xf32>
    %slice3A_341 = vector.extract_strided_slice %dot_general3A_340 {offsets = [0, 128], sizes = [32, 3136], strides = [1, 1]} : vector<32x3328xf32> to vector<32x3136xf32>
    %add3A_342 = arith.addf %add3A_332, %slice3A_341 : vector<32x3136xf32>
    %get3A_343 = arith.constant 160 : index
    %get3A_344 = arith.constant 0 : index
    %get3A_345 = vector.load %arg2[%get3A_343, %get3A_344] : memref<288x8xf32, #tpu.memory_space<vmem>>, vector<32x8xf32>
    %get3A_346 = arith.constant 24 : index
    %get3A_347 = arith.constant 0 : index
    %get3A_348 = vector.load %arg12[%get3A_346, %get3A_347] : memref<128x3328xf32, #tpu.memory_space<vmem>>, vector<8x3328xf32>
    %dot_general3A_349 = arith.constant dense<0.000000e+00> : vector<32x3328xf32>
    %dot_general3A_350 = tpu.matmul %get3A_345, %get3A_348, %dot_general3A_349 {dimension_numbers = #tpu.dot_dimension_numbers<[1], [0], [0], [1], [0, 0, 1, 1], [], []>, transpose_lhs_hint = false} : vector<32x8xf32>, vector<8x3328xf32>, vector<32x3328xf32> -> vector<32x3328xf32>
    %slice3A_351 = vector.extract_strided_slice %dot_general3A_350 {offsets = [0, 128], sizes = [32, 3136], strides = [1, 1]} : vector<32x3328xf32> to vector<32x3136xf32>
    %add3A_352 = arith.addf %add3A_342, %slice3A_351 : vector<32x3136xf32>
    %get3A_353 = arith.constant 192 : index
    %get3A_354 = arith.constant 0 : index
    %get3A_355 = vector.load %arg2[%get3A_353, %get3A_354] : memref<288x8xf32, #tpu.memory_space<vmem>>, vector<32x8xf32>
    %get3A_356 = arith.constant 40 : index
    %get3A_357 = arith.constant 0 : index
    %get3A_358 = vector.load %arg12[%get3A_356, %get3A_357] : memref<128x3328xf32, #tpu.memory_space<vmem>>, vector<8x3328xf32>
    %dot_general3A_359 = arith.constant dense<0.000000e+00> : vector<32x3328xf32>
    %dot_general3A_360 = tpu.matmul %get3A_355, %get3A_358, %dot_general3A_359 {dimension_numbers = #tpu.dot_dimension_numbers<[1], [0], [0], [1], [0, 0, 1, 1], [], []>, transpose_lhs_hint = false} : vector<32x8xf32>, vector<8x3328xf32>, vector<32x3328xf32> -> vector<32x3328xf32>
    %slice3A_361 = vector.extract_strided_slice %dot_general3A_360 {offsets = [0, 128], sizes = [32, 3136], strides = [1, 1]} : vector<32x3328xf32> to vector<32x3136xf32>
    %add3A_362 = arith.addf %add3A_352, %slice3A_361 : vector<32x3136xf32>
    %get3A_363 = arith.constant 224 : index
    %get3A_364 = arith.constant 0 : index
    %get3A_365 = vector.load %arg2[%get3A_363, %get3A_364] : memref<288x8xf32, #tpu.memory_space<vmem>>, vector<32x8xf32>
    %get3A_366 = arith.constant 48 : index
    %get3A_367 = arith.constant 0 : index
    %get3A_368 = vector.load %arg12[%get3A_366, %get3A_367] : memref<128x3328xf32, #tpu.memory_space<vmem>>, vector<8x3328xf32>
    %dot_general3A_369 = arith.constant dense<0.000000e+00> : vector<32x3328xf32>
    %dot_general3A_370 = tpu.matmul %get3A_365, %get3A_368, %dot_general3A_369 {dimension_numbers = #tpu.dot_dimension_numbers<[1], [0], [0], [1], [0, 0, 1, 1], [], []>, transpose_lhs_hint = false} : vector<32x8xf32>, vector<8x3328xf32>, vector<32x3328xf32> -> vector<32x3328xf32>
    %slice3A_371 = vector.extract_strided_slice %dot_general3A_370 {offsets = [0, 128], sizes = [32, 3136], strides = [1, 1]} : vector<32x3328xf32> to vector<32x3136xf32>
    %add3A_372 = arith.addf %add3A_362, %slice3A_371 : vector<32x3136xf32>
    %get3A_373 = arith.constant 256 : index
    %get3A_374 = arith.constant 0 : index
    %get3A_375 = vector.load %arg2[%get3A_373, %get3A_374] : memref<288x8xf32, #tpu.memory_space<vmem>>, vector<32x8xf32>
    %get3A_376 = arith.constant 56 : index
    %get3A_377 = arith.constant 0 : index
    %get3A_378 = vector.load %arg12[%get3A_376, %get3A_377] : memref<128x3328xf32, #tpu.memory_space<vmem>>, vector<8x3328xf32>
    %dot_general3A_379 = arith.constant dense<0.000000e+00> : vector<32x3328xf32>
    %dot_general3A_380 = tpu.matmul %get3A_375, %get3A_378, %dot_general3A_379 {dimension_numbers = #tpu.dot_dimension_numbers<[1], [0], [0], [1], [0, 0, 1, 1], [], []>, transpose_lhs_hint = false} : vector<32x8xf32>, vector<8x3328xf32>, vector<32x3328xf32> -> vector<32x3328xf32>
    %slice3A_381 = vector.extract_strided_slice %dot_general3A_380 {offsets = [0, 128], sizes = [32, 3136], strides = [1, 1]} : vector<32x3328xf32> to vector<32x3136xf32>
    %add3A_382 = arith.addf %add3A_372, %slice3A_381 : vector<32x3136xf32>
    %max3A_383 = arith.constant 0.000000e+00 : f32
    %max3A_384 = vector.broadcast %max3A_383 : f32 to vector<32x3136xf32>
    %max3A_385 = arith.maximumf %add3A_382, %max3A_384 : vector<32x3136xf32>
    %convert_element_type3A_386 = arith.truncf %max3A_385 : vector<32x3136xf32> to vector<32x3136xbf16>
    %swap3A_387 = arith.constant 32 : index
    %swap3A_388 = arith.constant 128 : index
    %swap3A_389 = vector.load %arg13[%swap3A_387, %swap3A_388] : memref<128x3328xbf16, #tpu.memory_space<vmem>>, vector<32x3136xbf16>
    tpu.vector_store %arg13[%swap3A_387, %swap3A_388], %convert_element_type3A_386 {strides = array<i32>} : memref<128x3328xbf16, #tpu.memory_space<vmem>>, vector<32x3136xbf16>,
    %broadcast_in_dim3A_390 = vector.shape_cast %get3A_180 : vector<32x1xf32> to vector<32x1xf32>
    %broadcast_in_dim3A_391 = vector.broadcast %broadcast_in_dim3A_390 : vector<32x1xf32> to vector<32x3136xf32>
    %get3A_392 = arith.constant 0 : index
    %get3A_393 = arith.constant 0 : index
    %get3A_394 = vector.load %arg2[%get3A_392, %get3A_393] : memref<288x8xf32, #tpu.memory_space<vmem>>, vector<32x8xf32>
    %get3A_395 = arith.constant 56 : index
    %get3A_396 = arith.constant 0 : index
    %get3A_397 = vector.load %arg12[%get3A_395, %get3A_396] : memref<128x3328xf32, #tpu.memory_space<vmem>>, vector<8x3328xf32>
    %dot_general3A_398 = arith.constant dense<0.000000e+00> : vector<32x3328xf32>
    %dot_general3A_399 = tpu.matmul %get3A_394, %get3A_397, %dot_general3A_398 {dimension_numbers = #tpu.dot_dimension_numbers<[1], [0], [0], [1], [0, 0, 1, 1], [], []>, transpose_lhs_hint = false} : vector<32x8xf32>, vector<8x3328xf32>, vector<32x3328xf32> -> vector<32x3328xf32>
    %slice3A_400 = vector.extract_strided_slice %dot_general3A_399 {offsets = [0, 127], sizes = [32, 3136], strides = [1, 1]} : vector<32x3328xf32> to vector<32x3136xf32>
    %jit3A_401 = arith.constant 0.000000e+00 : f32
    %broadcast_in_dim3A_402 = vector.shape_cast %ne3A_19 : vector<1x3136xi1> to vector<1x3136xi1>
    %broadcast_in_dim3A_403 = vector.broadcast %broadcast_in_dim3A_402 : vector<1x3136xi1> to vector<32x3136xi1>
    %broadcast_in_dim3A_404 = vector.broadcast %jit3A_401 : f32 to vector<32x3136xf32>
    %select_n3A_405 = arith.select %broadcast_in_dim3A_403, %slice3A_400, %broadcast_in_dim3A_404 : vector<32x3136xi1>, vector<32x3136xf32>
    %add3A_406 = arith.addf %broadcast_in_dim3A_391, %select_n3A_405 : vector<32x3136xf32>
    %get3A_407 = arith.constant 32 : index
    %get3A_408 = arith.constant 0 : index
    %get3A_409 = vector.load %arg2[%get3A_407, %get3A_408] : memref<288x8xf32, #tpu.memory_space<vmem>>, vector<32x8xf32>
    %get3A_410 = arith.constant 32 : index
    %get3A_411 = arith.constant 0 : index
    %get3A_412 = vector.load %arg12[%get3A_410, %get3A_411] : memref<128x3328xf32, #tpu.memory_space<vmem>>, vector<8x3328xf32>
    %dot_general3A_413 = arith.constant dense<0.000000e+00> : vector<32x3328xf32>
    %dot_general3A_414 = tpu.matmul %get3A_409, %get3A_412, %dot_general3A_413 {dimension_numbers = #tpu.dot_dimension_numbers<[1], [0], [0], [1], [0, 0, 1, 1], [], []>, transpose_lhs_hint = false} : vector<32x8xf32>, vector<8x3328xf32>, vector<32x3328xf32> -> vector<32x3328xf32>
    %slice3A_415 = vector.extract_strided_slice %dot_general3A_414 {offsets = [0, 128], sizes = [32, 3136], strides = [1, 1]} : vector<32x3328xf32> to vector<32x3136xf32>
    %add3A_416 = arith.addf %add3A_406, %slice3A_415 : vector<32x3136xf32>
    %get3A_417 = arith.constant 64 : index
    %get3A_418 = arith.constant 0 : index
    %get3A_419 = vector.load %arg2[%get3A_417, %get3A_418] : memref<288x8xf32, #tpu.memory_space<vmem>>, vector<32x8xf32>
    %get3A_420 = arith.constant 40 : index
    %get3A_421 = arith.constant 0 : index
    %get3A_422 = vector.load %arg12[%get3A_420, %get3A_421] : memref<128x3328xf32, #tpu.memory_space<vmem>>, vector<8x3328xf32>
    %dot_general3A_423 = arith.constant dense<0.000000e+00> : vector<32x3328xf32>
    %dot_general3A_424 = tpu.matmul %get3A_419, %get3A_422, %dot_general3A_423 {dimension_numbers = #tpu.dot_dimension_numbers<[1], [0], [0], [1], [0, 0, 1, 1], [], []>, transpose_lhs_hint = false} : vector<32x8xf32>, vector<8x3328xf32>, vector<32x3328xf32> -> vector<32x3328xf32>
    %slice3A_425 = vector.extract_strided_slice %dot_general3A_424 {offsets = [0, 128], sizes = [32, 3136], strides = [1, 1]} : vector<32x3328xf32> to vector<32x3136xf32>
    %add3A_426 = arith.addf %add3A_416, %slice3A_425 : vector<32x3136xf32>
    %get3A_427 = arith.constant 96 : index
    %get3A_428 = arith.constant 0 : index
    %get3A_429 = vector.load %arg2[%get3A_427, %get3A_428] : memref<288x8xf32, #tpu.memory_space<vmem>>, vector<32x8xf32>
    %get3A_430 = arith.constant 88 : index
    %get3A_431 = arith.constant 0 : index
    %get3A_432 = vector.load %arg12[%get3A_430, %get3A_431] : memref<128x3328xf32, #tpu.memory_space<vmem>>, vector<8x3328xf32>
    %dot_general3A_433 = arith.constant dense<0.000000e+00> : vector<32x3328xf32>
    %dot_general3A_434 = tpu.matmul %get3A_429, %get3A_432, %dot_general3A_433 {dimension_numbers = #tpu.dot_dimension_numbers<[1], [0], [0], [1], [0, 0, 1, 1], [], []>, transpose_lhs_hint = false} : vector<32x8xf32>, vector<8x3328xf32>, vector<32x3328xf32> -> vector<32x3328xf32>
    %slice3A_435 = vector.extract_strided_slice %dot_general3A_434 {offsets = [0, 127], sizes = [32, 3136], strides = [1, 1]} : vector<32x3328xf32> to vector<32x3136xf32>
    %jit3A_436 = arith.constant 0.000000e+00 : f32
    %broadcast_in_dim3A_437 = vector.shape_cast %ne3A_19 : vector<1x3136xi1> to vector<1x3136xi1>
    %broadcast_in_dim3A_438 = vector.broadcast %broadcast_in_dim3A_437 : vector<1x3136xi1> to vector<32x3136xi1>
    %broadcast_in_dim3A_439 = vector.broadcast %jit3A_436 : f32 to vector<32x3136xf32>
    %select_n3A_440 = arith.select %broadcast_in_dim3A_438, %slice3A_435, %broadcast_in_dim3A_439 : vector<32x3136xi1>, vector<32x3136xf32>
    %add3A_441 = arith.addf %add3A_426, %select_n3A_440 : vector<32x3136xf32>
    %get3A_442 = arith.constant 128 : index
    %get3A_443 = arith.constant 0 : index
    %get3A_444 = vector.load %arg2[%get3A_442, %get3A_443] : memref<288x8xf32, #tpu.memory_space<vmem>>, vector<32x8xf32>
    %get3A_445 = arith.constant 64 : index
    %get3A_446 = arith.constant 0 : index
    %get3A_447 = vector.load %arg12[%get3A_445, %get3A_446] : memref<128x3328xf32, #tpu.memory_space<vmem>>, vector<8x3328xf32>
    %dot_general3A_448 = arith.constant dense<0.000000e+00> : vector<32x3328xf32>
    %dot_general3A_449 = tpu.matmul %get3A_444, %get3A_447, %dot_general3A_448 {dimension_numbers = #tpu.dot_dimension_numbers<[1], [0], [0], [1], [0, 0, 1, 1], [], []>, transpose_lhs_hint = false} : vector<32x8xf32>, vector<8x3328xf32>, vector<32x3328xf32> -> vector<32x3328xf32>
    %slice3A_450 = vector.extract_strided_slice %dot_general3A_449 {offsets = [0, 128], sizes = [32, 3136], strides = [1, 1]} : vector<32x3328xf32> to vector<32x3136xf32>
    %add3A_451 = arith.addf %add3A_441, %slice3A_450 : vector<32x3136xf32>
    %get3A_452 = arith.constant 160 : index
    %get3A_453 = arith.constant 0 : index
    %get3A_454 = vector.load %arg2[%get3A_452, %get3A_453] : memref<288x8xf32, #tpu.memory_space<vmem>>, vector<32x8xf32>
    %get3A_455 = arith.constant 72 : index
    %get3A_456 = arith.constant 0 : index
    %get3A_457 = vector.load %arg12[%get3A_455, %get3A_456] : memref<128x3328xf32, #tpu.memory_space<vmem>>, vector<8x3328xf32>
    %dot_general3A_458 = arith.constant dense<0.000000e+00> : vector<32x3328xf32>
    %dot_general3A_459 = tpu.matmul %get3A_454, %get3A_457, %dot_general3A_458 {dimension_numbers = #tpu.dot_dimension_numbers<[1], [0], [0], [1], [0, 0, 1, 1], [], []>, transpose_lhs_hint = false} : vector<32x8xf32>, vector<8x3328xf32>, vector<32x3328xf32> -> vector<32x3328xf32>
    %slice3A_460 = vector.extract_strided_slice %dot_general3A_459 {offsets = [0, 128], sizes = [32, 3136], strides = [1, 1]} : vector<32x3328xf32> to vector<32x3136xf32>
    %add3A_461 = arith.addf %add3A_451, %slice3A_460 : vector<32x3136xf32>
    %get3A_462 = arith.constant 192 : index
    %get3A_463 = arith.constant 0 : index
    %get3A_464 = vector.load %arg2[%get3A_462, %get3A_463] : memref<288x8xf32, #tpu.memory_space<vmem>>, vector<32x8xf32>
    %get3A_465 = arith.constant 120 : index
    %get3A_466 = arith.constant 0 : index
    %get3A_467 = vector.load %arg12[%get3A_465, %get3A_466] : memref<128x3328xf32, #tpu.memory_space<vmem>>, vector<8x3328xf32>
    %dot_general3A_468 = arith.constant dense<0.000000e+00> : vector<32x3328xf32>
    %dot_general3A_469 = tpu.matmul %get3A_464, %get3A_467, %dot_general3A_468 {dimension_numbers = #tpu.dot_dimension_numbers<[1], [0], [0], [1], [0, 0, 1, 1], [], []>, transpose_lhs_hint = false} : vector<32x8xf32>, vector<8x3328xf32>, vector<32x3328xf32> -> vector<32x3328xf32>
    %slice3A_470 = vector.extract_strided_slice %dot_general3A_469 {offsets = [0, 127], sizes = [32, 3136], strides = [1, 1]} : vector<32x3328xf32> to vector<32x3136xf32>
    %jit3A_471 = arith.constant 0.000000e+00 : f32
    %broadcast_in_dim3A_472 = vector.shape_cast %ne3A_19 : vector<1x3136xi1> to vector<1x3136xi1>
    %broadcast_in_dim3A_473 = vector.broadcast %broadcast_in_dim3A_472 : vector<1x3136xi1> to vector<32x3136xi1>
    %broadcast_in_dim3A_474 = vector.broadcast %jit3A_471 : f32 to vector<32x3136xf32>
    %select_n3A_475 = arith.select %broadcast_in_dim3A_473, %slice3A_470, %broadcast_in_dim3A_474 : vector<32x3136xi1>, vector<32x3136xf32>
    %add3A_476 = arith.addf %add3A_461, %select_n3A_475 : vector<32x3136xf32>
    %get3A_477 = arith.constant 224 : index
    %get3A_478 = arith.constant 0 : index
    %get3A_479 = vector.load %arg2[%get3A_477, %get3A_478] : memref<288x8xf32, #tpu.memory_space<vmem>>, vector<32x8xf32>
    %get3A_480 = arith.constant 96 : index
    %get3A_481 = arith.constant 0 : index
    %get3A_482 = vector.load %arg12[%get3A_480, %get3A_481] : memref<128x3328xf32, #tpu.memory_space<vmem>>, vector<8x3328xf32>
    %dot_general3A_483 = arith.constant dense<0.000000e+00> : vector<32x3328xf32>
    %dot_general3A_484 = tpu.matmul %get3A_479, %get3A_482, %dot_general3A_483 {dimension_numbers = #tpu.dot_dimension_numbers<[1], [0], [0], [1], [0, 0, 1, 1], [], []>, transpose_lhs_hint = false} : vector<32x8xf32>, vector<8x3328xf32>, vector<32x3328xf32> -> vector<32x3328xf32>
    %slice3A_485 = vector.extract_strided_slice %dot_general3A_484 {offsets = [0, 128], sizes = [32, 3136], strides = [1, 1]} : vector<32x3328xf32> to vector<32x3136xf32>
    %add3A_486 = arith.addf %add3A_476, %slice3A_485 : vector<32x3136xf32>
    %get3A_487 = arith.constant 256 : index
    %get3A_488 = arith.constant 0 : index
    %get3A_489 = vector.load %arg2[%get3A_487, %get3A_488] : memref<288x8xf32, #tpu.memory_space<vmem>>, vector<32x8xf32>
    %get3A_490 = arith.constant 104 : index
    %get3A_491 = arith.constant 0 : index
    %get3A_492 = vector.load %arg12[%get3A_490, %get3A_491] : memref<128x3328xf32, #tpu.memory_space<vmem>>, vector<8x3328xf32>
    %dot_general3A_493 = arith.constant dense<0.000000e+00> : vector<32x3328xf32>
    %dot_general3A_494 = tpu.matmul %get3A_489, %get3A_492, %dot_general3A_493 {dimension_numbers = #tpu.dot_dimension_numbers<[1], [0], [0], [1], [0, 0, 1, 1], [], []>, transpose_lhs_hint = false} : vector<32x8xf32>, vector<8x3328xf32>, vector<32x3328xf32> -> vector<32x3328xf32>
    %slice3A_495 = vector.extract_strided_slice %dot_general3A_494 {offsets = [0, 128], sizes = [32, 3136], strides = [1, 1]} : vector<32x3328xf32> to vector<32x3136xf32>
    %add3A_496 = arith.addf %add3A_486, %slice3A_495 : vector<32x3136xf32>
    %max3A_497 = arith.constant 0.000000e+00 : f32
    %max3A_498 = vector.broadcast %max3A_497 : f32 to vector<32x3136xf32>
    %max3A_499 = arith.maximumf %add3A_496, %max3A_498 : vector<32x3136xf32>
    %convert_element_type3A_500 = arith.truncf %max3A_499 : vector<32x3136xf32> to vector<32x3136xbf16>
    %swap3A_501 = arith.constant 64 : index
    %swap3A_502 = arith.constant 128 : index
    %swap3A_503 = vector.load %arg13[%swap3A_501, %swap3A_502] : memref<128x3328xbf16, #tpu.memory_space<vmem>>, vector<32x3136xbf16>
    tpu.vector_store %arg13[%swap3A_501, %swap3A_502], %convert_element_type3A_500 {strides = array<i32>} : memref<128x3328xbf16, #tpu.memory_space<vmem>>, vector<32x3136xbf16>,
    %broadcast_in_dim3A_504 = vector.shape_cast %get3A_180 : vector<32x1xf32> to vector<32x1xf32>
    %broadcast_in_dim3A_505 = vector.broadcast %broadcast_in_dim3A_504 : vector<32x1xf32> to vector<32x3136xf32>
    %get3A_506 = arith.constant 0 : index
    %get3A_507 = arith.constant 0 : index
    %get3A_508 = vector.load %arg2[%get3A_506, %get3A_507] : memref<288x8xf32, #tpu.memory_space<vmem>>, vector<32x8xf32>
    %get3A_509 = arith.constant 40 : index
    %get3A_510 = arith.constant 0 : index
    %get3A_511 = vector.load %arg12[%get3A_509, %get3A_510] : memref<128x3328xf32, #tpu.memory_space<vmem>>, vector<8x3328xf32>
    %dot_general3A_512 = arith.constant dense<0.000000e+00> : vector<32x3328xf32>
    %dot_general3A_513 = tpu.matmul %get3A_508, %get3A_511, %dot_general3A_512 {dimension_numbers = #tpu.dot_dimension_numbers<[1], [0], [0], [1], [0, 0, 1, 1], [], []>, transpose_lhs_hint = false} : vector<32x8xf32>, vector<8x3328xf32>, vector<32x3328xf32> -> vector<32x3328xf32>
    %slice3A_514 = vector.extract_strided_slice %dot_general3A_513 {offsets = [0, 128], sizes = [32, 3136], strides = [1, 1]} : vector<32x3328xf32> to vector<32x3136xf32>
    %add3A_515 = arith.addf %broadcast_in_dim3A_505, %slice3A_514 : vector<32x3136xf32>
    %get3A_516 = arith.constant 32 : index
    %get3A_517 = arith.constant 0 : index
    %get3A_518 = vector.load %arg2[%get3A_516, %get3A_517] : memref<288x8xf32, #tpu.memory_space<vmem>>, vector<32x8xf32>
    %get3A_519 = arith.constant 48 : index
    %get3A_520 = arith.constant 0 : index
    %get3A_521 = vector.load %arg12[%get3A_519, %get3A_520] : memref<128x3328xf32, #tpu.memory_space<vmem>>, vector<8x3328xf32>
    %dot_general3A_522 = arith.constant dense<0.000000e+00> : vector<32x3328xf32>
    %dot_general3A_523 = tpu.matmul %get3A_518, %get3A_521, %dot_general3A_522 {dimension_numbers = #tpu.dot_dimension_numbers<[1], [0], [0], [1], [0, 0, 1, 1], [], []>, transpose_lhs_hint = false} : vector<32x8xf32>, vector<8x3328xf32>, vector<32x3328xf32> -> vector<32x3328xf32>
    %slice3A_524 = vector.extract_strided_slice %dot_general3A_523 {offsets = [0, 128], sizes = [32, 3136], strides = [1, 1]} : vector<32x3328xf32> to vector<32x3136xf32>
    %add3A_525 = arith.addf %add3A_515, %slice3A_524 : vector<32x3136xf32>
    %get3A_526 = arith.constant 64 : index
    %get3A_527 = arith.constant 0 : index
    %get3A_528 = vector.load %arg2[%get3A_526, %get3A_527] : memref<288x8xf32, #tpu.memory_space<vmem>>, vector<32x8xf32>
    %get3A_529 = arith.constant 56 : index
    %get3A_530 = arith.constant 0 : index
    %get3A_531 = vector.load %arg12[%get3A_529, %get3A_530] : memref<128x3328xf32, #tpu.memory_space<vmem>>, vector<8x3328xf32>
    %dot_general3A_532 = arith.constant dense<0.000000e+00> : vector<32x3328xf32>
    %dot_general3A_533 = tpu.matmul %get3A_528, %get3A_531, %dot_general3A_532 {dimension_numbers = #tpu.dot_dimension_numbers<[1], [0], [0], [1], [0, 0, 1, 1], [], []>, transpose_lhs_hint = false} : vector<32x8xf32>, vector<8x3328xf32>, vector<32x3328xf32> -> vector<32x3328xf32>
    %slice3A_534 = vector.extract_strided_slice %dot_general3A_533 {offsets = [0, 128], sizes = [32, 3136], strides = [1, 1]} : vector<32x3328xf32> to vector<32x3136xf32>
    %add3A_535 = arith.addf %add3A_525, %slice3A_534 : vector<32x3136xf32>
    %get3A_536 = arith.constant 96 : index
    %get3A_537 = arith.constant 0 : index
    %get3A_538 = vector.load %arg2[%get3A_536, %get3A_537] : memref<288x8xf32, #tpu.memory_space<vmem>>, vector<32x8xf32>
    %get3A_539 = arith.constant 72 : index
    %get3A_540 = arith.constant 0 : index
    %get3A_541 = vector.load %arg12[%get3A_539, %get3A_540] : memref<128x3328xf32, #tpu.memory_space<vmem>>, vector<8x3328xf32>
    %dot_general3A_542 = arith.constant dense<0.000000e+00> : vector<32x3328xf32>
    %dot_general3A_543 = tpu.matmul %get3A_538, %get3A_541, %dot_general3A_542 {dimension_numbers = #tpu.dot_dimension_numbers<[1], [0], [0], [1], [0, 0, 1, 1], [], []>, transpose_lhs_hint = false} : vector<32x8xf32>, vector<8x3328xf32>, vector<32x3328xf32> -> vector<32x3328xf32>
    %slice3A_544 = vector.extract_strided_slice %dot_general3A_543 {offsets = [0, 128], sizes = [32, 3136], strides = [1, 1]} : vector<32x3328xf32> to vector<32x3136xf32>
    %add3A_545 = arith.addf %add3A_535, %slice3A_544 : vector<32x3136xf32>
    %get3A_546 = arith.constant 128 : index
    %get3A_547 = arith.constant 0 : index
    %get3A_548 = vector.load %arg2[%get3A_546, %get3A_547] : memref<288x8xf32, #tpu.memory_space<vmem>>, vector<32x8xf32>
    %get3A_549 = arith.constant 80 : index
    %get3A_550 = arith.constant 0 : index
    %get3A_551 = vector.load %arg12[%get3A_549, %get3A_550] : memref<128x3328xf32, #tpu.memory_space<vmem>>, vector<8x3328xf32>
    %dot_general3A_552 = arith.constant dense<0.000000e+00> : vector<32x3328xf32>
    %dot_general3A_553 = tpu.matmul %get3A_548, %get3A_551, %dot_general3A_552 {dimension_numbers = #tpu.dot_dimension_numbers<[1], [0], [0], [1], [0, 0, 1, 1], [], []>, transpose_lhs_hint = false} : vector<32x8xf32>, vector<8x3328xf32>, vector<32x3328xf32> -> vector<32x3328xf32>
    %slice3A_554 = vector.extract_strided_slice %dot_general3A_553 {offsets = [0, 128], sizes = [32, 3136], strides = [1, 1]} : vector<32x3328xf32> to vector<32x3136xf32>
    %add3A_555 = arith.addf %add3A_545, %slice3A_554 : vector<32x3136xf32>
    %get3A_556 = arith.constant 160 : index
    %get3A_557 = arith.constant 0 : index
    %get3A_558 = vector.load %arg2[%get3A_556, %get3A_557] : memref<288x8xf32, #tpu.memory_space<vmem>>, vector<32x8xf32>
    %get3A_559 = arith.constant 88 : index
    %get3A_560 = arith.constant 0 : index
    %get3A_561 = vector.load %arg12[%get3A_559, %get3A_560] : memref<128x3328xf32, #tpu.memory_space<vmem>>, vector<8x3328xf32>
    %dot_general3A_562 = arith.constant dense<0.000000e+00> : vector<32x3328xf32>
    %dot_general3A_563 = tpu.matmul %get3A_558, %get3A_561, %dot_general3A_562 {dimension_numbers = #tpu.dot_dimension_numbers<[1], [0], [0], [1], [0, 0, 1, 1], [], []>, transpose_lhs_hint = false} : vector<32x8xf32>, vector<8x3328xf32>, vector<32x3328xf32> -> vector<32x3328xf32>
    %slice3A_564 = vector.extract_strided_slice %dot_general3A_563 {offsets = [0, 128], sizes = [32, 3136], strides = [1, 1]} : vector<32x3328xf32> to vector<32x3136xf32>
    %add3A_565 = arith.addf %add3A_555, %slice3A_564 : vector<32x3136xf32>
    %get3A_566 = arith.constant 192 : index
    %get3A_567 = arith.constant 0 : index
    %get3A_568 = vector.load %arg2[%get3A_566, %get3A_567] : memref<288x8xf32, #tpu.memory_space<vmem>>, vector<32x8xf32>
    %get3A_569 = arith.constant 104 : index
    %get3A_570 = arith.constant 0 : index
    %get3A_571 = vector.load %arg12[%get3A_569, %get3A_570] : memref<128x3328xf32, #tpu.memory_space<vmem>>, vector<8x3328xf32>
    %dot_general3A_572 = arith.constant dense<0.000000e+00> : vector<32x3328xf32>
    %dot_general3A_573 = tpu.matmul %get3A_568, %get3A_571, %dot_general3A_572 {dimension_numbers = #tpu.dot_dimension_numbers<[1], [0], [0], [1], [0, 0, 1, 1], [], []>, transpose_lhs_hint = false} : vector<32x8xf32>, vector<8x3328xf32>, vector<32x3328xf32> -> vector<32x3328xf32>
    %slice3A_574 = vector.extract_strided_slice %dot_general3A_573 {offsets = [0, 128], sizes = [32, 3136], strides = [1, 1]} : vector<32x3328xf32> to vector<32x3136xf32>
    %add3A_575 = arith.addf %add3A_565, %slice3A_574 : vector<32x3136xf32>
    %get3A_576 = arith.constant 224 : index
    %get3A_577 = arith.constant 0 : index
    %get3A_578 = vector.load %arg2[%get3A_576, %get3A_577] : memref<288x8xf32, #tpu.memory_space<vmem>>, vector<32x8xf32>
    %get3A_579 = arith.constant 112 : index
    %get3A_580 = arith.constant 0 : index
    %get3A_581 = vector.load %arg12[%get3A_579, %get3A_580] : memref<128x3328xf32, #tpu.memory_space<vmem>>, vector<8x3328xf32>
    %dot_general3A_582 = arith.constant dense<0.000000e+00> : vector<32x3328xf32>
    %dot_general3A_583 = tpu.matmul %get3A_578, %get3A_581, %dot_general3A_582 {dimension_numbers = #tpu.dot_dimension_numbers<[1], [0], [0], [1], [0, 0, 1, 1], [], []>, transpose_lhs_hint = false} : vector<32x8xf32>, vector<8x3328xf32>, vector<32x3328xf32> -> vector<32x3328xf32>
    %slice3A_584 = vector.extract_strided_slice %dot_general3A_583 {offsets = [0, 128], sizes = [32, 3136], strides = [1, 1]} : vector<32x3328xf32> to vector<32x3136xf32>
    %add3A_585 = arith.addf %add3A_575, %slice3A_584 : vector<32x3136xf32>
    %get3A_586 = arith.constant 256 : index
    %get3A_587 = arith.constant 0 : index
    %get3A_588 = vector.load %arg2[%get3A_586, %get3A_587] : memref<288x8xf32, #tpu.memory_space<vmem>>, vector<32x8xf32>
    %get3A_589 = arith.constant 120 : index
    %get3A_590 = arith.constant 0 : index
    %get3A_591 = vector.load %arg12[%get3A_589, %get3A_590] : memref<128x3328xf32, #tpu.memory_space<vmem>>, vector<8x3328xf32>
    %dot_general3A_592 = arith.constant dense<0.000000e+00> : vector<32x3328xf32>
    %dot_general3A_593 = tpu.matmul %get3A_588, %get3A_591, %dot_general3A_592 {dimension_numbers = #tpu.dot_dimension_numbers<[1], [0], [0], [1], [0, 0, 1, 1], [], []>, transpose_lhs_hint = false} : vector<32x8xf32>, vector<8x3328xf32>, vector<32x3328xf32> -> vector<32x3328xf32>
    %slice3A_594 = vector.extract_strided_slice %dot_general3A_593 {offsets = [0, 128], sizes = [32, 3136], strides = [1, 1]} : vector<32x3328xf32> to vector<32x3136xf32>
    %add3A_595 = arith.addf %add3A_585, %slice3A_594 : vector<32x3136xf32>
    %max3A_596 = arith.constant 0.000000e+00 : f32
    %max3A_597 = vector.broadcast %max3A_596 : f32 to vector<32x3136xf32>
    %max3A_598 = arith.maximumf %add3A_595, %max3A_597 : vector<32x3136xf32>
    %convert_element_type3A_599 = arith.truncf %max3A_598 : vector<32x3136xf32> to vector<32x3136xbf16>
    %swap3A_600 = arith.constant 96 : index
    %swap3A_601 = arith.constant 128 : index
    %swap3A_602 = vector.load %arg13[%swap3A_600, %swap3A_601] : memref<128x3328xbf16, #tpu.memory_space<vmem>>, vector<32x3136xbf16>
    tpu.vector_store %arg13[%swap3A_600, %swap3A_601], %convert_element_type3A_599 {strides = array<i32>} : memref<128x3328xbf16, #tpu.memory_space<vmem>>, vector<32x3136xbf16>,
    %get3A_603 = arith.constant 0 : index
    %get3A_604 = arith.constant 0 : index
    %get3A_605 = vector.load %arg8[%get3A_603, %get3A_604] : memref<64x128xf32, #tpu.memory_space<vmem>>, vector<64x1xf32>
    %broadcast_in_dim3A_606 = vector.shape_cast %get3A_605 : vector<64x1xf32> to vector<64x1xf32>
    %broadcast_in_dim3A_607 = vector.broadcast %broadcast_in_dim3A_606 : vector<64x1xf32> to vector<64x3136xf32>
    %get3A_608 = arith.constant 0 : index
    %get3A_609 = arith.constant 0 : index
    %get3A_610 = vector.load %arg3[%get3A_608, %get3A_609] : memref<576x32xbf16, #tpu.memory_space<vmem>>, vector<64x32xbf16>
    %get3A_611 = arith.constant 96 : index
    %get3A_612 = arith.constant 0 : index
    %get3A_613 = vector.load %arg13[%get3A_611, %get3A_612] : memref<128x3328xbf16, #tpu.memory_space<vmem>>, vector<32x3328xbf16>
    %dot_general3A_614 = arith.constant dense<0.000000e+00> : vector<64x3328xf32>
    %dot_general3A_615 = tpu.matmul %get3A_610, %get3A_613, %dot_general3A_614 {dimension_numbers = #tpu.dot_dimension_numbers<[1], [0], [0], [1], [0, 0, 1, 1], [], []>, transpose_lhs_hint = false} : vector<64x32xbf16>, vector<32x3328xbf16>, vector<64x3328xf32> -> vector<64x3328xf32>
    %slice3A_616 = vector.extract_strided_slice %dot_general3A_615 {offsets = [0, 71], sizes = [64, 3136], strides = [1, 1]} : vector<64x3328xf32> to vector<64x3136xf32>
    %jit3A_617 = arith.constant 0.000000e+00 : f32
    %broadcast_in_dim3A_618 = vector.shape_cast %ne3A_19 : vector<1x3136xi1> to vector<1x3136xi1>
    %broadcast_in_dim3A_619 = vector.broadcast %broadcast_in_dim3A_618 : vector<1x3136xi1> to vector<64x3136xi1>
    %broadcast_in_dim3A_620 = vector.broadcast %jit3A_617 : f32 to vector<64x3136xf32>
    %select_n3A_621 = arith.select %broadcast_in_dim3A_619, %slice3A_616, %broadcast_in_dim3A_620 : vector<64x3136xi1>, vector<64x3136xf32>
    %add3A_622 = arith.addf %broadcast_in_dim3A_607, %select_n3A_621 : vector<64x3136xf32>
    %get3A_623 = arith.constant 64 : index
    %get3A_624 = arith.constant 0 : index
    %get3A_625 = vector.load %arg3[%get3A_623, %get3A_624] : memref<576x32xbf16, #tpu.memory_space<vmem>>, vector<64x32xbf16>
    %get3A_626 = arith.constant 64 : index
    %get3A_627 = arith.constant 0 : index
    %get3A_628 = vector.load %arg13[%get3A_626, %get3A_627] : memref<128x3328xbf16, #tpu.memory_space<vmem>>, vector<32x3328xbf16>
    %dot_general3A_629 = arith.constant dense<0.000000e+00> : vector<64x3328xf32>
    %dot_general3A_630 = tpu.matmul %get3A_625, %get3A_628, %dot_general3A_629 {dimension_numbers = #tpu.dot_dimension_numbers<[1], [0], [0], [1], [0, 0, 1, 1], [], []>, transpose_lhs_hint = false} : vector<64x32xbf16>, vector<32x3328xbf16>, vector<64x3328xf32> -> vector<64x3328xf32>
    %slice3A_631 = vector.extract_strided_slice %dot_general3A_630 {offsets = [0, 72], sizes = [64, 3136], strides = [1, 1]} : vector<64x3328xf32> to vector<64x3136xf32>
    %add3A_632 = arith.addf %add3A_622, %slice3A_631 : vector<64x3136xf32>
    %get3A_633 = arith.constant 128 : index
    %get3A_634 = arith.constant 0 : index
    %get3A_635 = vector.load %arg3[%get3A_633, %get3A_634] : memref<576x32xbf16, #tpu.memory_space<vmem>>, vector<64x32xbf16>
    %get3A_636 = arith.constant 96 : index
    %get3A_637 = arith.constant 0 : index
    %get3A_638 = vector.load %arg13[%get3A_636, %get3A_637] : memref<128x3328xbf16, #tpu.memory_space<vmem>>, vector<32x3328xbf16>
    %dot_general3A_639 = arith.constant dense<0.000000e+00> : vector<64x3328xf32>
    %dot_general3A_640 = tpu.matmul %get3A_635, %get3A_638, %dot_general3A_639 {dimension_numbers = #tpu.dot_dimension_numbers<[1], [0], [0], [1], [0, 0, 1, 1], [], []>, transpose_lhs_hint = false} : vector<64x32xbf16>, vector<32x3328xbf16>, vector<64x3328xf32> -> vector<64x3328xf32>
    %slice3A_641 = vector.extract_strided_slice %dot_general3A_640 {offsets = [0, 72], sizes = [64, 3136], strides = [1, 1]} : vector<64x3328xf32> to vector<64x3136xf32>
    %add3A_642 = arith.addf %add3A_632, %slice3A_641 : vector<64x3136xf32>
    %get3A_643 = arith.constant 192 : index
    %get3A_644 = arith.constant 0 : index
    %get3A_645 = vector.load %arg3[%get3A_643, %get3A_644] : memref<576x32xbf16, #tpu.memory_space<vmem>>, vector<64x32xbf16>
    %get3A_646 = arith.constant 32 : index
    %get3A_647 = arith.constant 0 : index
    %get3A_648 = vector.load %arg13[%get3A_646, %get3A_647] : memref<128x3328xbf16, #tpu.memory_space<vmem>>, vector<32x3328xbf16>
    %dot_general3A_649 = arith.constant dense<0.000000e+00> : vector<64x3328xf32>
    %dot_general3A_650 = tpu.matmul %get3A_645, %get3A_648, %dot_general3A_649 {dimension_numbers = #tpu.dot_dimension_numbers<[1], [0], [0], [1], [0, 0, 1, 1], [], []>, transpose_lhs_hint = false} : vector<64x32xbf16>, vector<32x3328xbf16>, vector<64x3328xf32> -> vector<64x3328xf32>
    %slice3A_651 = vector.extract_strided_slice %dot_general3A_650 {offsets = [0, 127], sizes = [64, 3136], strides = [1, 1]} : vector<64x3328xf32> to vector<64x3136xf32>
    %jit3A_652 = arith.constant 0.000000e+00 : f32
    %broadcast_in_dim3A_653 = vector.shape_cast %ne3A_19 : vector<1x3136xi1> to vector<1x3136xi1>
    %broadcast_in_dim3A_654 = vector.broadcast %broadcast_in_dim3A_653 : vector<1x3136xi1> to vector<64x3136xi1>
    %broadcast_in_dim3A_655 = vector.broadcast %jit3A_652 : f32 to vector<64x3136xf32>
    %select_n3A_656 = arith.select %broadcast_in_dim3A_654, %slice3A_651, %broadcast_in_dim3A_655 : vector<64x3136xi1>, vector<64x3136xf32>
    %add3A_657 = arith.addf %add3A_642, %select_n3A_656 : vector<64x3136xf32>
    %get3A_658 = arith.constant 256 : index
    %get3A_659 = arith.constant 0 : index
    %get3A_660 = vector.load %arg3[%get3A_658, %get3A_659] : memref<576x32xbf16, #tpu.memory_space<vmem>>, vector<64x32xbf16>
    %get3A_661 = arith.constant 0 : index
    %get3A_662 = arith.constant 0 : index
    %get3A_663 = vector.load %arg13[%get3A_661, %get3A_662] : memref<128x3328xbf16, #tpu.memory_space<vmem>>, vector<32x3328xbf16>
    %dot_general3A_664 = arith.constant dense<0.000000e+00> : vector<64x3328xf32>
    %dot_general3A_665 = tpu.matmul %get3A_660, %get3A_663, %dot_general3A_664 {dimension_numbers = #tpu.dot_dimension_numbers<[1], [0], [0], [1], [0, 0, 1, 1], [], []>, transpose_lhs_hint = false} : vector<64x32xbf16>, vector<32x3328xbf16>, vector<64x3328xf32> -> vector<64x3328xf32>
    %slice3A_666 = vector.extract_strided_slice %dot_general3A_665 {offsets = [0, 128], sizes = [64, 3136], strides = [1, 1]} : vector<64x3328xf32> to vector<64x3136xf32>
    %add3A_667 = arith.addf %add3A_657, %slice3A_666 : vector<64x3136xf32>
    %get3A_668 = arith.constant 320 : index
    %get3A_669 = arith.constant 0 : index
    %get3A_670 = vector.load %arg3[%get3A_668, %get3A_669] : memref<576x32xbf16, #tpu.memory_space<vmem>>, vector<64x32xbf16>
    %get3A_671 = arith.constant 32 : index
    %get3A_672 = arith.constant 0 : index
    %get3A_673 = vector.load %arg13[%get3A_671, %get3A_672] : memref<128x3328xbf16, #tpu.memory_space<vmem>>, vector<32x3328xbf16>
    %dot_general3A_674 = arith.constant dense<0.000000e+00> : vector<64x3328xf32>
    %dot_general3A_675 = tpu.matmul %get3A_670, %get3A_673, %dot_general3A_674 {dimension_numbers = #tpu.dot_dimension_numbers<[1], [0], [0], [1], [0, 0, 1, 1], [], []>, transpose_lhs_hint = false} : vector<64x32xbf16>, vector<32x3328xbf16>, vector<64x3328xf32> -> vector<64x3328xf32>
    %slice3A_676 = vector.extract_strided_slice %dot_general3A_675 {offsets = [0, 128], sizes = [64, 3136], strides = [1, 1]} : vector<64x3328xf32> to vector<64x3136xf32>
    %add3A_677 = arith.addf %add3A_667, %slice3A_676 : vector<64x3136xf32>
    %get3A_678 = arith.constant 384 : index
    %get3A_679 = arith.constant 0 : index
    %get3A_680 = vector.load %arg3[%get3A_678, %get3A_679] : memref<576x32xbf16, #tpu.memory_space<vmem>>, vector<64x32xbf16>
    %get3A_681 = arith.constant 96 : index
    %get3A_682 = arith.constant 0 : index
    %get3A_683 = vector.load %arg13[%get3A_681, %get3A_682] : memref<128x3328xbf16, #tpu.memory_space<vmem>>, vector<32x3328xbf16>
    %dot_general3A_684 = arith.constant dense<0.000000e+00> : vector<64x3328xf32>
    %dot_general3A_685 = tpu.matmul %get3A_680, %get3A_683, %dot_general3A_684 {dimension_numbers = #tpu.dot_dimension_numbers<[1], [0], [0], [1], [0, 0, 1, 1], [], []>, transpose_lhs_hint = false} : vector<64x32xbf16>, vector<32x3328xbf16>, vector<64x3328xf32> -> vector<64x3328xf32>
    %slice3A_686 = vector.extract_strided_slice %dot_general3A_685 {offsets = [0, 127], sizes = [64, 3136], strides = [1, 1]} : vector<64x3328xf32> to vector<64x3136xf32>
    %jit3A_687 = arith.constant 0.000000e+00 : f32
    %broadcast_in_dim3A_688 = vector.shape_cast %ne3A_19 : vector<1x3136xi1> to vector<1x3136xi1>
    %broadcast_in_dim3A_689 = vector.broadcast %broadcast_in_dim3A_688 : vector<1x3136xi1> to vector<64x3136xi1>
    %broadcast_in_dim3A_690 = vector.broadcast %jit3A_687 : f32 to vector<64x3136xf32>
    %select_n3A_691 = arith.select %broadcast_in_dim3A_689, %slice3A_686, %broadcast_in_dim3A_690 : vector<64x3136xi1>, vector<64x3136xf32>
    %add3A_692 = arith.addf %add3A_677, %select_n3A_691 : vector<64x3136xf32>
    %get3A_693 = arith.constant 448 : index
    %get3A_694 = arith.constant 0 : index
    %get3A_695 = vector.load %arg3[%get3A_693, %get3A_694] : memref<576x32xbf16, #tpu.memory_space<vmem>>, vector<64x32xbf16>
    %get3A_696 = arith.constant 64 : index
    %get3A_697 = arith.constant 0 : index
    %get3A_698 = vector.load %arg13[%get3A_696, %get3A_697] : memref<128x3328xbf16, #tpu.memory_space<vmem>>, vector<32x3328xbf16>
    %dot_general3A_699 = arith.constant dense<0.000000e+00> : vector<64x3328xf32>
    %dot_general3A_700 = tpu.matmul %get3A_695, %get3A_698, %dot_general3A_699 {dimension_numbers = #tpu.dot_dimension_numbers<[1], [0], [0], [1], [0, 0, 1, 1], [], []>, transpose_lhs_hint = false} : vector<64x32xbf16>, vector<32x3328xbf16>, vector<64x3328xf32> -> vector<64x3328xf32>
    %slice3A_701 = vector.extract_strided_slice %dot_general3A_700 {offsets = [0, 128], sizes = [64, 3136], strides = [1, 1]} : vector<64x3328xf32> to vector<64x3136xf32>
    %add3A_702 = arith.addf %add3A_692, %slice3A_701 : vector<64x3136xf32>
    %get3A_703 = arith.constant 512 : index
    %get3A_704 = arith.constant 0 : index
    %get3A_705 = vector.load %arg3[%get3A_703, %get3A_704] : memref<576x32xbf16, #tpu.memory_space<vmem>>, vector<64x32xbf16>
    %get3A_706 = arith.constant 96 : index
    %get3A_707 = arith.constant 0 : index
    %get3A_708 = vector.load %arg13[%get3A_706, %get3A_707] : memref<128x3328xbf16, #tpu.memory_space<vmem>>, vector<32x3328xbf16>
    %dot_general3A_709 = arith.constant dense<0.000000e+00> : vector<64x3328xf32>
    %dot_general3A_710 = tpu.matmul %get3A_705, %get3A_708, %dot_general3A_709 {dimension_numbers = #tpu.dot_dimension_numbers<[1], [0], [0], [1], [0, 0, 1, 1], [], []>, transpose_lhs_hint = false} : vector<64x32xbf16>, vector<32x3328xbf16>, vector<64x3328xf32> -> vector<64x3328xf32>
    %slice3A_711 = vector.extract_strided_slice %dot_general3A_710 {offsets = [0, 128], sizes = [64, 3136], strides = [1, 1]} : vector<64x3328xf32> to vector<64x3136xf32>
    %add3A_712 = arith.addf %add3A_702, %slice3A_711 : vector<64x3136xf32>
    %max3A_713 = arith.constant 0.000000e+00 : f32
    %max3A_714 = vector.broadcast %max3A_713 : f32 to vector<64x3136xf32>
    %max3A_715 = arith.maximumf %add3A_712, %max3A_714 : vector<64x3136xf32>
    %get3A_716 = arith.constant 0 : index
    %get3A_717 = arith.constant 0 : index
    %get3A_718 = vector.load %arg4[%get3A_716, %get3A_717] : memref<64x64xbf16, #tpu.memory_space<vmem>>, vector<64x64xbf16>
    %convert_element_type3A_719 = arith.truncf %max3A_715 : vector<64x3136xf32> to vector<64x3136xbf16>
    %dot_general3A_720 = arith.constant dense<0.000000e+00> : vector<64x3136xf32>
    %dot_general3A_721 = tpu.matmul %get3A_718, %convert_element_type3A_719, %dot_general3A_720 {dimension_numbers = #tpu.dot_dimension_numbers<[1], [0], [0], [1], [0, 0, 1, 1], [], []>, transpose_lhs_hint = false} : vector<64x64xbf16>, vector<64x3136xbf16>, vector<64x3136xf32> -> vector<64x3136xf32>
    %get3A_722 = arith.constant 0 : index
    %get3A_723 = arith.constant 0 : index
    %get3A_724 = vector.load %arg9[%get3A_722, %get3A_723] : memref<64x128xf32, #tpu.memory_space<vmem>>, vector<64x1xf32>
    %add3A_725 = vector.broadcast %get3A_724 : vector<64x1xf32> to vector<64x3136xf32>
    %add3A_726 = arith.addf %dot_general3A_721, %add3A_725 : vector<64x3136xf32>
    %get3A_727 = arith.constant 0 : index
    %get3A_728 = arith.constant 0 : index
    %get3A_729 = vector.load %arg5[%get3A_727, %get3A_728] : memref<512x64xbf16, #tpu.memory_space<vmem>>, vector<512x64xbf16>
    %convert_element_type3A_730 = arith.truncf %add3A_726 : vector<64x3136xf32> to vector<64x3136xbf16>
    %dot_general3A_731 = arith.constant dense<0.000000e+00> : vector<512x3136xf32>
    %dot_general3A_732 = tpu.matmul %get3A_729, %convert_element_type3A_730, %dot_general3A_731 {dimension_numbers = #tpu.dot_dimension_numbers<[1], [0], [0], [1], [0, 0, 1, 1], [], []>, transpose_lhs_hint = false} : vector<512x64xbf16>, vector<64x3136xbf16>, vector<512x3136xf32> -> vector<512x3136xf32>
    %get3A_733 = arith.constant 0 : index
    %get3A_734 = arith.constant 0 : index
    %get3A_735 = vector.load %arg6[%get3A_733, %get3A_734] : memref<512x128xf32, #tpu.memory_space<vmem>>, vector<512x1xf32>
    %mul3A = arith.constant 2.000000e+00 : f32
    %mul3A_736 = vector.broadcast %mul3A : f32 to vector<512x3136xf32>
    %mul3A_737 = arith.mulf %mul3A_736, %dot_general3A_732 : vector<512x3136xf32>
    %sub3A = vector.broadcast %get3A_735 : vector<512x1xf32> to vector<512x3136xf32>
    %sub3A_738 = arith.subf %sub3A, %mul3A_737 : vector<512x3136xf32>
    %reduce_min3A = arith.constant dense<0x7F800000> : vector<3136xf32>
    %reduce_min3A_739 = vector.multi_reduction <minimumf>, %sub3A_738, %reduce_min3A [0] : vector<512x3136xf32> to vector<3136xf32>
    %iota3A_740 = tpu.iota {dimensions = array<i32: 0>} : vector<512x3136xi32>
    %broadcast_in_dim3A_741 = vector.shape_cast %reduce_min3A_739 : vector<3136xf32> to vector<1x3136xf32>
    %le3A = vector.broadcast %broadcast_in_dim3A_741 : vector<1x3136xf32> to vector<512x3136xf32>
    %le3A_742 = arith.cmpf ole, %sub3A_738, %le3A : vector<512x3136xf32>
    %jit3A_743 = arith.constant 512 : i32
    %broadcast_in_dim3A_744 = vector.broadcast %jit3A_743 : i32 to vector<512x3136xi32>
    %select_n3A_745 = arith.select %le3A_742, %iota3A_740, %broadcast_in_dim3A_744 : vector<512x3136xi1>, vector<512x3136xi32>
    %reduce_min3A_746 = arith.constant dense<2147483647> : vector<3136xi32>
    %reduce_min3A_747 = vector.multi_reduction <minsi>, %select_n3A_745, %reduce_min3A_746 [0] : vector<512x3136xi32> to vector<3136xi32>
    %swap3A_748 = arith.constant 0 : index
    %swap3A_749 = arith.constant 0 : index
    %swap3A_750 = arith.constant 0 : index
    %swap3A_751 = vector.load %arg10[%swap3A_748, %swap3A_749, %swap3A_750] : memref<1x1x3136xi32, #tpu.memory_space<vmem>>, vector<1x1x3136xi32>
    %swap3A_752 = vector.shape_cast %swap3A_751 : vector<1x1x3136xi32> to vector<3136xi32>
    %swap3A_753 = vector.shape_cast %reduce_min3A_747 : vector<3136xi32> to vector<1x1x3136xi32>
    tpu.vector_store %arg10[%swap3A_748, %swap3A_749, %swap3A_750], %swap3A_753 {strides = array<i32>} : memref<1x1x3136xi32, #tpu.memory_space<vmem>>, vector<1x1x3136xi32>,
    %reduce_sum3A = vector.shape_cast %reduce_min3A_739 : vector<3136xf32> to vector<1x3136xf32>
    %reduce_sum3A_754 = arith.constant dense<0.000000e+00> : vector<1xf32>
    %reduce_sum3A_755 = vector.multi_reduction <add>, %reduce_sum3A, %reduce_sum3A_754 [1] : vector<1x3136xf32> to vector<1xf32>
    %reduce_sum3A_756 = vector.shape_cast %reduce_sum3A_755 : vector<1xf32> to vector<1x1xf32>
    %reduce_sum3A_757 = vector.extract %reduce_sum3A_756[0, 0] : f32 from vector<1x1xf32>
    %mul3A_758 = arith.mulf %add3A_726, %add3A_726 : vector<64x3136xf32>
    %reduce_sum3A_759 = vector.shape_cast %mul3A_758 : vector<64x3136xf32> to vector<1x64x3136xf32>
    %reduce_sum3A_760 = arith.constant dense<0.000000e+00> : vector<1xf32>
    %reduce_sum3A_761 = vector.multi_reduction <add>, %reduce_sum3A_759, %reduce_sum3A_760 [1, 2] : vector<1x64x3136xf32> to vector<1xf32>
    %reduce_sum3A_762 = vector.shape_cast %reduce_sum3A_761 : vector<1xf32> to vector<1x1x1xf32>
    %reduce_sum3A_763 = vector.extract %reduce_sum3A_762[0, 0, 0] : f32 from vector<1x1x1xf32>
    %add3A_764 = arith.addf %reduce_sum3A_757, %reduce_sum3A_763 : f32
    %get3A_765 = arith.constant 0 : index
    %get3A_766 = arith.constant 0 : index
    %get3A_767 = vector.load %arg11[%get3A_765, %get3A_766] : memref<8x128xf32, #tpu.memory_space<vmem>>, vector<8x128xf32>
    %add3A_768 = vector.broadcast %add3A_764 : f32 to vector<8x128xf32>
    %add3A_769 = arith.addf %get3A_767, %add3A_768 : vector<8x128xf32>
    %swap3A_770 = arith.constant 0 : index
    %swap3A_771 = arith.constant 0 : index
    %swap3A_772 = vector.load %arg11[%swap3A_770, %swap3A_771] : memref<8x128xf32, #tpu.memory_space<vmem>>, vector<8x128xf32>
    tpu.vector_store %arg11[%swap3A_770, %swap3A_771], %add3A_769 {strides = array<i32>} : memref<8x128xf32, #tpu.memory_space<vmem>>, vector<8x128xf32>,
    return
  }
  func.func @transform_0(%arg0: i32) -> (i32, i32, i32, i32, i32) {
    %c0_i32 = arith.constant 0 : i32
    %c0_i32_0 = arith.constant 0 : i32
    %c0_i32_1 = arith.constant 0 : i32
    %c0_i32_2 = arith.constant 0 : i32
    %c0_i32_3 = arith.constant 0 : i32
    return %arg0, %c0_i32, %c0_i32_0, %c0_i32_1, %c0_i32_2 : i32, i32, i32, i32, i32
  }
  func.func @transform_1(%arg0: i32) -> (i32, i32) {
    %c0_i32 = arith.constant 0 : i32
    %c0_i32_0 = arith.constant 0 : i32
    %c0_i32_1 = arith.constant 0 : i32
    return %c0_i32, %c0_i32_0 : i32, i32
  }
  func.func @transform_2(%arg0: i32) -> (i32, i32) {
    %c0_i32 = arith.constant 0 : i32
    %c0_i32_0 = arith.constant 0 : i32
    %c0_i32_1 = arith.constant 0 : i32
    return %c0_i32, %c0_i32_0 : i32, i32
  }
  func.func @transform_3(%arg0: i32) -> (i32, i32) {
    %c0_i32 = arith.constant 0 : i32
    %c0_i32_0 = arith.constant 0 : i32
    %c0_i32_1 = arith.constant 0 : i32
    return %c0_i32, %c0_i32_0 : i32, i32
  }
  func.func @transform_4(%arg0: i32) -> (i32, i32) {
    %c0_i32 = arith.constant 0 : i32
    %c0_i32_0 = arith.constant 0 : i32
    %c0_i32_1 = arith.constant 0 : i32
    return %c0_i32, %c0_i32_0 : i32, i32
  }
  func.func @transform_5(%arg0: i32) -> (i32, i32) {
    %c0_i32 = arith.constant 0 : i32
    %c0_i32_0 = arith.constant 0 : i32
    %c0_i32_1 = arith.constant 0 : i32
    return %c0_i32, %c0_i32_0 : i32, i32
  }
  func.func @transform_6(%arg0: i32) -> (i32, i32) {
    %c0_i32 = arith.constant 0 : i32
    %c0_i32_0 = arith.constant 0 : i32
    %c0_i32_1 = arith.constant 0 : i32
    return %c0_i32, %c0_i32_0 : i32, i32
  }
  func.func @transform_7(%arg0: i32) -> (i32, i32) {
    %c0_i32 = arith.constant 0 : i32
    %c0_i32_0 = arith.constant 0 : i32
    %c0_i32_1 = arith.constant 0 : i32
    return %c0_i32, %c0_i32_0 : i32, i32
  }
  func.func @transform_8(%arg0: i32) -> (i32, i32) {
    %c0_i32 = arith.constant 0 : i32
    %c0_i32_0 = arith.constant 0 : i32
    %c0_i32_1 = arith.constant 0 : i32
    return %c0_i32, %c0_i32_0 : i32, i32
  }
  func.func @transform_9(%arg0: i32) -> (i32, i32, i32) {
    %c0_i32 = arith.constant 0 : i32
    %c0_i32_0 = arith.constant 0 : i32
    %c0_i32_1 = arith.constant 0 : i32
    return %arg0, %c0_i32, %c0_i32_0 : i32, i32, i32
  }
  func.func @transform_10(%arg0: i32) -> (i32, i32) {
    %c0_i32 = arith.constant 0 : i32
    %c0_i32_0 = arith.constant 0 : i32
    %c0_i32_1 = arith.constant 0 : i32
    return %c0_i32, %c0_i32_0 : i32, i32
  }
}

module attributes {stable_mosaic.version = 14 : i64} {
  func.func @_decoder_kernel(%arg0: i32, %arg1: memref<1x3136x128xf32, #tpu.memory_space<vmem>>, %arg2: memref<1x4x4x3x3136xf32, #tpu.memory_space<vmem>>, %arg3: memref<576x128xbf16, #tpu.memory_space<vmem>>, %arg4: memref<288x64xbf16, #tpu.memory_space<vmem>>, %arg5: memref<72x32xbf16, #tpu.memory_space<vmem>>, %arg6: memref<64x128xf32, #tpu.memory_space<vmem>>, %arg7: memref<32x128xf32, #tpu.memory_space<vmem>>, %arg8: memref<8x128xf32, #tpu.memory_space<vmem>>, %arg9: memref<8x128xf32, #tpu.memory_space<vmem>>, %arg10: memref<3328x128xbf16, #tpu.memory_space<vmem>>, %arg11: memref<256x3328xbf16, #tpu.memory_space<vmem>>, %arg12: memref<512x3328xbf16, #tpu.memory_space<vmem>>) attributes {dimension_semantics = [#tpu.dimension_semantics<arbitrary>], iteration_bounds = array<i64: 16>, scalar_prefetch = 0 : i64, scratch_operands = 3 : i64, tpu.core_type = #tpu.core_type<tc>, window_params = [{transform_indices = @transform_0, window_bounds = array<i64: 1, 3136, 128>}, {transform_indices = @transform_1, window_bounds = array<i64: 1, 4, 4, 3, 3136>}, {pipeline_mode = #tpu.pipeline_mode<synchronous>, transform_indices = @transform_2, window_bounds = array<i64: 576, 128>}, {pipeline_mode = #tpu.pipeline_mode<synchronous>, transform_indices = @transform_3, window_bounds = array<i64: 288, 64>}, {pipeline_mode = #tpu.pipeline_mode<synchronous>, transform_indices = @transform_4, window_bounds = array<i64: 72, 32>}, {pipeline_mode = #tpu.pipeline_mode<synchronous>, transform_indices = @transform_5, window_bounds = array<i64: 64, 128>}, {pipeline_mode = #tpu.pipeline_mode<synchronous>, transform_indices = @transform_6, window_bounds = array<i64: 32, 128>}, {pipeline_mode = #tpu.pipeline_mode<synchronous>, transform_indices = @transform_7, window_bounds = array<i64: 8, 128>}, {pipeline_mode = #tpu.pipeline_mode<synchronous>, transform_indices = @transform_8, window_bounds = array<i64: 8, 128>}]} {
    %eq3A = arith.constant 0 : i32
    %eq3A_0 = arith.cmpi eq, %arg0, %eq3A : i32
    %convert_element_type3A = arith.extui %eq3A_0 : i1 to i32
    %cond3A = arith.constant 0 : i32
    %cond3A_1 = arith.cmpi ne, %convert_element_type3A, %cond3A : i32
    scf.if %cond3A_1 {
      %broadcast_in_dim3A_1252 = arith.constant 0.000000e+00 : bf16
      %broadcast_in_dim3A_1253 = vector.broadcast %broadcast_in_dim3A_1252 : bf16 to vector<3328x128xbf16>
      %swap3A_1254 = arith.constant 0 : index
      %swap3A_1255 = arith.constant 0 : index
      %swap3A_1256 = vector.load %arg10[%swap3A_1254, %swap3A_1255] : memref<3328x128xbf16, #tpu.memory_space<vmem>>, vector<3328x128xbf16>
      tpu.vector_store %arg10[%swap3A_1254, %swap3A_1255], %broadcast_in_dim3A_1253 {strides = array<i32>} : memref<3328x128xbf16, #tpu.memory_space<vmem>>, vector<3328x128xbf16>,
      %broadcast_in_dim3A_1257 = arith.constant 0.000000e+00 : bf16
      %broadcast_in_dim3A_1258 = vector.broadcast %broadcast_in_dim3A_1257 : bf16 to vector<256x3328xbf16>
      %swap3A_1259 = arith.constant 0 : index
      %swap3A_1260 = arith.constant 0 : index
      %swap3A_1261 = vector.load %arg11[%swap3A_1259, %swap3A_1260] : memref<256x3328xbf16, #tpu.memory_space<vmem>>, vector<256x3328xbf16>
      tpu.vector_store %arg11[%swap3A_1259, %swap3A_1260], %broadcast_in_dim3A_1258 {strides = array<i32>} : memref<256x3328xbf16, #tpu.memory_space<vmem>>, vector<256x3328xbf16>,
      %broadcast_in_dim3A_1262 = arith.constant 0.000000e+00 : bf16
      %broadcast_in_dim3A_1263 = vector.broadcast %broadcast_in_dim3A_1262 : bf16 to vector<512x3328xbf16>
      %swap3A_1264 = arith.constant 0 : index
      %swap3A_1265 = arith.constant 0 : index
      %swap3A_1266 = vector.load %arg12[%swap3A_1264, %swap3A_1265] : memref<512x3328xbf16, #tpu.memory_space<vmem>>, vector<512x3328xbf16>
      tpu.vector_store %arg12[%swap3A_1264, %swap3A_1265], %broadcast_in_dim3A_1263 {strides = array<i32>} : memref<512x3328xbf16, #tpu.memory_space<vmem>>, vector<512x3328xbf16>,
      %broadcast_in_dim3A_1267 = arith.constant 0.000000e+00 : f32
      %broadcast_in_dim3A_1268 = vector.broadcast %broadcast_in_dim3A_1267 : f32 to vector<8x128xf32>
      %swap3A_1269 = arith.constant 0 : index
      %swap3A_1270 = arith.constant 0 : index
      %swap3A_1271 = vector.load %arg9[%swap3A_1269, %swap3A_1270] : memref<8x128xf32, #tpu.memory_space<vmem>>, vector<8x128xf32>
      tpu.vector_store %arg9[%swap3A_1269, %swap3A_1270], %broadcast_in_dim3A_1268 {strides = array<i32>} : memref<8x128xf32, #tpu.memory_space<vmem>>, vector<8x128xf32>,
    } else {
    }
    %iota3A = tpu.iota {dimensions = array<i32: 1>} : vector<1x3136xi32>
    %jit3A = arith.constant 56 : i32
    %eq3A_2 = arith.constant 0 : i32
    %eq3A_3 = arith.cmpi eq, %jit3A, %eq3A_2 : i32
    %jit3A_4 = arith.constant 1 : i32
    %select_n3A = arith.select %eq3A_3, %jit3A_4, %jit3A : i32
    %rem3A = vector.broadcast %select_n3A : i32 to vector<1x3136xi32>
    %rem3A_5 = arith.remsi %iota3A, %rem3A : vector<1x3136xi32>
    %ne3A = arith.constant 0 : i32
    %ne3A_6 = vector.broadcast %ne3A : i32 to vector<1x3136xi32>
    %ne3A_7 = arith.cmpi ne, %rem3A_5, %ne3A_6 : vector<1x3136xi32>
    %lt3A = arith.constant 0 : i32
    %lt3A_8 = vector.broadcast %lt3A : i32 to vector<1x3136xi32>
    %lt3A_9 = arith.cmpi slt, %rem3A_5, %lt3A_8 : vector<1x3136xi32>
    %lt3A_10 = arith.constant 0 : i32
    %lt3A_11 = arith.cmpi slt, %select_n3A, %lt3A_10 : i32
    %ne3A_12 = vector.broadcast %lt3A_11 : i1 to vector<1x3136xi1>
    %ne3A_13 = vector.broadcast %ne3A_12 : vector<1x3136xi1> to vector<1x3136xi1>
    %ne3A_14 = arith.xori %lt3A_9, %ne3A_13 : vector<1x3136xi1>
    %and3A = arith.andi %ne3A_14, %ne3A_7 : vector<1x3136xi1>
    %add3A = vector.broadcast %select_n3A : i32 to vector<1x3136xi32>
    %add3A_15 = arith.addi %rem3A_5, %add3A : vector<1x3136xi32>
    %select_n3A_16 = arith.select %and3A, %add3A_15, %rem3A_5 : vector<1x3136xi1>, vector<1x3136xi32>
    %ne3A_17 = arith.constant 55 : i32
    %ne3A_18 = vector.broadcast %ne3A_17 : i32 to vector<1x3136xi32>
    %ne3A_19 = arith.cmpi ne, %select_n3A_16, %ne3A_18 : vector<1x3136xi32>
    %ne3A_20 = arith.constant 0 : i32
    %ne3A_21 = vector.broadcast %ne3A_20 : i32 to vector<1x3136xi32>
    %ne3A_22 = arith.cmpi ne, %select_n3A_16, %ne3A_21 : vector<1x3136xi32>
    %get3A = arith.constant 0 : index
    %get3A_23 = arith.constant 0 : index
    %get3A_24 = arith.constant 0 : index
    %get3A_25 = vector.load %arg1[%get3A, %get3A_23, %get3A_24] : memref<1x3136x128xf32, #tpu.memory_space<vmem>>, vector<1x3136x128xf32>
    %get3A_26 = vector.shape_cast %get3A_25 : vector<1x3136x128xf32> to vector<3136x128xf32>
    %convert_element_type3A_27 = arith.truncf %get3A_26 : vector<3136x128xf32> to vector<3136x128xbf16>
    %swap3A = arith.constant 128 : index
    %swap3A_28 = arith.constant 0 : index
    %swap3A_29 = vector.load %arg10[%swap3A, %swap3A_28] : memref<3328x128xbf16, #tpu.memory_space<vmem>>, vector<3136x128xbf16>
    tpu.vector_store %arg10[%swap3A, %swap3A_28], %convert_element_type3A_27 {strides = array<i32>} : memref<3328x128xbf16, #tpu.memory_space<vmem>>, vector<3136x128xbf16>,
    %get3A_30 = arith.constant 0 : index
    %get3A_31 = arith.constant 0 : index
    %get3A_32 = vector.load %arg3[%get3A_30, %get3A_31] : memref<576x128xbf16, #tpu.memory_space<vmem>>, vector<576x128xbf16>
    %get3A_33 = arith.constant 0 : index
    %get3A_34 = arith.constant 0 : index
    %get3A_35 = vector.load %arg10[%get3A_33, %get3A_34] : memref<3328x128xbf16, #tpu.memory_space<vmem>>, vector<3328x128xbf16>
    %dot_general3A = arith.constant dense<0.000000e+00> : vector<576x3328xf32>
    %dot_general3A_36 = tpu.matmul %get3A_32, %get3A_35, %dot_general3A {dimension_numbers = #tpu.dot_dimension_numbers<[1], [1], [0], [0], [0, 0, 1, 0], [], []>, transpose_lhs_hint = false} : vector<576x128xbf16>, vector<3328x128xbf16>, vector<576x3328xf32> -> vector<576x3328xf32>
    %get3A_37 = arith.constant 0 : index
    %get3A_38 = arith.constant 0 : index
    %get3A_39 = vector.load %arg6[%get3A_37, %get3A_38] : memref<64x128xf32, #tpu.memory_space<vmem>>, vector<64x1xf32>
    %broadcast_in_dim3A = vector.shape_cast %get3A_39 : vector<64x1xf32> to vector<64x1xf32>
    %broadcast_in_dim3A_40 = vector.broadcast %broadcast_in_dim3A : vector<64x1xf32> to vector<64x3136xf32>
    %slice3A = vector.extract_strided_slice %dot_general3A_36 {offsets = [256, 128], sizes = [64, 3136], strides = [1, 1]} : vector<576x3328xf32> to vector<64x3136xf32>
    %add3A_41 = arith.addf %broadcast_in_dim3A_40, %slice3A : vector<64x3136xf32>
    %max3A = arith.constant 0.000000e+00 : f32
    %max3A_42 = vector.broadcast %max3A : f32 to vector<64x3136xf32>
    %max3A_43 = arith.maximumf %add3A_41, %max3A_42 : vector<64x3136xf32>
    %convert_element_type3A_44 = arith.truncf %max3A_43 : vector<64x3136xf32> to vector<64x3136xbf16>
    %swap3A_45 = arith.constant 0 : index
    %swap3A_46 = arith.constant 128 : index
    %swap3A_47 = vector.load %arg11[%swap3A_45, %swap3A_46] : memref<256x3328xbf16, #tpu.memory_space<vmem>>, vector<64x3136xbf16>
    tpu.vector_store %arg11[%swap3A_45, %swap3A_46], %convert_element_type3A_44 {strides = array<i32>} : memref<256x3328xbf16, #tpu.memory_space<vmem>>, vector<64x3136xbf16>,
    %broadcast_in_dim3A_48 = vector.shape_cast %get3A_39 : vector<64x1xf32> to vector<64x1xf32>
    %broadcast_in_dim3A_49 = vector.broadcast %broadcast_in_dim3A_48 : vector<64x1xf32> to vector<64x3136xf32>
    %slice3A_50 = vector.extract_strided_slice %dot_general3A_36 {offsets = [192, 128], sizes = [64, 3136], strides = [1, 1]} : vector<576x3328xf32> to vector<64x3136xf32>
    %add3A_51 = arith.addf %broadcast_in_dim3A_49, %slice3A_50 : vector<64x3136xf32>
    %slice3A_52 = vector.extract_strided_slice %dot_general3A_36 {offsets = [320, 129], sizes = [64, 3136], strides = [1, 1]} : vector<576x3328xf32> to vector<64x3136xf32>
    %jit3A_53 = arith.constant 0.000000e+00 : f32
    %broadcast_in_dim3A_54 = vector.shape_cast %ne3A_19 : vector<1x3136xi1> to vector<1x3136xi1>
    %broadcast_in_dim3A_55 = vector.broadcast %broadcast_in_dim3A_54 : vector<1x3136xi1> to vector<64x3136xi1>
    %broadcast_in_dim3A_56 = vector.broadcast %jit3A_53 : f32 to vector<64x3136xf32>
    %select_n3A_57 = arith.select %broadcast_in_dim3A_55, %slice3A_52, %broadcast_in_dim3A_56 : vector<64x3136xi1>, vector<64x3136xf32>
    %add3A_58 = arith.addf %add3A_51, %select_n3A_57 : vector<64x3136xf32>
    %max3A_59 = arith.constant 0.000000e+00 : f32
    %max3A_60 = vector.broadcast %max3A_59 : f32 to vector<64x3136xf32>
    %max3A_61 = arith.maximumf %add3A_58, %max3A_60 : vector<64x3136xf32>
    %convert_element_type3A_62 = arith.truncf %max3A_61 : vector<64x3136xf32> to vector<64x3136xbf16>
    %swap3A_63 = arith.constant 64 : index
    %swap3A_64 = arith.constant 128 : index
    %swap3A_65 = vector.load %arg11[%swap3A_63, %swap3A_64] : memref<256x3328xbf16, #tpu.memory_space<vmem>>, vector<64x3136xbf16>
    tpu.vector_store %arg11[%swap3A_63, %swap3A_64], %convert_element_type3A_62 {strides = array<i32>} : memref<256x3328xbf16, #tpu.memory_space<vmem>>, vector<64x3136xbf16>,
    %broadcast_in_dim3A_66 = vector.shape_cast %get3A_39 : vector<64x1xf32> to vector<64x1xf32>
    %broadcast_in_dim3A_67 = vector.broadcast %broadcast_in_dim3A_66 : vector<64x1xf32> to vector<64x3136xf32>
    %slice3A_68 = vector.extract_strided_slice %dot_general3A_36 {offsets = [64, 128], sizes = [64, 3136], strides = [1, 1]} : vector<576x3328xf32> to vector<64x3136xf32>
    %add3A_69 = arith.addf %broadcast_in_dim3A_67, %slice3A_68 : vector<64x3136xf32>
    %slice3A_70 = vector.extract_strided_slice %dot_general3A_36 {offsets = [448, 184], sizes = [64, 3136], strides = [1, 1]} : vector<576x3328xf32> to vector<64x3136xf32>
    %add3A_71 = arith.addf %add3A_69, %slice3A_70 : vector<64x3136xf32>
    %max3A_72 = arith.constant 0.000000e+00 : f32
    %max3A_73 = vector.broadcast %max3A_72 : f32 to vector<64x3136xf32>
    %max3A_74 = arith.maximumf %add3A_71, %max3A_73 : vector<64x3136xf32>
    %convert_element_type3A_75 = arith.truncf %max3A_74 : vector<64x3136xf32> to vector<64x3136xbf16>
    %swap3A_76 = arith.constant 128 : index
    %swap3A_77 = arith.constant 128 : index
    %swap3A_78 = vector.load %arg11[%swap3A_76, %swap3A_77] : memref<256x3328xbf16, #tpu.memory_space<vmem>>, vector<64x3136xbf16>
    tpu.vector_store %arg11[%swap3A_76, %swap3A_77], %convert_element_type3A_75 {strides = array<i32>} : memref<256x3328xbf16, #tpu.memory_space<vmem>>, vector<64x3136xbf16>,
    %broadcast_in_dim3A_79 = vector.shape_cast %get3A_39 : vector<64x1xf32> to vector<64x1xf32>
    %broadcast_in_dim3A_80 = vector.broadcast %broadcast_in_dim3A_79 : vector<64x1xf32> to vector<64x3136xf32>
    %slice3A_81 = vector.extract_strided_slice %dot_general3A_36 {offsets = [0, 128], sizes = [64, 3136], strides = [1, 1]} : vector<576x3328xf32> to vector<64x3136xf32>
    %add3A_82 = arith.addf %broadcast_in_dim3A_80, %slice3A_81 : vector<64x3136xf32>
    %slice3A_83 = vector.extract_strided_slice %dot_general3A_36 {offsets = [128, 129], sizes = [64, 3136], strides = [1, 1]} : vector<576x3328xf32> to vector<64x3136xf32>
    %jit3A_84 = arith.constant 0.000000e+00 : f32
    %broadcast_in_dim3A_85 = vector.shape_cast %ne3A_19 : vector<1x3136xi1> to vector<1x3136xi1>
    %broadcast_in_dim3A_86 = vector.broadcast %broadcast_in_dim3A_85 : vector<1x3136xi1> to vector<64x3136xi1>
    %broadcast_in_dim3A_87 = vector.broadcast %jit3A_84 : f32 to vector<64x3136xf32>
    %select_n3A_88 = arith.select %broadcast_in_dim3A_86, %slice3A_83, %broadcast_in_dim3A_87 : vector<64x3136xi1>, vector<64x3136xf32>
    %add3A_89 = arith.addf %add3A_82, %select_n3A_88 : vector<64x3136xf32>
    %slice3A_90 = vector.extract_strided_slice %dot_general3A_36 {offsets = [384, 184], sizes = [64, 3136], strides = [1, 1]} : vector<576x3328xf32> to vector<64x3136xf32>
    %add3A_91 = arith.addf %add3A_89, %slice3A_90 : vector<64x3136xf32>
    %slice3A_92 = vector.extract_strided_slice %dot_general3A_36 {offsets = [512, 185], sizes = [64, 3136], strides = [1, 1]} : vector<576x3328xf32> to vector<64x3136xf32>
    %jit3A_93 = arith.constant 0.000000e+00 : f32
    %broadcast_in_dim3A_94 = vector.shape_cast %ne3A_19 : vector<1x3136xi1> to vector<1x3136xi1>
    %broadcast_in_dim3A_95 = vector.broadcast %broadcast_in_dim3A_94 : vector<1x3136xi1> to vector<64x3136xi1>
    %broadcast_in_dim3A_96 = vector.broadcast %jit3A_93 : f32 to vector<64x3136xf32>
    %select_n3A_97 = arith.select %broadcast_in_dim3A_95, %slice3A_92, %broadcast_in_dim3A_96 : vector<64x3136xi1>, vector<64x3136xf32>
    %add3A_98 = arith.addf %add3A_91, %select_n3A_97 : vector<64x3136xf32>
    %max3A_99 = arith.constant 0.000000e+00 : f32
    %max3A_100 = vector.broadcast %max3A_99 : f32 to vector<64x3136xf32>
    %max3A_101 = arith.maximumf %add3A_98, %max3A_100 : vector<64x3136xf32>
    %convert_element_type3A_102 = arith.truncf %max3A_101 : vector<64x3136xf32> to vector<64x3136xbf16>
    %swap3A_103 = arith.constant 192 : index
    %swap3A_104 = arith.constant 128 : index
    %swap3A_105 = vector.load %arg11[%swap3A_103, %swap3A_104] : memref<256x3328xbf16, #tpu.memory_space<vmem>>, vector<64x3136xbf16>
    tpu.vector_store %arg11[%swap3A_103, %swap3A_104], %convert_element_type3A_102 {strides = array<i32>} : memref<256x3328xbf16, #tpu.memory_space<vmem>>, vector<64x3136xbf16>,
    %get3A_106 = arith.constant 0 : index
    %get3A_107 = arith.constant 0 : index
    %get3A_108 = vector.load %arg4[%get3A_106, %get3A_107] : memref<288x64xbf16, #tpu.memory_space<vmem>>, vector<288x64xbf16>
    %get3A_109 = arith.constant 0 : index
    %get3A_110 = arith.constant 0 : index
    %get3A_111 = vector.load %arg11[%get3A_109, %get3A_110] : memref<256x3328xbf16, #tpu.memory_space<vmem>>, vector<64x3328xbf16>
    %dot_general3A_112 = arith.constant dense<0.000000e+00> : vector<288x3328xf32>
    %dot_general3A_113 = tpu.matmul %get3A_108, %get3A_111, %dot_general3A_112 {dimension_numbers = #tpu.dot_dimension_numbers<[1], [0], [0], [1], [0, 0, 1, 1], [], []>, transpose_lhs_hint = false} : vector<288x64xbf16>, vector<64x3328xbf16>, vector<288x3328xf32> -> vector<288x3328xf32>
    %get3A_114 = arith.constant 0 : index
    %get3A_115 = arith.constant 0 : index
    %get3A_116 = vector.load %arg4[%get3A_114, %get3A_115] : memref<288x64xbf16, #tpu.memory_space<vmem>>, vector<288x64xbf16>
    %get3A_117 = arith.constant 64 : index
    %get3A_118 = arith.constant 0 : index
    %get3A_119 = vector.load %arg11[%get3A_117, %get3A_118] : memref<256x3328xbf16, #tpu.memory_space<vmem>>, vector<64x3328xbf16>
    %dot_general3A_120 = arith.constant dense<0.000000e+00> : vector<288x3328xf32>
    %dot_general3A_121 = tpu.matmul %get3A_116, %get3A_119, %dot_general3A_120 {dimension_numbers = #tpu.dot_dimension_numbers<[1], [0], [0], [1], [0, 0, 1, 1], [], []>, transpose_lhs_hint = false} : vector<288x64xbf16>, vector<64x3328xbf16>, vector<288x3328xf32> -> vector<288x3328xf32>
    %get3A_122 = arith.constant 0 : index
    %get3A_123 = arith.constant 0 : index
    %get3A_124 = vector.load %arg4[%get3A_122, %get3A_123] : memref<288x64xbf16, #tpu.memory_space<vmem>>, vector<288x64xbf16>
    %get3A_125 = arith.constant 128 : index
    %get3A_126 = arith.constant 0 : index
    %get3A_127 = vector.load %arg11[%get3A_125, %get3A_126] : memref<256x3328xbf16, #tpu.memory_space<vmem>>, vector<64x3328xbf16>
    %dot_general3A_128 = arith.constant dense<0.000000e+00> : vector<288x3328xf32>
    %dot_general3A_129 = tpu.matmul %get3A_124, %get3A_127, %dot_general3A_128 {dimension_numbers = #tpu.dot_dimension_numbers<[1], [0], [0], [1], [0, 0, 1, 1], [], []>, transpose_lhs_hint = false} : vector<288x64xbf16>, vector<64x3328xbf16>, vector<288x3328xf32> -> vector<288x3328xf32>
    %get3A_130 = arith.constant 0 : index
    %get3A_131 = arith.constant 0 : index
    %get3A_132 = vector.load %arg4[%get3A_130, %get3A_131] : memref<288x64xbf16, #tpu.memory_space<vmem>>, vector<288x64xbf16>
    %get3A_133 = arith.constant 192 : index
    %get3A_134 = arith.constant 0 : index
    %get3A_135 = vector.load %arg11[%get3A_133, %get3A_134] : memref<256x3328xbf16, #tpu.memory_space<vmem>>, vector<64x3328xbf16>
    %dot_general3A_136 = arith.constant dense<0.000000e+00> : vector<288x3328xf32>
    %dot_general3A_137 = tpu.matmul %get3A_132, %get3A_135, %dot_general3A_136 {dimension_numbers = #tpu.dot_dimension_numbers<[1], [0], [0], [1], [0, 0, 1, 1], [], []>, transpose_lhs_hint = false} : vector<288x64xbf16>, vector<64x3328xbf16>, vector<288x3328xf32> -> vector<288x3328xf32>
    %get3A_138 = arith.constant 0 : index
    %get3A_139 = arith.constant 0 : index
    %get3A_140 = vector.load %arg7[%get3A_138, %get3A_139] : memref<32x128xf32, #tpu.memory_space<vmem>>, vector<32x1xf32>
    %broadcast_in_dim3A_141 = vector.shape_cast %get3A_140 : vector<32x1xf32> to vector<32x1xf32>
    %broadcast_in_dim3A_142 = vector.broadcast %broadcast_in_dim3A_141 : vector<32x1xf32> to vector<32x3136xf32>
    %slice3A_143 = vector.extract_strided_slice %dot_general3A_113 {offsets = [128, 128], sizes = [32, 3136], strides = [1, 1]} : vector<288x3328xf32> to vector<32x3136xf32>
    %add3A_144 = arith.addf %broadcast_in_dim3A_142, %slice3A_143 : vector<32x3136xf32>
    %max3A_145 = arith.constant 0.000000e+00 : f32
    %max3A_146 = vector.broadcast %max3A_145 : f32 to vector<32x3136xf32>
    %max3A_147 = arith.maximumf %add3A_144, %max3A_146 : vector<32x3136xf32>
    %convert_element_type3A_148 = arith.truncf %max3A_147 : vector<32x3136xf32> to vector<32x3136xbf16>
    %swap3A_149 = arith.constant 0 : index
    %swap3A_150 = arith.constant 128 : index
    %swap3A_151 = vector.load %arg12[%swap3A_149, %swap3A_150] : memref<512x3328xbf16, #tpu.memory_space<vmem>>, vector<32x3136xbf16>
    tpu.vector_store %arg12[%swap3A_149, %swap3A_150], %convert_element_type3A_148 {strides = array<i32>} : memref<512x3328xbf16, #tpu.memory_space<vmem>>, vector<32x3136xbf16>,
    %broadcast_in_dim3A_152 = vector.shape_cast %get3A_140 : vector<32x1xf32> to vector<32x1xf32>
    %broadcast_in_dim3A_153 = vector.broadcast %broadcast_in_dim3A_152 : vector<32x1xf32> to vector<32x3136xf32>
    %slice3A_154 = vector.extract_strided_slice %dot_general3A_121 {offsets = [128, 128], sizes = [32, 3136], strides = [1, 1]} : vector<288x3328xf32> to vector<32x3136xf32>
    %add3A_155 = arith.addf %broadcast_in_dim3A_153, %slice3A_154 : vector<32x3136xf32>
    %max3A_156 = arith.constant 0.000000e+00 : f32
    %max3A_157 = vector.broadcast %max3A_156 : f32 to vector<32x3136xf32>
    %max3A_158 = arith.maximumf %add3A_155, %max3A_157 : vector<32x3136xf32>
    %convert_element_type3A_159 = arith.truncf %max3A_158 : vector<32x3136xf32> to vector<32x3136xbf16>
    %swap3A_160 = arith.constant 64 : index
    %swap3A_161 = arith.constant 128 : index
    %swap3A_162 = vector.load %arg12[%swap3A_160, %swap3A_161] : memref<512x3328xbf16, #tpu.memory_space<vmem>>, vector<32x3136xbf16>
    tpu.vector_store %arg12[%swap3A_160, %swap3A_161], %convert_element_type3A_159 {strides = array<i32>} : memref<512x3328xbf16, #tpu.memory_space<vmem>>, vector<32x3136xbf16>,
    %broadcast_in_dim3A_163 = vector.shape_cast %get3A_140 : vector<32x1xf32> to vector<32x1xf32>
    %broadcast_in_dim3A_164 = vector.broadcast %broadcast_in_dim3A_163 : vector<32x1xf32> to vector<32x3136xf32>
    %slice3A_165 = vector.extract_strided_slice %dot_general3A_113 {offsets = [96, 128], sizes = [32, 3136], strides = [1, 1]} : vector<288x3328xf32> to vector<32x3136xf32>
    %add3A_166 = arith.addf %broadcast_in_dim3A_164, %slice3A_165 : vector<32x3136xf32>
    %slice3A_167 = vector.extract_strided_slice %dot_general3A_121 {offsets = [160, 128], sizes = [32, 3136], strides = [1, 1]} : vector<288x3328xf32> to vector<32x3136xf32>
    %add3A_168 = arith.addf %add3A_166, %slice3A_167 : vector<32x3136xf32>
    %max3A_169 = arith.constant 0.000000e+00 : f32
    %max3A_170 = vector.broadcast %max3A_169 : f32 to vector<32x3136xf32>
    %max3A_171 = arith.maximumf %add3A_168, %max3A_170 : vector<32x3136xf32>
    %convert_element_type3A_172 = arith.truncf %max3A_171 : vector<32x3136xf32> to vector<32x3136xbf16>
    %swap3A_173 = arith.constant 32 : index
    %swap3A_174 = arith.constant 128 : index
    %swap3A_175 = vector.load %arg12[%swap3A_173, %swap3A_174] : memref<512x3328xbf16, #tpu.memory_space<vmem>>, vector<32x3136xbf16>
    tpu.vector_store %arg12[%swap3A_173, %swap3A_174], %convert_element_type3A_172 {strides = array<i32>} : memref<512x3328xbf16, #tpu.memory_space<vmem>>, vector<32x3136xbf16>,
    %broadcast_in_dim3A_176 = vector.shape_cast %get3A_140 : vector<32x1xf32> to vector<32x1xf32>
    %broadcast_in_dim3A_177 = vector.broadcast %broadcast_in_dim3A_176 : vector<32x1xf32> to vector<32x3136xf32>
    %slice3A_178 = vector.extract_strided_slice %dot_general3A_121 {offsets = [96, 128], sizes = [32, 3136], strides = [1, 1]} : vector<288x3328xf32> to vector<32x3136xf32>
    %add3A_179 = arith.addf %broadcast_in_dim3A_177, %slice3A_178 : vector<32x3136xf32>
    %slice3A_180 = vector.extract_strided_slice %dot_general3A_113 {offsets = [160, 129], sizes = [32, 3136], strides = [1, 1]} : vector<288x3328xf32> to vector<32x3136xf32>
    %jit3A_181 = arith.constant 0.000000e+00 : f32
    %broadcast_in_dim3A_182 = vector.shape_cast %ne3A_19 : vector<1x3136xi1> to vector<1x3136xi1>
    %broadcast_in_dim3A_183 = vector.broadcast %broadcast_in_dim3A_182 : vector<1x3136xi1> to vector<32x3136xi1>
    %broadcast_in_dim3A_184 = vector.broadcast %jit3A_181 : f32 to vector<32x3136xf32>
    %select_n3A_185 = arith.select %broadcast_in_dim3A_183, %slice3A_180, %broadcast_in_dim3A_184 : vector<32x3136xi1>, vector<32x3136xf32>
    %add3A_186 = arith.addf %add3A_179, %select_n3A_185 : vector<32x3136xf32>
    %max3A_187 = arith.constant 0.000000e+00 : f32
    %max3A_188 = vector.broadcast %max3A_187 : f32 to vector<32x3136xf32>
    %max3A_189 = arith.maximumf %add3A_186, %max3A_188 : vector<32x3136xf32>
    %convert_element_type3A_190 = arith.truncf %max3A_189 : vector<32x3136xf32> to vector<32x3136xbf16>
    %swap3A_191 = arith.constant 96 : index
    %swap3A_192 = arith.constant 128 : index
    %swap3A_193 = vector.load %arg12[%swap3A_191, %swap3A_192] : memref<512x3328xbf16, #tpu.memory_space<vmem>>, vector<32x3136xbf16>
    tpu.vector_store %arg12[%swap3A_191, %swap3A_192], %convert_element_type3A_190 {strides = array<i32>} : memref<512x3328xbf16, #tpu.memory_space<vmem>>, vector<32x3136xbf16>,
    %broadcast_in_dim3A_194 = vector.shape_cast %get3A_140 : vector<32x1xf32> to vector<32x1xf32>
    %broadcast_in_dim3A_195 = vector.broadcast %broadcast_in_dim3A_194 : vector<32x1xf32> to vector<32x3136xf32>
    %slice3A_196 = vector.extract_strided_slice %dot_general3A_129 {offsets = [128, 128], sizes = [32, 3136], strides = [1, 1]} : vector<288x3328xf32> to vector<32x3136xf32>
    %add3A_197 = arith.addf %broadcast_in_dim3A_195, %slice3A_196 : vector<32x3136xf32>
    %max3A_198 = arith.constant 0.000000e+00 : f32
    %max3A_199 = vector.broadcast %max3A_198 : f32 to vector<32x3136xf32>
    %max3A_200 = arith.maximumf %add3A_197, %max3A_199 : vector<32x3136xf32>
    %convert_element_type3A_201 = arith.truncf %max3A_200 : vector<32x3136xf32> to vector<32x3136xbf16>
    %swap3A_202 = arith.constant 256 : index
    %swap3A_203 = arith.constant 128 : index
    %swap3A_204 = vector.load %arg12[%swap3A_202, %swap3A_203] : memref<512x3328xbf16, #tpu.memory_space<vmem>>, vector<32x3136xbf16>
    tpu.vector_store %arg12[%swap3A_202, %swap3A_203], %convert_element_type3A_201 {strides = array<i32>} : memref<512x3328xbf16, #tpu.memory_space<vmem>>, vector<32x3136xbf16>,
    %broadcast_in_dim3A_205 = vector.shape_cast %get3A_140 : vector<32x1xf32> to vector<32x1xf32>
    %broadcast_in_dim3A_206 = vector.broadcast %broadcast_in_dim3A_205 : vector<32x1xf32> to vector<32x3136xf32>
    %slice3A_207 = vector.extract_strided_slice %dot_general3A_137 {offsets = [128, 128], sizes = [32, 3136], strides = [1, 1]} : vector<288x3328xf32> to vector<32x3136xf32>
    %add3A_208 = arith.addf %broadcast_in_dim3A_206, %slice3A_207 : vector<32x3136xf32>
    %max3A_209 = arith.constant 0.000000e+00 : f32
    %max3A_210 = vector.broadcast %max3A_209 : f32 to vector<32x3136xf32>
    %max3A_211 = arith.maximumf %add3A_208, %max3A_210 : vector<32x3136xf32>
    %convert_element_type3A_212 = arith.truncf %max3A_211 : vector<32x3136xf32> to vector<32x3136xbf16>
    %swap3A_213 = arith.constant 320 : index
    %swap3A_214 = arith.constant 128 : index
    %swap3A_215 = vector.load %arg12[%swap3A_213, %swap3A_214] : memref<512x3328xbf16, #tpu.memory_space<vmem>>, vector<32x3136xbf16>
    tpu.vector_store %arg12[%swap3A_213, %swap3A_214], %convert_element_type3A_212 {strides = array<i32>} : memref<512x3328xbf16, #tpu.memory_space<vmem>>, vector<32x3136xbf16>,
    %broadcast_in_dim3A_216 = vector.shape_cast %get3A_140 : vector<32x1xf32> to vector<32x1xf32>
    %broadcast_in_dim3A_217 = vector.broadcast %broadcast_in_dim3A_216 : vector<32x1xf32> to vector<32x3136xf32>
    %slice3A_218 = vector.extract_strided_slice %dot_general3A_129 {offsets = [96, 128], sizes = [32, 3136], strides = [1, 1]} : vector<288x3328xf32> to vector<32x3136xf32>
    %add3A_219 = arith.addf %broadcast_in_dim3A_217, %slice3A_218 : vector<32x3136xf32>
    %slice3A_220 = vector.extract_strided_slice %dot_general3A_137 {offsets = [160, 128], sizes = [32, 3136], strides = [1, 1]} : vector<288x3328xf32> to vector<32x3136xf32>
    %add3A_221 = arith.addf %add3A_219, %slice3A_220 : vector<32x3136xf32>
    %max3A_222 = arith.constant 0.000000e+00 : f32
    %max3A_223 = vector.broadcast %max3A_222 : f32 to vector<32x3136xf32>
    %max3A_224 = arith.maximumf %add3A_221, %max3A_223 : vector<32x3136xf32>
    %convert_element_type3A_225 = arith.truncf %max3A_224 : vector<32x3136xf32> to vector<32x3136xbf16>
    %swap3A_226 = arith.constant 288 : index
    %swap3A_227 = arith.constant 128 : index
    %swap3A_228 = vector.load %arg12[%swap3A_226, %swap3A_227] : memref<512x3328xbf16, #tpu.memory_space<vmem>>, vector<32x3136xbf16>
    tpu.vector_store %arg12[%swap3A_226, %swap3A_227], %convert_element_type3A_225 {strides = array<i32>} : memref<512x3328xbf16, #tpu.memory_space<vmem>>, vector<32x3136xbf16>,
    %broadcast_in_dim3A_229 = vector.shape_cast %get3A_140 : vector<32x1xf32> to vector<32x1xf32>
    %broadcast_in_dim3A_230 = vector.broadcast %broadcast_in_dim3A_229 : vector<32x1xf32> to vector<32x3136xf32>
    %slice3A_231 = vector.extract_strided_slice %dot_general3A_137 {offsets = [96, 128], sizes = [32, 3136], strides = [1, 1]} : vector<288x3328xf32> to vector<32x3136xf32>
    %add3A_232 = arith.addf %broadcast_in_dim3A_230, %slice3A_231 : vector<32x3136xf32>
    %slice3A_233 = vector.extract_strided_slice %dot_general3A_129 {offsets = [160, 129], sizes = [32, 3136], strides = [1, 1]} : vector<288x3328xf32> to vector<32x3136xf32>
    %jit3A_234 = arith.constant 0.000000e+00 : f32
    %broadcast_in_dim3A_235 = vector.shape_cast %ne3A_19 : vector<1x3136xi1> to vector<1x3136xi1>
    %broadcast_in_dim3A_236 = vector.broadcast %broadcast_in_dim3A_235 : vector<1x3136xi1> to vector<32x3136xi1>
    %broadcast_in_dim3A_237 = vector.broadcast %jit3A_234 : f32 to vector<32x3136xf32>
    %select_n3A_238 = arith.select %broadcast_in_dim3A_236, %slice3A_233, %broadcast_in_dim3A_237 : vector<32x3136xi1>, vector<32x3136xf32>
    %add3A_239 = arith.addf %add3A_232, %select_n3A_238 : vector<32x3136xf32>
    %max3A_240 = arith.constant 0.000000e+00 : f32
    %max3A_241 = vector.broadcast %max3A_240 : f32 to vector<32x3136xf32>
    %max3A_242 = arith.maximumf %add3A_239, %max3A_241 : vector<32x3136xf32>
    %convert_element_type3A_243 = arith.truncf %max3A_242 : vector<32x3136xf32> to vector<32x3136xbf16>
    %swap3A_244 = arith.constant 352 : index
    %swap3A_245 = arith.constant 128 : index
    %swap3A_246 = vector.load %arg12[%swap3A_244, %swap3A_245] : memref<512x3328xbf16, #tpu.memory_space<vmem>>, vector<32x3136xbf16>
    tpu.vector_store %arg12[%swap3A_244, %swap3A_245], %convert_element_type3A_243 {strides = array<i32>} : memref<512x3328xbf16, #tpu.memory_space<vmem>>, vector<32x3136xbf16>,
    %broadcast_in_dim3A_247 = vector.shape_cast %get3A_140 : vector<32x1xf32> to vector<32x1xf32>
    %broadcast_in_dim3A_248 = vector.broadcast %broadcast_in_dim3A_247 : vector<32x1xf32> to vector<32x3136xf32>
    %slice3A_249 = vector.extract_strided_slice %dot_general3A_113 {offsets = [32, 128], sizes = [32, 3136], strides = [1, 1]} : vector<288x3328xf32> to vector<32x3136xf32>
    %add3A_250 = arith.addf %broadcast_in_dim3A_248, %slice3A_249 : vector<32x3136xf32>
    %slice3A_251 = vector.extract_strided_slice %dot_general3A_129 {offsets = [224, 128], sizes = [32, 3136], strides = [1, 1]} : vector<288x3328xf32> to vector<32x3136xf32>
    %add3A_252 = arith.addf %add3A_250, %slice3A_251 : vector<32x3136xf32>
    %max3A_253 = arith.constant 0.000000e+00 : f32
    %max3A_254 = vector.broadcast %max3A_253 : f32 to vector<32x3136xf32>
    %max3A_255 = arith.maximumf %add3A_252, %max3A_254 : vector<32x3136xf32>
    %convert_element_type3A_256 = arith.truncf %max3A_255 : vector<32x3136xf32> to vector<32x3136xbf16>
    %swap3A_257 = arith.constant 128 : index
    %swap3A_258 = arith.constant 128 : index
    %swap3A_259 = vector.load %arg12[%swap3A_257, %swap3A_258] : memref<512x3328xbf16, #tpu.memory_space<vmem>>, vector<32x3136xbf16>
    tpu.vector_store %arg12[%swap3A_257, %swap3A_258], %convert_element_type3A_256 {strides = array<i32>} : memref<512x3328xbf16, #tpu.memory_space<vmem>>, vector<32x3136xbf16>,
    %broadcast_in_dim3A_260 = vector.shape_cast %get3A_140 : vector<32x1xf32> to vector<32x1xf32>
    %broadcast_in_dim3A_261 = vector.broadcast %broadcast_in_dim3A_260 : vector<32x1xf32> to vector<32x3136xf32>
    %slice3A_262 = vector.extract_strided_slice %dot_general3A_121 {offsets = [32, 128], sizes = [32, 3136], strides = [1, 1]} : vector<288x3328xf32> to vector<32x3136xf32>
    %add3A_263 = arith.addf %broadcast_in_dim3A_261, %slice3A_262 : vector<32x3136xf32>
    %slice3A_264 = vector.extract_strided_slice %dot_general3A_137 {offsets = [224, 128], sizes = [32, 3136], strides = [1, 1]} : vector<288x3328xf32> to vector<32x3136xf32>
    %add3A_265 = arith.addf %add3A_263, %slice3A_264 : vector<32x3136xf32>
    %max3A_266 = arith.constant 0.000000e+00 : f32
    %max3A_267 = vector.broadcast %max3A_266 : f32 to vector<32x3136xf32>
    %max3A_268 = arith.maximumf %add3A_265, %max3A_267 : vector<32x3136xf32>
    %convert_element_type3A_269 = arith.truncf %max3A_268 : vector<32x3136xf32> to vector<32x3136xbf16>
    %swap3A_270 = arith.constant 192 : index
    %swap3A_271 = arith.constant 128 : index
    %swap3A_272 = vector.load %arg12[%swap3A_270, %swap3A_271] : memref<512x3328xbf16, #tpu.memory_space<vmem>>, vector<32x3136xbf16>
    tpu.vector_store %arg12[%swap3A_270, %swap3A_271], %convert_element_type3A_269 {strides = array<i32>} : memref<512x3328xbf16, #tpu.memory_space<vmem>>, vector<32x3136xbf16>,
    %broadcast_in_dim3A_273 = vector.shape_cast %get3A_140 : vector<32x1xf32> to vector<32x1xf32>
    %broadcast_in_dim3A_274 = vector.broadcast %broadcast_in_dim3A_273 : vector<32x1xf32> to vector<32x3136xf32>
    %slice3A_275 = vector.extract_strided_slice %dot_general3A_113 {offsets = [0, 128], sizes = [32, 3136], strides = [1, 1]} : vector<288x3328xf32> to vector<32x3136xf32>
    %add3A_276 = arith.addf %broadcast_in_dim3A_274, %slice3A_275 : vector<32x3136xf32>
    %slice3A_277 = vector.extract_strided_slice %dot_general3A_121 {offsets = [64, 128], sizes = [32, 3136], strides = [1, 1]} : vector<288x3328xf32> to vector<32x3136xf32>
    %add3A_278 = arith.addf %add3A_276, %slice3A_277 : vector<32x3136xf32>
    %slice3A_279 = vector.extract_strided_slice %dot_general3A_129 {offsets = [192, 128], sizes = [32, 3136], strides = [1, 1]} : vector<288x3328xf32> to vector<32x3136xf32>
    %add3A_280 = arith.addf %add3A_278, %slice3A_279 : vector<32x3136xf32>
    %slice3A_281 = vector.extract_strided_slice %dot_general3A_137 {offsets = [256, 128], sizes = [32, 3136], strides = [1, 1]} : vector<288x3328xf32> to vector<32x3136xf32>
    %add3A_282 = arith.addf %add3A_280, %slice3A_281 : vector<32x3136xf32>
    %max3A_283 = arith.constant 0.000000e+00 : f32
    %max3A_284 = vector.broadcast %max3A_283 : f32 to vector<32x3136xf32>
    %max3A_285 = arith.maximumf %add3A_282, %max3A_284 : vector<32x3136xf32>
    %convert_element_type3A_286 = arith.truncf %max3A_285 : vector<32x3136xf32> to vector<32x3136xbf16>
    %swap3A_287 = arith.constant 160 : index
    %swap3A_288 = arith.constant 128 : index
    %swap3A_289 = vector.load %arg12[%swap3A_287, %swap3A_288] : memref<512x3328xbf16, #tpu.memory_space<vmem>>, vector<32x3136xbf16>
    tpu.vector_store %arg12[%swap3A_287, %swap3A_288], %convert_element_type3A_286 {strides = array<i32>} : memref<512x3328xbf16, #tpu.memory_space<vmem>>, vector<32x3136xbf16>,
    %broadcast_in_dim3A_290 = vector.shape_cast %get3A_140 : vector<32x1xf32> to vector<32x1xf32>
    %broadcast_in_dim3A_291 = vector.broadcast %broadcast_in_dim3A_290 : vector<32x1xf32> to vector<32x3136xf32>
    %slice3A_292 = vector.extract_strided_slice %dot_general3A_121 {offsets = [0, 128], sizes = [32, 3136], strides = [1, 1]} : vector<288x3328xf32> to vector<32x3136xf32>
    %add3A_293 = arith.addf %broadcast_in_dim3A_291, %slice3A_292 : vector<32x3136xf32>
    %slice3A_294 = vector.extract_strided_slice %dot_general3A_113 {offsets = [64, 129], sizes = [32, 3136], strides = [1, 1]} : vector<288x3328xf32> to vector<32x3136xf32>
    %jit3A_295 = arith.constant 0.000000e+00 : f32
    %broadcast_in_dim3A_296 = vector.shape_cast %ne3A_19 : vector<1x3136xi1> to vector<1x3136xi1>
    %broadcast_in_dim3A_297 = vector.broadcast %broadcast_in_dim3A_296 : vector<1x3136xi1> to vector<32x3136xi1>
    %broadcast_in_dim3A_298 = vector.broadcast %jit3A_295 : f32 to vector<32x3136xf32>
    %select_n3A_299 = arith.select %broadcast_in_dim3A_297, %slice3A_294, %broadcast_in_dim3A_298 : vector<32x3136xi1>, vector<32x3136xf32>
    %add3A_300 = arith.addf %add3A_293, %select_n3A_299 : vector<32x3136xf32>
    %slice3A_301 = vector.extract_strided_slice %dot_general3A_137 {offsets = [192, 128], sizes = [32, 3136], strides = [1, 1]} : vector<288x3328xf32> to vector<32x3136xf32>
    %add3A_302 = arith.addf %add3A_300, %slice3A_301 : vector<32x3136xf32>
    %slice3A_303 = vector.extract_strided_slice %dot_general3A_129 {offsets = [256, 129], sizes = [32, 3136], strides = [1, 1]} : vector<288x3328xf32> to vector<32x3136xf32>
    %jit3A_304 = arith.constant 0.000000e+00 : f32
    %broadcast_in_dim3A_305 = vector.shape_cast %ne3A_19 : vector<1x3136xi1> to vector<1x3136xi1>
    %broadcast_in_dim3A_306 = vector.broadcast %broadcast_in_dim3A_305 : vector<1x3136xi1> to vector<32x3136xi1>
    %broadcast_in_dim3A_307 = vector.broadcast %jit3A_304 : f32 to vector<32x3136xf32>
    %select_n3A_308 = arith.select %broadcast_in_dim3A_306, %slice3A_303, %broadcast_in_dim3A_307 : vector<32x3136xi1>, vector<32x3136xf32>
    %add3A_309 = arith.addf %add3A_302, %select_n3A_308 : vector<32x3136xf32>
    %max3A_310 = arith.constant 0.000000e+00 : f32
    %max3A_311 = vector.broadcast %max3A_310 : f32 to vector<32x3136xf32>
    %max3A_312 = arith.maximumf %add3A_309, %max3A_311 : vector<32x3136xf32>
    %convert_element_type3A_313 = arith.truncf %max3A_312 : vector<32x3136xf32> to vector<32x3136xbf16>
    %swap3A_314 = arith.constant 224 : index
    %swap3A_315 = arith.constant 128 : index
    %swap3A_316 = vector.load %arg12[%swap3A_314, %swap3A_315] : memref<512x3328xbf16, #tpu.memory_space<vmem>>, vector<32x3136xbf16>
    tpu.vector_store %arg12[%swap3A_314, %swap3A_315], %convert_element_type3A_313 {strides = array<i32>} : memref<512x3328xbf16, #tpu.memory_space<vmem>>, vector<32x3136xbf16>,
    %broadcast_in_dim3A_317 = vector.shape_cast %get3A_140 : vector<32x1xf32> to vector<32x1xf32>
    %broadcast_in_dim3A_318 = vector.broadcast %broadcast_in_dim3A_317 : vector<32x1xf32> to vector<32x3136xf32>
    %slice3A_319 = vector.extract_strided_slice %dot_general3A_129 {offsets = [32, 128], sizes = [32, 3136], strides = [1, 1]} : vector<288x3328xf32> to vector<32x3136xf32>
    %add3A_320 = arith.addf %broadcast_in_dim3A_318, %slice3A_319 : vector<32x3136xf32>
    %slice3A_321 = vector.extract_strided_slice %dot_general3A_113 {offsets = [224, 184], sizes = [32, 3136], strides = [1, 1]} : vector<288x3328xf32> to vector<32x3136xf32>
    %add3A_322 = arith.addf %add3A_320, %slice3A_321 : vector<32x3136xf32>
    %max3A_323 = arith.constant 0.000000e+00 : f32
    %max3A_324 = vector.broadcast %max3A_323 : f32 to vector<32x3136xf32>
    %max3A_325 = arith.maximumf %add3A_322, %max3A_324 : vector<32x3136xf32>
    %convert_element_type3A_326 = arith.truncf %max3A_325 : vector<32x3136xf32> to vector<32x3136xbf16>
    %swap3A_327 = arith.constant 384 : index
    %swap3A_328 = arith.constant 128 : index
    %swap3A_329 = vector.load %arg12[%swap3A_327, %swap3A_328] : memref<512x3328xbf16, #tpu.memory_space<vmem>>, vector<32x3136xbf16>
    tpu.vector_store %arg12[%swap3A_327, %swap3A_328], %convert_element_type3A_326 {strides = array<i32>} : memref<512x3328xbf16, #tpu.memory_space<vmem>>, vector<32x3136xbf16>,
    %broadcast_in_dim3A_330 = vector.shape_cast %get3A_140 : vector<32x1xf32> to vector<32x1xf32>
    %broadcast_in_dim3A_331 = vector.broadcast %broadcast_in_dim3A_330 : vector<32x1xf32> to vector<32x3136xf32>
    %slice3A_332 = vector.extract_strided_slice %dot_general3A_137 {offsets = [32, 128], sizes = [32, 3136], strides = [1, 1]} : vector<288x3328xf32> to vector<32x3136xf32>
    %add3A_333 = arith.addf %broadcast_in_dim3A_331, %slice3A_332 : vector<32x3136xf32>
    %slice3A_334 = vector.extract_strided_slice %dot_general3A_121 {offsets = [224, 184], sizes = [32, 3136], strides = [1, 1]} : vector<288x3328xf32> to vector<32x3136xf32>
    %add3A_335 = arith.addf %add3A_333, %slice3A_334 : vector<32x3136xf32>
    %max3A_336 = arith.constant 0.000000e+00 : f32
    %max3A_337 = vector.broadcast %max3A_336 : f32 to vector<32x3136xf32>
    %max3A_338 = arith.maximumf %add3A_335, %max3A_337 : vector<32x3136xf32>
    %convert_element_type3A_339 = arith.truncf %max3A_338 : vector<32x3136xf32> to vector<32x3136xbf16>
    %swap3A_340 = arith.constant 448 : index
    %swap3A_341 = arith.constant 128 : index
    %swap3A_342 = vector.load %arg12[%swap3A_340, %swap3A_341] : memref<512x3328xbf16, #tpu.memory_space<vmem>>, vector<32x3136xbf16>
    tpu.vector_store %arg12[%swap3A_340, %swap3A_341], %convert_element_type3A_339 {strides = array<i32>} : memref<512x3328xbf16, #tpu.memory_space<vmem>>, vector<32x3136xbf16>,
    %broadcast_in_dim3A_343 = vector.shape_cast %get3A_140 : vector<32x1xf32> to vector<32x1xf32>
    %broadcast_in_dim3A_344 = vector.broadcast %broadcast_in_dim3A_343 : vector<32x1xf32> to vector<32x3136xf32>
    %slice3A_345 = vector.extract_strided_slice %dot_general3A_129 {offsets = [0, 128], sizes = [32, 3136], strides = [1, 1]} : vector<288x3328xf32> to vector<32x3136xf32>
    %add3A_346 = arith.addf %broadcast_in_dim3A_344, %slice3A_345 : vector<32x3136xf32>
    %slice3A_347 = vector.extract_strided_slice %dot_general3A_137 {offsets = [64, 128], sizes = [32, 3136], strides = [1, 1]} : vector<288x3328xf32> to vector<32x3136xf32>
    %add3A_348 = arith.addf %add3A_346, %slice3A_347 : vector<32x3136xf32>
    %slice3A_349 = vector.extract_strided_slice %dot_general3A_113 {offsets = [192, 184], sizes = [32, 3136], strides = [1, 1]} : vector<288x3328xf32> to vector<32x3136xf32>
    %add3A_350 = arith.addf %add3A_348, %slice3A_349 : vector<32x3136xf32>
    %slice3A_351 = vector.extract_strided_slice %dot_general3A_121 {offsets = [256, 184], sizes = [32, 3136], strides = [1, 1]} : vector<288x3328xf32> to vector<32x3136xf32>
    %add3A_352 = arith.addf %add3A_350, %slice3A_351 : vector<32x3136xf32>
    %max3A_353 = arith.constant 0.000000e+00 : f32
    %max3A_354 = vector.broadcast %max3A_353 : f32 to vector<32x3136xf32>
    %max3A_355 = arith.maximumf %add3A_352, %max3A_354 : vector<32x3136xf32>
    %convert_element_type3A_356 = arith.truncf %max3A_355 : vector<32x3136xf32> to vector<32x3136xbf16>
    %swap3A_357 = arith.constant 416 : index
    %swap3A_358 = arith.constant 128 : index
    %swap3A_359 = vector.load %arg12[%swap3A_357, %swap3A_358] : memref<512x3328xbf16, #tpu.memory_space<vmem>>, vector<32x3136xbf16>
    tpu.vector_store %arg12[%swap3A_357, %swap3A_358], %convert_element_type3A_356 {strides = array<i32>} : memref<512x3328xbf16, #tpu.memory_space<vmem>>, vector<32x3136xbf16>,
    %broadcast_in_dim3A_360 = vector.shape_cast %get3A_140 : vector<32x1xf32> to vector<32x1xf32>
    %broadcast_in_dim3A_361 = vector.broadcast %broadcast_in_dim3A_360 : vector<32x1xf32> to vector<32x3136xf32>
    %slice3A_362 = vector.extract_strided_slice %dot_general3A_137 {offsets = [0, 128], sizes = [32, 3136], strides = [1, 1]} : vector<288x3328xf32> to vector<32x3136xf32>
    %add3A_363 = arith.addf %broadcast_in_dim3A_361, %slice3A_362 : vector<32x3136xf32>
    %slice3A_364 = vector.extract_strided_slice %dot_general3A_129 {offsets = [64, 129], sizes = [32, 3136], strides = [1, 1]} : vector<288x3328xf32> to vector<32x3136xf32>
    %jit3A_365 = arith.constant 0.000000e+00 : f32
    %broadcast_in_dim3A_366 = vector.shape_cast %ne3A_19 : vector<1x3136xi1> to vector<1x3136xi1>
    %broadcast_in_dim3A_367 = vector.broadcast %broadcast_in_dim3A_366 : vector<1x3136xi1> to vector<32x3136xi1>
    %broadcast_in_dim3A_368 = vector.broadcast %jit3A_365 : f32 to vector<32x3136xf32>
    %select_n3A_369 = arith.select %broadcast_in_dim3A_367, %slice3A_364, %broadcast_in_dim3A_368 : vector<32x3136xi1>, vector<32x3136xf32>
    %add3A_370 = arith.addf %add3A_363, %select_n3A_369 : vector<32x3136xf32>
    %slice3A_371 = vector.extract_strided_slice %dot_general3A_121 {offsets = [192, 184], sizes = [32, 3136], strides = [1, 1]} : vector<288x3328xf32> to vector<32x3136xf32>
    %add3A_372 = arith.addf %add3A_370, %slice3A_371 : vector<32x3136xf32>
    %slice3A_373 = vector.extract_strided_slice %dot_general3A_113 {offsets = [256, 185], sizes = [32, 3136], strides = [1, 1]} : vector<288x3328xf32> to vector<32x3136xf32>
    %jit3A_374 = arith.constant 0.000000e+00 : f32
    %broadcast_in_dim3A_375 = vector.shape_cast %ne3A_19 : vector<1x3136xi1> to vector<1x3136xi1>
    %broadcast_in_dim3A_376 = vector.broadcast %broadcast_in_dim3A_375 : vector<1x3136xi1> to vector<32x3136xi1>
    %broadcast_in_dim3A_377 = vector.broadcast %jit3A_374 : f32 to vector<32x3136xf32>
    %select_n3A_378 = arith.select %broadcast_in_dim3A_376, %slice3A_373, %broadcast_in_dim3A_377 : vector<32x3136xi1>, vector<32x3136xf32>
    %add3A_379 = arith.addf %add3A_372, %select_n3A_378 : vector<32x3136xf32>
    %max3A_380 = arith.constant 0.000000e+00 : f32
    %max3A_381 = vector.broadcast %max3A_380 : f32 to vector<32x3136xf32>
    %max3A_382 = arith.maximumf %add3A_379, %max3A_381 : vector<32x3136xf32>
    %convert_element_type3A_383 = arith.truncf %max3A_382 : vector<32x3136xf32> to vector<32x3136xbf16>
    %swap3A_384 = arith.constant 480 : index
    %swap3A_385 = arith.constant 128 : index
    %swap3A_386 = vector.load %arg12[%swap3A_384, %swap3A_385] : memref<512x3328xbf16, #tpu.memory_space<vmem>>, vector<32x3136xbf16>
    tpu.vector_store %arg12[%swap3A_384, %swap3A_385], %convert_element_type3A_383 {strides = array<i32>} : memref<512x3328xbf16, #tpu.memory_space<vmem>>, vector<32x3136xbf16>,
    %get3A_387 = arith.constant 0 : index
    %get3A_388 = arith.constant 0 : index
    %get3A_389 = vector.load %arg5[%get3A_387, %get3A_388] : memref<72x32xbf16, #tpu.memory_space<vmem>>, vector<72x32xbf16>
    %get3A_390 = arith.constant 0 : index
    %get3A_391 = arith.constant 0 : index
    %get3A_392 = vector.load %arg12[%get3A_390, %get3A_391] : memref<512x3328xbf16, #tpu.memory_space<vmem>>, vector<32x3328xbf16>
    %dot_general3A_393 = arith.constant dense<0.000000e+00> : vector<72x3328xf32>
    %dot_general3A_394 = tpu.matmul %get3A_389, %get3A_392, %dot_general3A_393 {dimension_numbers = #tpu.dot_dimension_numbers<[1], [0], [0], [1], [0, 0, 1, 1], [], []>, transpose_lhs_hint = false} : vector<72x32xbf16>, vector<32x3328xbf16>, vector<72x3328xf32> -> vector<72x3328xf32>
    %get3A_395 = arith.constant 0 : index
    %get3A_396 = arith.constant 0 : index
    %get3A_397 = vector.load %arg5[%get3A_395, %get3A_396] : memref<72x32xbf16, #tpu.memory_space<vmem>>, vector<72x32xbf16>
    %get3A_398 = arith.constant 32 : index
    %get3A_399 = arith.constant 0 : index
    %get3A_400 = vector.load %arg12[%get3A_398, %get3A_399] : memref<512x3328xbf16, #tpu.memory_space<vmem>>, vector<32x3328xbf16>
    %dot_general3A_401 = arith.constant dense<0.000000e+00> : vector<72x3328xf32>
    %dot_general3A_402 = tpu.matmul %get3A_397, %get3A_400, %dot_general3A_401 {dimension_numbers = #tpu.dot_dimension_numbers<[1], [0], [0], [1], [0, 0, 1, 1], [], []>, transpose_lhs_hint = false} : vector<72x32xbf16>, vector<32x3328xbf16>, vector<72x3328xf32> -> vector<72x3328xf32>
    %get3A_403 = arith.constant 0 : index
    %get3A_404 = arith.constant 0 : index
    %get3A_405 = vector.load %arg5[%get3A_403, %get3A_404] : memref<72x32xbf16, #tpu.memory_space<vmem>>, vector<72x32xbf16>
    %get3A_406 = arith.constant 64 : index
    %get3A_407 = arith.constant 0 : index
    %get3A_408 = vector.load %arg12[%get3A_406, %get3A_407] : memref<512x3328xbf16, #tpu.memory_space<vmem>>, vector<32x3328xbf16>
    %dot_general3A_409 = arith.constant dense<0.000000e+00> : vector<72x3328xf32>
    %dot_general3A_410 = tpu.matmul %get3A_405, %get3A_408, %dot_general3A_409 {dimension_numbers = #tpu.dot_dimension_numbers<[1], [0], [0], [1], [0, 0, 1, 1], [], []>, transpose_lhs_hint = false} : vector<72x32xbf16>, vector<32x3328xbf16>, vector<72x3328xf32> -> vector<72x3328xf32>
    %get3A_411 = arith.constant 0 : index
    %get3A_412 = arith.constant 0 : index
    %get3A_413 = vector.load %arg5[%get3A_411, %get3A_412] : memref<72x32xbf16, #tpu.memory_space<vmem>>, vector<72x32xbf16>
    %get3A_414 = arith.constant 96 : index
    %get3A_415 = arith.constant 0 : index
    %get3A_416 = vector.load %arg12[%get3A_414, %get3A_415] : memref<512x3328xbf16, #tpu.memory_space<vmem>>, vector<32x3328xbf16>
    %dot_general3A_417 = arith.constant dense<0.000000e+00> : vector<72x3328xf32>
    %dot_general3A_418 = tpu.matmul %get3A_413, %get3A_416, %dot_general3A_417 {dimension_numbers = #tpu.dot_dimension_numbers<[1], [0], [0], [1], [0, 0, 1, 1], [], []>, transpose_lhs_hint = false} : vector<72x32xbf16>, vector<32x3328xbf16>, vector<72x3328xf32> -> vector<72x3328xf32>
    %get3A_419 = arith.constant 0 : index
    %get3A_420 = arith.constant 0 : index
    %get3A_421 = vector.load %arg5[%get3A_419, %get3A_420] : memref<72x32xbf16, #tpu.memory_space<vmem>>, vector<72x32xbf16>
    %get3A_422 = arith.constant 128 : index
    %get3A_423 = arith.constant 0 : index
    %get3A_424 = vector.load %arg12[%get3A_422, %get3A_423] : memref<512x3328xbf16, #tpu.memory_space<vmem>>, vector<32x3328xbf16>
    %dot_general3A_425 = arith.constant dense<0.000000e+00> : vector<72x3328xf32>
    %dot_general3A_426 = tpu.matmul %get3A_421, %get3A_424, %dot_general3A_425 {dimension_numbers = #tpu.dot_dimension_numbers<[1], [0], [0], [1], [0, 0, 1, 1], [], []>, transpose_lhs_hint = false} : vector<72x32xbf16>, vector<32x3328xbf16>, vector<72x3328xf32> -> vector<72x3328xf32>
    %get3A_427 = arith.constant 0 : index
    %get3A_428 = arith.constant 0 : index
    %get3A_429 = vector.load %arg5[%get3A_427, %get3A_428] : memref<72x32xbf16, #tpu.memory_space<vmem>>, vector<72x32xbf16>
    %get3A_430 = arith.constant 160 : index
    %get3A_431 = arith.constant 0 : index
    %get3A_432 = vector.load %arg12[%get3A_430, %get3A_431] : memref<512x3328xbf16, #tpu.memory_space<vmem>>, vector<32x3328xbf16>
    %dot_general3A_433 = arith.constant dense<0.000000e+00> : vector<72x3328xf32>
    %dot_general3A_434 = tpu.matmul %get3A_429, %get3A_432, %dot_general3A_433 {dimension_numbers = #tpu.dot_dimension_numbers<[1], [0], [0], [1], [0, 0, 1, 1], [], []>, transpose_lhs_hint = false} : vector<72x32xbf16>, vector<32x3328xbf16>, vector<72x3328xf32> -> vector<72x3328xf32>
    %get3A_435 = arith.constant 0 : index
    %get3A_436 = arith.constant 0 : index
    %get3A_437 = vector.load %arg5[%get3A_435, %get3A_436] : memref<72x32xbf16, #tpu.memory_space<vmem>>, vector<72x32xbf16>
    %get3A_438 = arith.constant 192 : index
    %get3A_439 = arith.constant 0 : index
    %get3A_440 = vector.load %arg12[%get3A_438, %get3A_439] : memref<512x3328xbf16, #tpu.memory_space<vmem>>, vector<32x3328xbf16>
    %dot_general3A_441 = arith.constant dense<0.000000e+00> : vector<72x3328xf32>
    %dot_general3A_442 = tpu.matmul %get3A_437, %get3A_440, %dot_general3A_441 {dimension_numbers = #tpu.dot_dimension_numbers<[1], [0], [0], [1], [0, 0, 1, 1], [], []>, transpose_lhs_hint = false} : vector<72x32xbf16>, vector<32x3328xbf16>, vector<72x3328xf32> -> vector<72x3328xf32>
    %get3A_443 = arith.constant 0 : index
    %get3A_444 = arith.constant 0 : index
    %get3A_445 = vector.load %arg5[%get3A_443, %get3A_444] : memref<72x32xbf16, #tpu.memory_space<vmem>>, vector<72x32xbf16>
    %get3A_446 = arith.constant 224 : index
    %get3A_447 = arith.constant 0 : index
    %get3A_448 = vector.load %arg12[%get3A_446, %get3A_447] : memref<512x3328xbf16, #tpu.memory_space<vmem>>, vector<32x3328xbf16>
    %dot_general3A_449 = arith.constant dense<0.000000e+00> : vector<72x3328xf32>
    %dot_general3A_450 = tpu.matmul %get3A_445, %get3A_448, %dot_general3A_449 {dimension_numbers = #tpu.dot_dimension_numbers<[1], [0], [0], [1], [0, 0, 1, 1], [], []>, transpose_lhs_hint = false} : vector<72x32xbf16>, vector<32x3328xbf16>, vector<72x3328xf32> -> vector<72x3328xf32>
    %get3A_451 = arith.constant 0 : index
    %get3A_452 = arith.constant 0 : index
    %get3A_453 = vector.load %arg5[%get3A_451, %get3A_452] : memref<72x32xbf16, #tpu.memory_space<vmem>>, vector<72x32xbf16>
    %get3A_454 = arith.constant 256 : index
    %get3A_455 = arith.constant 0 : index
    %get3A_456 = vector.load %arg12[%get3A_454, %get3A_455] : memref<512x3328xbf16, #tpu.memory_space<vmem>>, vector<32x3328xbf16>
    %dot_general3A_457 = arith.constant dense<0.000000e+00> : vector<72x3328xf32>
    %dot_general3A_458 = tpu.matmul %get3A_453, %get3A_456, %dot_general3A_457 {dimension_numbers = #tpu.dot_dimension_numbers<[1], [0], [0], [1], [0, 0, 1, 1], [], []>, transpose_lhs_hint = false} : vector<72x32xbf16>, vector<32x3328xbf16>, vector<72x3328xf32> -> vector<72x3328xf32>
    %get3A_459 = arith.constant 0 : index
    %get3A_460 = arith.constant 0 : index
    %get3A_461 = vector.load %arg5[%get3A_459, %get3A_460] : memref<72x32xbf16, #tpu.memory_space<vmem>>, vector<72x32xbf16>
    %get3A_462 = arith.constant 288 : index
    %get3A_463 = arith.constant 0 : index
    %get3A_464 = vector.load %arg12[%get3A_462, %get3A_463] : memref<512x3328xbf16, #tpu.memory_space<vmem>>, vector<32x3328xbf16>
    %dot_general3A_465 = arith.constant dense<0.000000e+00> : vector<72x3328xf32>
    %dot_general3A_466 = tpu.matmul %get3A_461, %get3A_464, %dot_general3A_465 {dimension_numbers = #tpu.dot_dimension_numbers<[1], [0], [0], [1], [0, 0, 1, 1], [], []>, transpose_lhs_hint = false} : vector<72x32xbf16>, vector<32x3328xbf16>, vector<72x3328xf32> -> vector<72x3328xf32>
    %get3A_467 = arith.constant 0 : index
    %get3A_468 = arith.constant 0 : index
    %get3A_469 = vector.load %arg5[%get3A_467, %get3A_468] : memref<72x32xbf16, #tpu.memory_space<vmem>>, vector<72x32xbf16>
    %get3A_470 = arith.constant 320 : index
    %get3A_471 = arith.constant 0 : index
    %get3A_472 = vector.load %arg12[%get3A_470, %get3A_471] : memref<512x3328xbf16, #tpu.memory_space<vmem>>, vector<32x3328xbf16>
    %dot_general3A_473 = arith.constant dense<0.000000e+00> : vector<72x3328xf32>
    %dot_general3A_474 = tpu.matmul %get3A_469, %get3A_472, %dot_general3A_473 {dimension_numbers = #tpu.dot_dimension_numbers<[1], [0], [0], [1], [0, 0, 1, 1], [], []>, transpose_lhs_hint = false} : vector<72x32xbf16>, vector<32x3328xbf16>, vector<72x3328xf32> -> vector<72x3328xf32>
    %get3A_475 = arith.constant 0 : index
    %get3A_476 = arith.constant 0 : index
    %get3A_477 = vector.load %arg5[%get3A_475, %get3A_476] : memref<72x32xbf16, #tpu.memory_space<vmem>>, vector<72x32xbf16>
    %get3A_478 = arith.constant 352 : index
    %get3A_479 = arith.constant 0 : index
    %get3A_480 = vector.load %arg12[%get3A_478, %get3A_479] : memref<512x3328xbf16, #tpu.memory_space<vmem>>, vector<32x3328xbf16>
    %dot_general3A_481 = arith.constant dense<0.000000e+00> : vector<72x3328xf32>
    %dot_general3A_482 = tpu.matmul %get3A_477, %get3A_480, %dot_general3A_481 {dimension_numbers = #tpu.dot_dimension_numbers<[1], [0], [0], [1], [0, 0, 1, 1], [], []>, transpose_lhs_hint = false} : vector<72x32xbf16>, vector<32x3328xbf16>, vector<72x3328xf32> -> vector<72x3328xf32>
    %get3A_483 = arith.constant 0 : index
    %get3A_484 = arith.constant 0 : index
    %get3A_485 = vector.load %arg5[%get3A_483, %get3A_484] : memref<72x32xbf16, #tpu.memory_space<vmem>>, vector<72x32xbf16>
    %get3A_486 = arith.constant 384 : index
    %get3A_487 = arith.constant 0 : index
    %get3A_488 = vector.load %arg12[%get3A_486, %get3A_487] : memref<512x3328xbf16, #tpu.memory_space<vmem>>, vector<32x3328xbf16>
    %dot_general3A_489 = arith.constant dense<0.000000e+00> : vector<72x3328xf32>
    %dot_general3A_490 = tpu.matmul %get3A_485, %get3A_488, %dot_general3A_489 {dimension_numbers = #tpu.dot_dimension_numbers<[1], [0], [0], [1], [0, 0, 1, 1], [], []>, transpose_lhs_hint = false} : vector<72x32xbf16>, vector<32x3328xbf16>, vector<72x3328xf32> -> vector<72x3328xf32>
    %get3A_491 = arith.constant 0 : index
    %get3A_492 = arith.constant 0 : index
    %get3A_493 = vector.load %arg5[%get3A_491, %get3A_492] : memref<72x32xbf16, #tpu.memory_space<vmem>>, vector<72x32xbf16>
    %get3A_494 = arith.constant 416 : index
    %get3A_495 = arith.constant 0 : index
    %get3A_496 = vector.load %arg12[%get3A_494, %get3A_495] : memref<512x3328xbf16, #tpu.memory_space<vmem>>, vector<32x3328xbf16>
    %dot_general3A_497 = arith.constant dense<0.000000e+00> : vector<72x3328xf32>
    %dot_general3A_498 = tpu.matmul %get3A_493, %get3A_496, %dot_general3A_497 {dimension_numbers = #tpu.dot_dimension_numbers<[1], [0], [0], [1], [0, 0, 1, 1], [], []>, transpose_lhs_hint = false} : vector<72x32xbf16>, vector<32x3328xbf16>, vector<72x3328xf32> -> vector<72x3328xf32>
    %get3A_499 = arith.constant 0 : index
    %get3A_500 = arith.constant 0 : index
    %get3A_501 = vector.load %arg5[%get3A_499, %get3A_500] : memref<72x32xbf16, #tpu.memory_space<vmem>>, vector<72x32xbf16>
    %get3A_502 = arith.constant 448 : index
    %get3A_503 = arith.constant 0 : index
    %get3A_504 = vector.load %arg12[%get3A_502, %get3A_503] : memref<512x3328xbf16, #tpu.memory_space<vmem>>, vector<32x3328xbf16>
    %dot_general3A_505 = arith.constant dense<0.000000e+00> : vector<72x3328xf32>
    %dot_general3A_506 = tpu.matmul %get3A_501, %get3A_504, %dot_general3A_505 {dimension_numbers = #tpu.dot_dimension_numbers<[1], [0], [0], [1], [0, 0, 1, 1], [], []>, transpose_lhs_hint = false} : vector<72x32xbf16>, vector<32x3328xbf16>, vector<72x3328xf32> -> vector<72x3328xf32>
    %get3A_507 = arith.constant 0 : index
    %get3A_508 = arith.constant 0 : index
    %get3A_509 = vector.load %arg5[%get3A_507, %get3A_508] : memref<72x32xbf16, #tpu.memory_space<vmem>>, vector<72x32xbf16>
    %get3A_510 = arith.constant 480 : index
    %get3A_511 = arith.constant 0 : index
    %get3A_512 = vector.load %arg12[%get3A_510, %get3A_511] : memref<512x3328xbf16, #tpu.memory_space<vmem>>, vector<32x3328xbf16>
    %dot_general3A_513 = arith.constant dense<0.000000e+00> : vector<72x3328xf32>
    %dot_general3A_514 = tpu.matmul %get3A_509, %get3A_512, %dot_general3A_513 {dimension_numbers = #tpu.dot_dimension_numbers<[1], [0], [0], [1], [0, 0, 1, 1], [], []>, transpose_lhs_hint = false} : vector<72x32xbf16>, vector<32x3328xbf16>, vector<72x3328xf32> -> vector<72x3328xf32>
    %get3A_515 = arith.constant 0 : index
    %get3A_516 = arith.constant 0 : index
    %get3A_517 = vector.load %arg8[%get3A_515, %get3A_516] : memref<8x128xf32, #tpu.memory_space<vmem>>, vector<3x1xf32>
    %broadcast_in_dim3A_518 = arith.constant 0.000000e+00 : f32
    %broadcast_in_dim3A_519 = vector.broadcast %broadcast_in_dim3A_518 : f32 to vector<8x3136xf32>
    %slice3A_520 = vector.extract_strided_slice %dot_general3A_514 {offsets = [0, 71], sizes = [8, 3136], strides = [1, 1]} : vector<72x3328xf32> to vector<8x3136xf32>
    %jit3A_521 = arith.constant 0.000000e+00 : f32
    %broadcast_in_dim3A_522 = vector.shape_cast %ne3A_22 : vector<1x3136xi1> to vector<1x3136xi1>
    %broadcast_in_dim3A_523 = vector.broadcast %broadcast_in_dim3A_522 : vector<1x3136xi1> to vector<8x3136xi1>
    %broadcast_in_dim3A_524 = vector.broadcast %jit3A_521 : f32 to vector<8x3136xf32>
    %select_n3A_525 = arith.select %broadcast_in_dim3A_523, %slice3A_520, %broadcast_in_dim3A_524 : vector<8x3136xi1>, vector<8x3136xf32>
    %add3A_526 = arith.addf %broadcast_in_dim3A_519, %select_n3A_525 : vector<8x3136xf32>
    %slice3A_527 = vector.extract_strided_slice %dot_general3A_490 {offsets = [8, 72], sizes = [8, 3136], strides = [1, 1]} : vector<72x3328xf32> to vector<8x3136xf32>
    %add3A_528 = arith.addf %add3A_526, %slice3A_527 : vector<8x3136xf32>
    %slice3A_529 = vector.extract_strided_slice %dot_general3A_498 {offsets = [16, 72], sizes = [8, 3136], strides = [1, 1]} : vector<72x3328xf32> to vector<8x3136xf32>
    %add3A_530 = arith.addf %add3A_528, %slice3A_529 : vector<8x3136xf32>
    %slice3A_531 = vector.extract_strided_slice %dot_general3A_418 {offsets = [24, 127], sizes = [8, 3136], strides = [1, 1]} : vector<72x3328xf32> to vector<8x3136xf32>
    %jit3A_532 = arith.constant 0.000000e+00 : f32
    %broadcast_in_dim3A_533 = vector.shape_cast %ne3A_22 : vector<1x3136xi1> to vector<1x3136xi1>
    %broadcast_in_dim3A_534 = vector.broadcast %broadcast_in_dim3A_533 : vector<1x3136xi1> to vector<8x3136xi1>
    %broadcast_in_dim3A_535 = vector.broadcast %jit3A_532 : f32 to vector<8x3136xf32>
    %select_n3A_536 = arith.select %broadcast_in_dim3A_534, %slice3A_531, %broadcast_in_dim3A_535 : vector<8x3136xi1>, vector<8x3136xf32>
    %add3A_537 = arith.addf %add3A_530, %select_n3A_536 : vector<8x3136xf32>
    %slice3A_538 = vector.extract_strided_slice %dot_general3A_394 {offsets = [32, 128], sizes = [8, 3136], strides = [1, 1]} : vector<72x3328xf32> to vector<8x3136xf32>
    %add3A_539 = arith.addf %add3A_537, %slice3A_538 : vector<8x3136xf32>
    %slice3A_540 = vector.extract_strided_slice %dot_general3A_402 {offsets = [40, 128], sizes = [8, 3136], strides = [1, 1]} : vector<72x3328xf32> to vector<8x3136xf32>
    %add3A_541 = arith.addf %add3A_539, %slice3A_540 : vector<8x3136xf32>
    %slice3A_542 = vector.extract_strided_slice %dot_general3A_450 {offsets = [48, 127], sizes = [8, 3136], strides = [1, 1]} : vector<72x3328xf32> to vector<8x3136xf32>
    %jit3A_543 = arith.constant 0.000000e+00 : f32
    %broadcast_in_dim3A_544 = vector.shape_cast %ne3A_22 : vector<1x3136xi1> to vector<1x3136xi1>
    %broadcast_in_dim3A_545 = vector.broadcast %broadcast_in_dim3A_544 : vector<1x3136xi1> to vector<8x3136xi1>
    %broadcast_in_dim3A_546 = vector.broadcast %jit3A_543 : f32 to vector<8x3136xf32>
    %select_n3A_547 = arith.select %broadcast_in_dim3A_545, %slice3A_542, %broadcast_in_dim3A_546 : vector<8x3136xi1>, vector<8x3136xf32>
    %add3A_548 = arith.addf %add3A_541, %select_n3A_547 : vector<8x3136xf32>
    %slice3A_549 = vector.extract_strided_slice %dot_general3A_426 {offsets = [56, 128], sizes = [8, 3136], strides = [1, 1]} : vector<72x3328xf32> to vector<8x3136xf32>
    %add3A_550 = arith.addf %add3A_548, %slice3A_549 : vector<8x3136xf32>
    %slice3A_551 = vector.extract_strided_slice %dot_general3A_434 {offsets = [64, 128], sizes = [8, 3136], strides = [1, 1]} : vector<72x3328xf32> to vector<8x3136xf32>
    %add3A_552 = arith.addf %add3A_550, %slice3A_551 : vector<8x3136xf32>
    %slice3A_553 = vector.extract_strided_slice %add3A_552 {offsets = [0, 0], sizes = [3, 3136], strides = [1, 1]} : vector<8x3136xf32> to vector<3x3136xf32>
    %add3A_554 = vector.broadcast %get3A_517 : vector<3x1xf32> to vector<3x3136xf32>
    %add3A_555 = arith.addf %slice3A_553, %add3A_554 : vector<3x3136xf32>
    %get3A_556 = arith.constant 0 : index
    %get3A_557 = arith.constant 0 : index
    %get3A_558 = arith.constant 0 : index
    %get3A_559 = arith.constant 0 : index
    %get3A_560 = arith.constant 0 : index
    %get3A_561 = vector.load %arg2[%get3A_556, %get3A_557, %get3A_558, %get3A_559, %get3A_560] : memref<1x4x4x3x3136xf32, #tpu.memory_space<vmem>>, vector<1x1x1x3x3136xf32>
    %get3A_562 = vector.shape_cast %get3A_561 : vector<1x1x1x3x3136xf32> to vector<3x3136xf32>
    %sub3A = arith.subf %add3A_555, %get3A_562 : vector<3x3136xf32>
    %mul3A = arith.mulf %sub3A, %sub3A : vector<3x3136xf32>
    %reduce_sum3A = vector.shape_cast %mul3A : vector<3x3136xf32> to vector<1x3x3136xf32>
    %reduce_sum3A_563 = arith.constant dense<0.000000e+00> : vector<1xf32>
    %reduce_sum3A_564 = vector.multi_reduction <add>, %reduce_sum3A, %reduce_sum3A_563 [1, 2] : vector<1x3x3136xf32> to vector<1xf32>
    %reduce_sum3A_565 = vector.shape_cast %reduce_sum3A_564 : vector<1xf32> to vector<1x1x1xf32>
    %reduce_sum3A_566 = vector.extract %reduce_sum3A_565[0, 0, 0] : f32 from vector<1x1x1xf32>
    %add3A_567 = arith.constant 0.000000e+00 : f32
    %add3A_568 = arith.addf %add3A_567, %reduce_sum3A_566 : f32
    %broadcast_in_dim3A_569 = arith.constant 0.000000e+00 : f32
    %broadcast_in_dim3A_570 = vector.broadcast %broadcast_in_dim3A_569 : f32 to vector<8x3136xf32>
    %slice3A_571 = vector.extract_strided_slice %dot_general3A_490 {offsets = [0, 72], sizes = [8, 3136], strides = [1, 1]} : vector<72x3328xf32> to vector<8x3136xf32>
    %add3A_572 = arith.addf %broadcast_in_dim3A_570, %slice3A_571 : vector<8x3136xf32>
    %slice3A_573 = vector.extract_strided_slice %dot_general3A_498 {offsets = [8, 72], sizes = [8, 3136], strides = [1, 1]} : vector<72x3328xf32> to vector<8x3136xf32>
    %add3A_574 = arith.addf %add3A_572, %slice3A_573 : vector<8x3136xf32>
    %slice3A_575 = vector.extract_strided_slice %dot_general3A_506 {offsets = [16, 72], sizes = [8, 3136], strides = [1, 1]} : vector<72x3328xf32> to vector<8x3136xf32>
    %add3A_576 = arith.addf %add3A_574, %slice3A_575 : vector<8x3136xf32>
    %slice3A_577 = vector.extract_strided_slice %dot_general3A_394 {offsets = [24, 128], sizes = [8, 3136], strides = [1, 1]} : vector<72x3328xf32> to vector<8x3136xf32>
    %add3A_578 = arith.addf %add3A_576, %slice3A_577 : vector<8x3136xf32>
    %slice3A_579 = vector.extract_strided_slice %dot_general3A_402 {offsets = [32, 128], sizes = [8, 3136], strides = [1, 1]} : vector<72x3328xf32> to vector<8x3136xf32>
    %add3A_580 = arith.addf %add3A_578, %slice3A_579 : vector<8x3136xf32>
    %slice3A_581 = vector.extract_strided_slice %dot_general3A_410 {offsets = [40, 128], sizes = [8, 3136], strides = [1, 1]} : vector<72x3328xf32> to vector<8x3136xf32>
    %add3A_582 = arith.addf %add3A_580, %slice3A_581 : vector<8x3136xf32>
    %slice3A_583 = vector.extract_strided_slice %dot_general3A_426 {offsets = [48, 128], sizes = [8, 3136], strides = [1, 1]} : vector<72x3328xf32> to vector<8x3136xf32>
    %add3A_584 = arith.addf %add3A_582, %slice3A_583 : vector<8x3136xf32>
    %slice3A_585 = vector.extract_strided_slice %dot_general3A_434 {offsets = [56, 128], sizes = [8, 3136], strides = [1, 1]} : vector<72x3328xf32> to vector<8x3136xf32>
    %add3A_586 = arith.addf %add3A_584, %slice3A_585 : vector<8x3136xf32>
    %slice3A_587 = vector.extract_strided_slice %dot_general3A_442 {offsets = [64, 128], sizes = [8, 3136], strides = [1, 1]} : vector<72x3328xf32> to vector<8x3136xf32>
    %add3A_588 = arith.addf %add3A_586, %slice3A_587 : vector<8x3136xf32>
    %slice3A_589 = vector.extract_strided_slice %add3A_588 {offsets = [0, 0], sizes = [3, 3136], strides = [1, 1]} : vector<8x3136xf32> to vector<3x3136xf32>
    %add3A_590 = vector.broadcast %get3A_517 : vector<3x1xf32> to vector<3x3136xf32>
    %add3A_591 = arith.addf %slice3A_589, %add3A_590 : vector<3x3136xf32>
    %get3A_592 = arith.constant 0 : index
    %get3A_593 = arith.constant 0 : index
    %get3A_594 = arith.constant 1 : index
    %get3A_595 = arith.constant 0 : index
    %get3A_596 = arith.constant 0 : index
    %get3A_597 = vector.load %arg2[%get3A_592, %get3A_593, %get3A_594, %get3A_595, %get3A_596] : memref<1x4x4x3x3136xf32, #tpu.memory_space<vmem>>, vector<1x1x1x3x3136xf32>
    %get3A_598 = vector.shape_cast %get3A_597 : vector<1x1x1x3x3136xf32> to vector<3x3136xf32>
    %sub3A_599 = arith.subf %add3A_591, %get3A_598 : vector<3x3136xf32>
    %mul3A_600 = arith.mulf %sub3A_599, %sub3A_599 : vector<3x3136xf32>
    %reduce_sum3A_601 = vector.shape_cast %mul3A_600 : vector<3x3136xf32> to vector<1x3x3136xf32>
    %reduce_sum3A_602 = arith.constant dense<0.000000e+00> : vector<1xf32>
    %reduce_sum3A_603 = vector.multi_reduction <add>, %reduce_sum3A_601, %reduce_sum3A_602 [1, 2] : vector<1x3x3136xf32> to vector<1xf32>
    %reduce_sum3A_604 = vector.shape_cast %reduce_sum3A_603 : vector<1xf32> to vector<1x1x1xf32>
    %reduce_sum3A_605 = vector.extract %reduce_sum3A_604[0, 0, 0] : f32 from vector<1x1x1xf32>
    %add3A_606 = arith.addf %add3A_568, %reduce_sum3A_605 : f32
    %broadcast_in_dim3A_607 = arith.constant 0.000000e+00 : f32
    %broadcast_in_dim3A_608 = vector.broadcast %broadcast_in_dim3A_607 : f32 to vector<8x3136xf32>
    %slice3A_609 = vector.extract_strided_slice %dot_general3A_498 {offsets = [0, 72], sizes = [8, 3136], strides = [1, 1]} : vector<72x3328xf32> to vector<8x3136xf32>
    %add3A_610 = arith.addf %broadcast_in_dim3A_608, %slice3A_609 : vector<8x3136xf32>
    %slice3A_611 = vector.extract_strided_slice %dot_general3A_506 {offsets = [8, 72], sizes = [8, 3136], strides = [1, 1]} : vector<72x3328xf32> to vector<8x3136xf32>
    %add3A_612 = arith.addf %add3A_610, %slice3A_611 : vector<8x3136xf32>
    %slice3A_613 = vector.extract_strided_slice %dot_general3A_514 {offsets = [16, 72], sizes = [8, 3136], strides = [1, 1]} : vector<72x3328xf32> to vector<8x3136xf32>
    %add3A_614 = arith.addf %add3A_612, %slice3A_613 : vector<8x3136xf32>
    %slice3A_615 = vector.extract_strided_slice %dot_general3A_402 {offsets = [24, 128], sizes = [8, 3136], strides = [1, 1]} : vector<72x3328xf32> to vector<8x3136xf32>
    %add3A_616 = arith.addf %add3A_614, %slice3A_615 : vector<8x3136xf32>
    %slice3A_617 = vector.extract_strided_slice %dot_general3A_410 {offsets = [32, 128], sizes = [8, 3136], strides = [1, 1]} : vector<72x3328xf32> to vector<8x3136xf32>
    %add3A_618 = arith.addf %add3A_616, %slice3A_617 : vector<8x3136xf32>
    %slice3A_619 = vector.extract_strided_slice %dot_general3A_418 {offsets = [40, 128], sizes = [8, 3136], strides = [1, 1]} : vector<72x3328xf32> to vector<8x3136xf32>
    %add3A_620 = arith.addf %add3A_618, %slice3A_619 : vector<8x3136xf32>
    %slice3A_621 = vector.extract_strided_slice %dot_general3A_434 {offsets = [48, 128], sizes = [8, 3136], strides = [1, 1]} : vector<72x3328xf32> to vector<8x3136xf32>
    %add3A_622 = arith.addf %add3A_620, %slice3A_621 : vector<8x3136xf32>
    %slice3A_623 = vector.extract_strided_slice %dot_general3A_442 {offsets = [56, 128], sizes = [8, 3136], strides = [1, 1]} : vector<72x3328xf32> to vector<8x3136xf32>
    %add3A_624 = arith.addf %add3A_622, %slice3A_623 : vector<8x3136xf32>
    %slice3A_625 = vector.extract_strided_slice %dot_general3A_450 {offsets = [64, 128], sizes = [8, 3136], strides = [1, 1]} : vector<72x3328xf32> to vector<8x3136xf32>
    %add3A_626 = arith.addf %add3A_624, %slice3A_625 : vector<8x3136xf32>
    %slice3A_627 = vector.extract_strided_slice %add3A_626 {offsets = [0, 0], sizes = [3, 3136], strides = [1, 1]} : vector<8x3136xf32> to vector<3x3136xf32>
    %add3A_628 = vector.broadcast %get3A_517 : vector<3x1xf32> to vector<3x3136xf32>
    %add3A_629 = arith.addf %slice3A_627, %add3A_628 : vector<3x3136xf32>
    %get3A_630 = arith.constant 0 : index
    %get3A_631 = arith.constant 0 : index
    %get3A_632 = arith.constant 2 : index
    %get3A_633 = arith.constant 0 : index
    %get3A_634 = arith.constant 0 : index
    %get3A_635 = vector.load %arg2[%get3A_630, %get3A_631, %get3A_632, %get3A_633, %get3A_634] : memref<1x4x4x3x3136xf32, #tpu.memory_space<vmem>>, vector<1x1x1x3x3136xf32>
    %get3A_636 = vector.shape_cast %get3A_635 : vector<1x1x1x3x3136xf32> to vector<3x3136xf32>
    %sub3A_637 = arith.subf %add3A_629, %get3A_636 : vector<3x3136xf32>
    %mul3A_638 = arith.mulf %sub3A_637, %sub3A_637 : vector<3x3136xf32>
    %reduce_sum3A_639 = vector.shape_cast %mul3A_638 : vector<3x3136xf32> to vector<1x3x3136xf32>
    %reduce_sum3A_640 = arith.constant dense<0.000000e+00> : vector<1xf32>
    %reduce_sum3A_641 = vector.multi_reduction <add>, %reduce_sum3A_639, %reduce_sum3A_640 [1, 2] : vector<1x3x3136xf32> to vector<1xf32>
    %reduce_sum3A_642 = vector.shape_cast %reduce_sum3A_641 : vector<1xf32> to vector<1x1x1xf32>
    %reduce_sum3A_643 = vector.extract %reduce_sum3A_642[0, 0, 0] : f32 from vector<1x1x1xf32>
    %add3A_644 = arith.addf %add3A_606, %reduce_sum3A_643 : f32
    %broadcast_in_dim3A_645 = arith.constant 0.000000e+00 : f32
    %broadcast_in_dim3A_646 = vector.broadcast %broadcast_in_dim3A_645 : f32 to vector<8x3136xf32>
    %slice3A_647 = vector.extract_strided_slice %dot_general3A_506 {offsets = [0, 72], sizes = [8, 3136], strides = [1, 1]} : vector<72x3328xf32> to vector<8x3136xf32>
    %add3A_648 = arith.addf %broadcast_in_dim3A_646, %slice3A_647 : vector<8x3136xf32>
    %slice3A_649 = vector.extract_strided_slice %dot_general3A_514 {offsets = [8, 72], sizes = [8, 3136], strides = [1, 1]} : vector<72x3328xf32> to vector<8x3136xf32>
    %add3A_650 = arith.addf %add3A_648, %slice3A_649 : vector<8x3136xf32>
    %slice3A_651 = vector.extract_strided_slice %dot_general3A_490 {offsets = [16, 73], sizes = [8, 3136], strides = [1, 1]} : vector<72x3328xf32> to vector<8x3136xf32>
    %jit3A_652 = arith.constant 0.000000e+00 : f32
    %broadcast_in_dim3A_653 = vector.shape_cast %ne3A_19 : vector<1x3136xi1> to vector<1x3136xi1>
    %broadcast_in_dim3A_654 = vector.broadcast %broadcast_in_dim3A_653 : vector<1x3136xi1> to vector<8x3136xi1>
    %broadcast_in_dim3A_655 = vector.broadcast %jit3A_652 : f32 to vector<8x3136xf32>
    %select_n3A_656 = arith.select %broadcast_in_dim3A_654, %slice3A_651, %broadcast_in_dim3A_655 : vector<8x3136xi1>, vector<8x3136xf32>
    %add3A_657 = arith.addf %add3A_650, %select_n3A_656 : vector<8x3136xf32>
    %slice3A_658 = vector.extract_strided_slice %dot_general3A_410 {offsets = [24, 128], sizes = [8, 3136], strides = [1, 1]} : vector<72x3328xf32> to vector<8x3136xf32>
    %add3A_659 = arith.addf %add3A_657, %slice3A_658 : vector<8x3136xf32>
    %slice3A_660 = vector.extract_strided_slice %dot_general3A_418 {offsets = [32, 128], sizes = [8, 3136], strides = [1, 1]} : vector<72x3328xf32> to vector<8x3136xf32>
    %add3A_661 = arith.addf %add3A_659, %slice3A_660 : vector<8x3136xf32>
    %slice3A_662 = vector.extract_strided_slice %dot_general3A_394 {offsets = [40, 129], sizes = [8, 3136], strides = [1, 1]} : vector<72x3328xf32> to vector<8x3136xf32>
    %jit3A_663 = arith.constant 0.000000e+00 : f32
    %broadcast_in_dim3A_664 = vector.shape_cast %ne3A_19 : vector<1x3136xi1> to vector<1x3136xi1>
    %broadcast_in_dim3A_665 = vector.broadcast %broadcast_in_dim3A_664 : vector<1x3136xi1> to vector<8x3136xi1>
    %broadcast_in_dim3A_666 = vector.broadcast %jit3A_663 : f32 to vector<8x3136xf32>
    %select_n3A_667 = arith.select %broadcast_in_dim3A_665, %slice3A_662, %broadcast_in_dim3A_666 : vector<8x3136xi1>, vector<8x3136xf32>
    %add3A_668 = arith.addf %add3A_661, %select_n3A_667 : vector<8x3136xf32>
    %slice3A_669 = vector.extract_strided_slice %dot_general3A_442 {offsets = [48, 128], sizes = [8, 3136], strides = [1, 1]} : vector<72x3328xf32> to vector<8x3136xf32>
    %add3A_670 = arith.addf %add3A_668, %slice3A_669 : vector<8x3136xf32>
    %slice3A_671 = vector.extract_strided_slice %dot_general3A_450 {offsets = [56, 128], sizes = [8, 3136], strides = [1, 1]} : vector<72x3328xf32> to vector<8x3136xf32>
    %add3A_672 = arith.addf %add3A_670, %slice3A_671 : vector<8x3136xf32>
    %slice3A_673 = vector.extract_strided_slice %dot_general3A_426 {offsets = [64, 129], sizes = [8, 3136], strides = [1, 1]} : vector<72x3328xf32> to vector<8x3136xf32>
    %jit3A_674 = arith.constant 0.000000e+00 : f32
    %broadcast_in_dim3A_675 = vector.shape_cast %ne3A_19 : vector<1x3136xi1> to vector<1x3136xi1>
    %broadcast_in_dim3A_676 = vector.broadcast %broadcast_in_dim3A_675 : vector<1x3136xi1> to vector<8x3136xi1>
    %broadcast_in_dim3A_677 = vector.broadcast %jit3A_674 : f32 to vector<8x3136xf32>
    %select_n3A_678 = arith.select %broadcast_in_dim3A_676, %slice3A_673, %broadcast_in_dim3A_677 : vector<8x3136xi1>, vector<8x3136xf32>
    %add3A_679 = arith.addf %add3A_672, %select_n3A_678 : vector<8x3136xf32>
    %slice3A_680 = vector.extract_strided_slice %add3A_679 {offsets = [0, 0], sizes = [3, 3136], strides = [1, 1]} : vector<8x3136xf32> to vector<3x3136xf32>
    %add3A_681 = vector.broadcast %get3A_517 : vector<3x1xf32> to vector<3x3136xf32>
    %add3A_682 = arith.addf %slice3A_680, %add3A_681 : vector<3x3136xf32>
    %get3A_683 = arith.constant 0 : index
    %get3A_684 = arith.constant 0 : index
    %get3A_685 = arith.constant 3 : index
    %get3A_686 = arith.constant 0 : index
    %get3A_687 = arith.constant 0 : index
    %get3A_688 = vector.load %arg2[%get3A_683, %get3A_684, %get3A_685, %get3A_686, %get3A_687] : memref<1x4x4x3x3136xf32, #tpu.memory_space<vmem>>, vector<1x1x1x3x3136xf32>
    %get3A_689 = vector.shape_cast %get3A_688 : vector<1x1x1x3x3136xf32> to vector<3x3136xf32>
    %sub3A_690 = arith.subf %add3A_682, %get3A_689 : vector<3x3136xf32>
    %mul3A_691 = arith.mulf %sub3A_690, %sub3A_690 : vector<3x3136xf32>
    %reduce_sum3A_692 = vector.shape_cast %mul3A_691 : vector<3x3136xf32> to vector<1x3x3136xf32>
    %reduce_sum3A_693 = arith.constant dense<0.000000e+00> : vector<1xf32>
    %reduce_sum3A_694 = vector.multi_reduction <add>, %reduce_sum3A_692, %reduce_sum3A_693 [1, 2] : vector<1x3x3136xf32> to vector<1xf32>
    %reduce_sum3A_695 = vector.shape_cast %reduce_sum3A_694 : vector<1xf32> to vector<1x1x1xf32>
    %reduce_sum3A_696 = vector.extract %reduce_sum3A_695[0, 0, 0] : f32 from vector<1x1x1xf32>
    %add3A_697 = arith.addf %add3A_644, %reduce_sum3A_696 : f32
    %broadcast_in_dim3A_698 = arith.constant 0.000000e+00 : f32
    %broadcast_in_dim3A_699 = vector.broadcast %broadcast_in_dim3A_698 : f32 to vector<8x3136xf32>
    %slice3A_700 = vector.extract_strided_slice %dot_general3A_418 {offsets = [0, 127], sizes = [8, 3136], strides = [1, 1]} : vector<72x3328xf32> to vector<8x3136xf32>
    %jit3A_701 = arith.constant 0.000000e+00 : f32
    %broadcast_in_dim3A_702 = vector.shape_cast %ne3A_22 : vector<1x3136xi1> to vector<1x3136xi1>
    %broadcast_in_dim3A_703 = vector.broadcast %broadcast_in_dim3A_702 : vector<1x3136xi1> to vector<8x3136xi1>
    %broadcast_in_dim3A_704 = vector.broadcast %jit3A_701 : f32 to vector<8x3136xf32>
    %select_n3A_705 = arith.select %broadcast_in_dim3A_703, %slice3A_700, %broadcast_in_dim3A_704 : vector<8x3136xi1>, vector<8x3136xf32>
    %add3A_706 = arith.addf %broadcast_in_dim3A_699, %select_n3A_705 : vector<8x3136xf32>
    %slice3A_707 = vector.extract_strided_slice %dot_general3A_394 {offsets = [8, 128], sizes = [8, 3136], strides = [1, 1]} : vector<72x3328xf32> to vector<8x3136xf32>
    %add3A_708 = arith.addf %add3A_706, %slice3A_707 : vector<8x3136xf32>
    %slice3A_709 = vector.extract_strided_slice %dot_general3A_402 {offsets = [16, 128], sizes = [8, 3136], strides = [1, 1]} : vector<72x3328xf32> to vector<8x3136xf32>
    %add3A_710 = arith.addf %add3A_708, %slice3A_709 : vector<8x3136xf32>
    %slice3A_711 = vector.extract_strided_slice %dot_general3A_450 {offsets = [24, 127], sizes = [8, 3136], strides = [1, 1]} : vector<72x3328xf32> to vector<8x3136xf32>
    %jit3A_712 = arith.constant 0.000000e+00 : f32
    %broadcast_in_dim3A_713 = vector.shape_cast %ne3A_22 : vector<1x3136xi1> to vector<1x3136xi1>
    %broadcast_in_dim3A_714 = vector.broadcast %broadcast_in_dim3A_713 : vector<1x3136xi1> to vector<8x3136xi1>
    %broadcast_in_dim3A_715 = vector.broadcast %jit3A_712 : f32 to vector<8x3136xf32>
    %select_n3A_716 = arith.select %broadcast_in_dim3A_714, %slice3A_711, %broadcast_in_dim3A_715 : vector<8x3136xi1>, vector<8x3136xf32>
    %add3A_717 = arith.addf %add3A_710, %select_n3A_716 : vector<8x3136xf32>
    %slice3A_718 = vector.extract_strided_slice %dot_general3A_426 {offsets = [32, 128], sizes = [8, 3136], strides = [1, 1]} : vector<72x3328xf32> to vector<8x3136xf32>
    %add3A_719 = arith.addf %add3A_717, %slice3A_718 : vector<8x3136xf32>
    %slice3A_720 = vector.extract_strided_slice %dot_general3A_434 {offsets = [40, 128], sizes = [8, 3136], strides = [1, 1]} : vector<72x3328xf32> to vector<8x3136xf32>
    %add3A_721 = arith.addf %add3A_719, %slice3A_720 : vector<8x3136xf32>
    %slice3A_722 = vector.extract_strided_slice %dot_general3A_482 {offsets = [48, 127], sizes = [8, 3136], strides = [1, 1]} : vector<72x3328xf32> to vector<8x3136xf32>
    %jit3A_723 = arith.constant 0.000000e+00 : f32
    %broadcast_in_dim3A_724 = vector.shape_cast %ne3A_22 : vector<1x3136xi1> to vector<1x3136xi1>
    %broadcast_in_dim3A_725 = vector.broadcast %broadcast_in_dim3A_724 : vector<1x3136xi1> to vector<8x3136xi1>
    %broadcast_in_dim3A_726 = vector.broadcast %jit3A_723 : f32 to vector<8x3136xf32>
    %select_n3A_727 = arith.select %broadcast_in_dim3A_725, %slice3A_722, %broadcast_in_dim3A_726 : vector<8x3136xi1>, vector<8x3136xf32>
    %add3A_728 = arith.addf %add3A_721, %select_n3A_727 : vector<8x3136xf32>
    %slice3A_729 = vector.extract_strided_slice %dot_general3A_458 {offsets = [56, 128], sizes = [8, 3136], strides = [1, 1]} : vector<72x3328xf32> to vector<8x3136xf32>
    %add3A_730 = arith.addf %add3A_728, %slice3A_729 : vector<8x3136xf32>
    %slice3A_731 = vector.extract_strided_slice %dot_general3A_466 {offsets = [64, 128], sizes = [8, 3136], strides = [1, 1]} : vector<72x3328xf32> to vector<8x3136xf32>
    %add3A_732 = arith.addf %add3A_730, %slice3A_731 : vector<8x3136xf32>
    %slice3A_733 = vector.extract_strided_slice %add3A_732 {offsets = [0, 0], sizes = [3, 3136], strides = [1, 1]} : vector<8x3136xf32> to vector<3x3136xf32>
    %add3A_734 = vector.broadcast %get3A_517 : vector<3x1xf32> to vector<3x3136xf32>
    %add3A_735 = arith.addf %slice3A_733, %add3A_734 : vector<3x3136xf32>
    %get3A_736 = arith.constant 0 : index
    %get3A_737 = arith.constant 1 : index
    %get3A_738 = arith.constant 0 : index
    %get3A_739 = arith.constant 0 : index
    %get3A_740 = arith.constant 0 : index
    %get3A_741 = vector.load %arg2[%get3A_736, %get3A_737, %get3A_738, %get3A_739, %get3A_740] : memref<1x4x4x3x3136xf32, #tpu.memory_space<vmem>>, vector<1x1x1x3x3136xf32>
    %get3A_742 = vector.shape_cast %get3A_741 : vector<1x1x1x3x3136xf32> to vector<3x3136xf32>
    %sub3A_743 = arith.subf %add3A_735, %get3A_742 : vector<3x3136xf32>
    %mul3A_744 = arith.mulf %sub3A_743, %sub3A_743 : vector<3x3136xf32>
    %reduce_sum3A_745 = vector.shape_cast %mul3A_744 : vector<3x3136xf32> to vector<1x3x3136xf32>
    %reduce_sum3A_746 = arith.constant dense<0.000000e+00> : vector<1xf32>
    %reduce_sum3A_747 = vector.multi_reduction <add>, %reduce_sum3A_745, %reduce_sum3A_746 [1, 2] : vector<1x3x3136xf32> to vector<1xf32>
    %reduce_sum3A_748 = vector.shape_cast %reduce_sum3A_747 : vector<1xf32> to vector<1x1x1xf32>
    %reduce_sum3A_749 = vector.extract %reduce_sum3A_748[0, 0, 0] : f32 from vector<1x1x1xf32>
    %add3A_750 = arith.addf %add3A_697, %reduce_sum3A_749 : f32
    %broadcast_in_dim3A_751 = arith.constant 0.000000e+00 : f32
    %broadcast_in_dim3A_752 = vector.broadcast %broadcast_in_dim3A_751 : f32 to vector<8x3136xf32>
    %slice3A_753 = vector.extract_strided_slice %dot_general3A_394 {offsets = [0, 128], sizes = [8, 3136], strides = [1, 1]} : vector<72x3328xf32> to vector<8x3136xf32>
    %add3A_754 = arith.addf %broadcast_in_dim3A_752, %slice3A_753 : vector<8x3136xf32>
    %slice3A_755 = vector.extract_strided_slice %dot_general3A_402 {offsets = [8, 128], sizes = [8, 3136], strides = [1, 1]} : vector<72x3328xf32> to vector<8x3136xf32>
    %add3A_756 = arith.addf %add3A_754, %slice3A_755 : vector<8x3136xf32>
    %slice3A_757 = vector.extract_strided_slice %dot_general3A_410 {offsets = [16, 128], sizes = [8, 3136], strides = [1, 1]} : vector<72x3328xf32> to vector<8x3136xf32>
    %add3A_758 = arith.addf %add3A_756, %slice3A_757 : vector<8x3136xf32>
    %slice3A_759 = vector.extract_strided_slice %dot_general3A_426 {offsets = [24, 128], sizes = [8, 3136], strides = [1, 1]} : vector<72x3328xf32> to vector<8x3136xf32>
    %add3A_760 = arith.addf %add3A_758, %slice3A_759 : vector<8x3136xf32>
    %slice3A_761 = vector.extract_strided_slice %dot_general3A_434 {offsets = [32, 128], sizes = [8, 3136], strides = [1, 1]} : vector<72x3328xf32> to vector<8x3136xf32>
    %add3A_762 = arith.addf %add3A_760, %slice3A_761 : vector<8x3136xf32>
    %slice3A_763 = vector.extract_strided_slice %dot_general3A_442 {offsets = [40, 128], sizes = [8, 3136], strides = [1, 1]} : vector<72x3328xf32> to vector<8x3136xf32>
    %add3A_764 = arith.addf %add3A_762, %slice3A_763 : vector<8x3136xf32>
    %slice3A_765 = vector.extract_strided_slice %dot_general3A_458 {offsets = [48, 128], sizes = [8, 3136], strides = [1, 1]} : vector<72x3328xf32> to vector<8x3136xf32>
    %add3A_766 = arith.addf %add3A_764, %slice3A_765 : vector<8x3136xf32>
    %slice3A_767 = vector.extract_strided_slice %dot_general3A_466 {offsets = [56, 128], sizes = [8, 3136], strides = [1, 1]} : vector<72x3328xf32> to vector<8x3136xf32>
    %add3A_768 = arith.addf %add3A_766, %slice3A_767 : vector<8x3136xf32>
    %slice3A_769 = vector.extract_strided_slice %dot_general3A_474 {offsets = [64, 128], sizes = [8, 3136], strides = [1, 1]} : vector<72x3328xf32> to vector<8x3136xf32>
    %add3A_770 = arith.addf %add3A_768, %slice3A_769 : vector<8x3136xf32>
    %slice3A_771 = vector.extract_strided_slice %add3A_770 {offsets = [0, 0], sizes = [3, 3136], strides = [1, 1]} : vector<8x3136xf32> to vector<3x3136xf32>
    %add3A_772 = vector.broadcast %get3A_517 : vector<3x1xf32> to vector<3x3136xf32>
    %add3A_773 = arith.addf %slice3A_771, %add3A_772 : vector<3x3136xf32>
    %get3A_774 = arith.constant 0 : index
    %get3A_775 = arith.constant 1 : index
    %get3A_776 = arith.constant 1 : index
    %get3A_777 = arith.constant 0 : index
    %get3A_778 = arith.constant 0 : index
    %get3A_779 = vector.load %arg2[%get3A_774, %get3A_775, %get3A_776, %get3A_777, %get3A_778] : memref<1x4x4x3x3136xf32, #tpu.memory_space<vmem>>, vector<1x1x1x3x3136xf32>
    %get3A_780 = vector.shape_cast %get3A_779 : vector<1x1x1x3x3136xf32> to vector<3x3136xf32>
    %sub3A_781 = arith.subf %add3A_773, %get3A_780 : vector<3x3136xf32>
    %mul3A_782 = arith.mulf %sub3A_781, %sub3A_781 : vector<3x3136xf32>
    %reduce_sum3A_783 = vector.shape_cast %mul3A_782 : vector<3x3136xf32> to vector<1x3x3136xf32>
    %reduce_sum3A_784 = arith.constant dense<0.000000e+00> : vector<1xf32>
    %reduce_sum3A_785 = vector.multi_reduction <add>, %reduce_sum3A_783, %reduce_sum3A_784 [1, 2] : vector<1x3x3136xf32> to vector<1xf32>
    %reduce_sum3A_786 = vector.shape_cast %reduce_sum3A_785 : vector<1xf32> to vector<1x1x1xf32>
    %reduce_sum3A_787 = vector.extract %reduce_sum3A_786[0, 0, 0] : f32 from vector<1x1x1xf32>
    %add3A_788 = arith.addf %add3A_750, %reduce_sum3A_787 : f32
    %broadcast_in_dim3A_789 = arith.constant 0.000000e+00 : f32
    %broadcast_in_dim3A_790 = vector.broadcast %broadcast_in_dim3A_789 : f32 to vector<8x3136xf32>
    %slice3A_791 = vector.extract_strided_slice %dot_general3A_402 {offsets = [0, 128], sizes = [8, 3136], strides = [1, 1]} : vector<72x3328xf32> to vector<8x3136xf32>
    %add3A_792 = arith.addf %broadcast_in_dim3A_790, %slice3A_791 : vector<8x3136xf32>
    %slice3A_793 = vector.extract_strided_slice %dot_general3A_410 {offsets = [8, 128], sizes = [8, 3136], strides = [1, 1]} : vector<72x3328xf32> to vector<8x3136xf32>
    %add3A_794 = arith.addf %add3A_792, %slice3A_793 : vector<8x3136xf32>
    %slice3A_795 = vector.extract_strided_slice %dot_general3A_418 {offsets = [16, 128], sizes = [8, 3136], strides = [1, 1]} : vector<72x3328xf32> to vector<8x3136xf32>
    %add3A_796 = arith.addf %add3A_794, %slice3A_795 : vector<8x3136xf32>
    %slice3A_797 = vector.extract_strided_slice %dot_general3A_434 {offsets = [24, 128], sizes = [8, 3136], strides = [1, 1]} : vector<72x3328xf32> to vector<8x3136xf32>
    %add3A_798 = arith.addf %add3A_796, %slice3A_797 : vector<8x3136xf32>
    %slice3A_799 = vector.extract_strided_slice %dot_general3A_442 {offsets = [32, 128], sizes = [8, 3136], strides = [1, 1]} : vector<72x3328xf32> to vector<8x3136xf32>
    %add3A_800 = arith.addf %add3A_798, %slice3A_799 : vector<8x3136xf32>
    %slice3A_801 = vector.extract_strided_slice %dot_general3A_450 {offsets = [40, 128], sizes = [8, 3136], strides = [1, 1]} : vector<72x3328xf32> to vector<8x3136xf32>
    %add3A_802 = arith.addf %add3A_800, %slice3A_801 : vector<8x3136xf32>
    %slice3A_803 = vector.extract_strided_slice %dot_general3A_466 {offsets = [48, 128], sizes = [8, 3136], strides = [1, 1]} : vector<72x3328xf32> to vector<8x3136xf32>
    %add3A_804 = arith.addf %add3A_802, %slice3A_803 : vector<8x3136xf32>
    %slice3A_805 = vector.extract_strided_slice %dot_general3A_474 {offsets = [56, 128], sizes = [8, 3136], strides = [1, 1]} : vector<72x3328xf32> to vector<8x3136xf32>
    %add3A_806 = arith.addf %add3A_804, %slice3A_805 : vector<8x3136xf32>
    %slice3A_807 = vector.extract_strided_slice %dot_general3A_482 {offsets = [64, 128], sizes = [8, 3136], strides = [1, 1]} : vector<72x3328xf32> to vector<8x3136xf32>
    %add3A_808 = arith.addf %add3A_806, %slice3A_807 : vector<8x3136xf32>
    %slice3A_809 = vector.extract_strided_slice %add3A_808 {offsets = [0, 0], sizes = [3, 3136], strides = [1, 1]} : vector<8x3136xf32> to vector<3x3136xf32>
    %add3A_810 = vector.broadcast %get3A_517 : vector<3x1xf32> to vector<3x3136xf32>
    %add3A_811 = arith.addf %slice3A_809, %add3A_810 : vector<3x3136xf32>
    %get3A_812 = arith.constant 0 : index
    %get3A_813 = arith.constant 1 : index
    %get3A_814 = arith.constant 2 : index
    %get3A_815 = arith.constant 0 : index
    %get3A_816 = arith.constant 0 : index
    %get3A_817 = vector.load %arg2[%get3A_812, %get3A_813, %get3A_814, %get3A_815, %get3A_816] : memref<1x4x4x3x3136xf32, #tpu.memory_space<vmem>>, vector<1x1x1x3x3136xf32>
    %get3A_818 = vector.shape_cast %get3A_817 : vector<1x1x1x3x3136xf32> to vector<3x3136xf32>
    %sub3A_819 = arith.subf %add3A_811, %get3A_818 : vector<3x3136xf32>
    %mul3A_820 = arith.mulf %sub3A_819, %sub3A_819 : vector<3x3136xf32>
    %reduce_sum3A_821 = vector.shape_cast %mul3A_820 : vector<3x3136xf32> to vector<1x3x3136xf32>
    %reduce_sum3A_822 = arith.constant dense<0.000000e+00> : vector<1xf32>
    %reduce_sum3A_823 = vector.multi_reduction <add>, %reduce_sum3A_821, %reduce_sum3A_822 [1, 2] : vector<1x3x3136xf32> to vector<1xf32>
    %reduce_sum3A_824 = vector.shape_cast %reduce_sum3A_823 : vector<1xf32> to vector<1x1x1xf32>
    %reduce_sum3A_825 = vector.extract %reduce_sum3A_824[0, 0, 0] : f32 from vector<1x1x1xf32>
    %add3A_826 = arith.addf %add3A_788, %reduce_sum3A_825 : f32
    %broadcast_in_dim3A_827 = arith.constant 0.000000e+00 : f32
    %broadcast_in_dim3A_828 = vector.broadcast %broadcast_in_dim3A_827 : f32 to vector<8x3136xf32>
    %slice3A_829 = vector.extract_strided_slice %dot_general3A_410 {offsets = [0, 128], sizes = [8, 3136], strides = [1, 1]} : vector<72x3328xf32> to vector<8x3136xf32>
    %add3A_830 = arith.addf %broadcast_in_dim3A_828, %slice3A_829 : vector<8x3136xf32>
    %slice3A_831 = vector.extract_strided_slice %dot_general3A_418 {offsets = [8, 128], sizes = [8, 3136], strides = [1, 1]} : vector<72x3328xf32> to vector<8x3136xf32>
    %add3A_832 = arith.addf %add3A_830, %slice3A_831 : vector<8x3136xf32>
    %slice3A_833 = vector.extract_strided_slice %dot_general3A_394 {offsets = [16, 129], sizes = [8, 3136], strides = [1, 1]} : vector<72x3328xf32> to vector<8x3136xf32>
    %jit3A_834 = arith.constant 0.000000e+00 : f32
    %broadcast_in_dim3A_835 = vector.shape_cast %ne3A_19 : vector<1x3136xi1> to vector<1x3136xi1>
    %broadcast_in_dim3A_836 = vector.broadcast %broadcast_in_dim3A_835 : vector<1x3136xi1> to vector<8x3136xi1>
    %broadcast_in_dim3A_837 = vector.broadcast %jit3A_834 : f32 to vector<8x3136xf32>
    %select_n3A_838 = arith.select %broadcast_in_dim3A_836, %slice3A_833, %broadcast_in_dim3A_837 : vector<8x3136xi1>, vector<8x3136xf32>
    %add3A_839 = arith.addf %add3A_832, %select_n3A_838 : vector<8x3136xf32>
    %slice3A_840 = vector.extract_strided_slice %dot_general3A_442 {offsets = [24, 128], sizes = [8, 3136], strides = [1, 1]} : vector<72x3328xf32> to vector<8x3136xf32>
    %add3A_841 = arith.addf %add3A_839, %slice3A_840 : vector<8x3136xf32>
    %slice3A_842 = vector.extract_strided_slice %dot_general3A_450 {offsets = [32, 128], sizes = [8, 3136], strides = [1, 1]} : vector<72x3328xf32> to vector<8x3136xf32>
    %add3A_843 = arith.addf %add3A_841, %slice3A_842 : vector<8x3136xf32>
    %slice3A_844 = vector.extract_strided_slice %dot_general3A_426 {offsets = [40, 129], sizes = [8, 3136], strides = [1, 1]} : vector<72x3328xf32> to vector<8x3136xf32>
    %jit3A_845 = arith.constant 0.000000e+00 : f32
    %broadcast_in_dim3A_846 = vector.shape_cast %ne3A_19 : vector<1x3136xi1> to vector<1x3136xi1>
    %broadcast_in_dim3A_847 = vector.broadcast %broadcast_in_dim3A_846 : vector<1x3136xi1> to vector<8x3136xi1>
    %broadcast_in_dim3A_848 = vector.broadcast %jit3A_845 : f32 to vector<8x3136xf32>
    %select_n3A_849 = arith.select %broadcast_in_dim3A_847, %slice3A_844, %broadcast_in_dim3A_848 : vector<8x3136xi1>, vector<8x3136xf32>
    %add3A_850 = arith.addf %add3A_843, %select_n3A_849 : vector<8x3136xf32>
    %slice3A_851 = vector.extract_strided_slice %dot_general3A_474 {offsets = [48, 128], sizes = [8, 3136], strides = [1, 1]} : vector<72x3328xf32> to vector<8x3136xf32>
    %add3A_852 = arith.addf %add3A_850, %slice3A_851 : vector<8x3136xf32>
    %slice3A_853 = vector.extract_strided_slice %dot_general3A_482 {offsets = [56, 128], sizes = [8, 3136], strides = [1, 1]} : vector<72x3328xf32> to vector<8x3136xf32>
    %add3A_854 = arith.addf %add3A_852, %slice3A_853 : vector<8x3136xf32>
    %slice3A_855 = vector.extract_strided_slice %dot_general3A_458 {offsets = [64, 129], sizes = [8, 3136], strides = [1, 1]} : vector<72x3328xf32> to vector<8x3136xf32>
    %jit3A_856 = arith.constant 0.000000e+00 : f32
    %broadcast_in_dim3A_857 = vector.shape_cast %ne3A_19 : vector<1x3136xi1> to vector<1x3136xi1>
    %broadcast_in_dim3A_858 = vector.broadcast %broadcast_in_dim3A_857 : vector<1x3136xi1> to vector<8x3136xi1>
    %broadcast_in_dim3A_859 = vector.broadcast %jit3A_856 : f32 to vector<8x3136xf32>
    %select_n3A_860 = arith.select %broadcast_in_dim3A_858, %slice3A_855, %broadcast_in_dim3A_859 : vector<8x3136xi1>, vector<8x3136xf32>
    %add3A_861 = arith.addf %add3A_854, %select_n3A_860 : vector<8x3136xf32>
    %slice3A_862 = vector.extract_strided_slice %add3A_861 {offsets = [0, 0], sizes = [3, 3136], strides = [1, 1]} : vector<8x3136xf32> to vector<3x3136xf32>
    %add3A_863 = vector.broadcast %get3A_517 : vector<3x1xf32> to vector<3x3136xf32>
    %add3A_864 = arith.addf %slice3A_862, %add3A_863 : vector<3x3136xf32>
    %get3A_865 = arith.constant 0 : index
    %get3A_866 = arith.constant 1 : index
    %get3A_867 = arith.constant 3 : index
    %get3A_868 = arith.constant 0 : index
    %get3A_869 = arith.constant 0 : index
    %get3A_870 = vector.load %arg2[%get3A_865, %get3A_866, %get3A_867, %get3A_868, %get3A_869] : memref<1x4x4x3x3136xf32, #tpu.memory_space<vmem>>, vector<1x1x1x3x3136xf32>
    %get3A_871 = vector.shape_cast %get3A_870 : vector<1x1x1x3x3136xf32> to vector<3x3136xf32>
    %sub3A_872 = arith.subf %add3A_864, %get3A_871 : vector<3x3136xf32>
    %mul3A_873 = arith.mulf %sub3A_872, %sub3A_872 : vector<3x3136xf32>
    %reduce_sum3A_874 = vector.shape_cast %mul3A_873 : vector<3x3136xf32> to vector<1x3x3136xf32>
    %reduce_sum3A_875 = arith.constant dense<0.000000e+00> : vector<1xf32>
    %reduce_sum3A_876 = vector.multi_reduction <add>, %reduce_sum3A_874, %reduce_sum3A_875 [1, 2] : vector<1x3x3136xf32> to vector<1xf32>
    %reduce_sum3A_877 = vector.shape_cast %reduce_sum3A_876 : vector<1xf32> to vector<1x1x1xf32>
    %reduce_sum3A_878 = vector.extract %reduce_sum3A_877[0, 0, 0] : f32 from vector<1x1x1xf32>
    %add3A_879 = arith.addf %add3A_826, %reduce_sum3A_878 : f32
    %broadcast_in_dim3A_880 = arith.constant 0.000000e+00 : f32
    %broadcast_in_dim3A_881 = vector.broadcast %broadcast_in_dim3A_880 : f32 to vector<8x3136xf32>
    %slice3A_882 = vector.extract_strided_slice %dot_general3A_450 {offsets = [0, 127], sizes = [8, 3136], strides = [1, 1]} : vector<72x3328xf32> to vector<8x3136xf32>
    %jit3A_883 = arith.constant 0.000000e+00 : f32
    %broadcast_in_dim3A_884 = vector.shape_cast %ne3A_22 : vector<1x3136xi1> to vector<1x3136xi1>
    %broadcast_in_dim3A_885 = vector.broadcast %broadcast_in_dim3A_884 : vector<1x3136xi1> to vector<8x3136xi1>
    %broadcast_in_dim3A_886 = vector.broadcast %jit3A_883 : f32 to vector<8x3136xf32>
    %select_n3A_887 = arith.select %broadcast_in_dim3A_885, %slice3A_882, %broadcast_in_dim3A_886 : vector<8x3136xi1>, vector<8x3136xf32>
    %add3A_888 = arith.addf %broadcast_in_dim3A_881, %select_n3A_887 : vector<8x3136xf32>
    %slice3A_889 = vector.extract_strided_slice %dot_general3A_426 {offsets = [8, 128], sizes = [8, 3136], strides = [1, 1]} : vector<72x3328xf32> to vector<8x3136xf32>
    %add3A_890 = arith.addf %add3A_888, %slice3A_889 : vector<8x3136xf32>
    %slice3A_891 = vector.extract_strided_slice %dot_general3A_434 {offsets = [16, 128], sizes = [8, 3136], strides = [1, 1]} : vector<72x3328xf32> to vector<8x3136xf32>
    %add3A_892 = arith.addf %add3A_890, %slice3A_891 : vector<8x3136xf32>
    %slice3A_893 = vector.extract_strided_slice %dot_general3A_482 {offsets = [24, 127], sizes = [8, 3136], strides = [1, 1]} : vector<72x3328xf32> to vector<8x3136xf32>
    %jit3A_894 = arith.constant 0.000000e+00 : f32
    %broadcast_in_dim3A_895 = vector.shape_cast %ne3A_22 : vector<1x3136xi1> to vector<1x3136xi1>
    %broadcast_in_dim3A_896 = vector.broadcast %broadcast_in_dim3A_895 : vector<1x3136xi1> to vector<8x3136xi1>
    %broadcast_in_dim3A_897 = vector.broadcast %jit3A_894 : f32 to vector<8x3136xf32>
    %select_n3A_898 = arith.select %broadcast_in_dim3A_896, %slice3A_893, %broadcast_in_dim3A_897 : vector<8x3136xi1>, vector<8x3136xf32>
    %add3A_899 = arith.addf %add3A_892, %select_n3A_898 : vector<8x3136xf32>
    %slice3A_900 = vector.extract_strided_slice %dot_general3A_458 {offsets = [32, 128], sizes = [8, 3136], strides = [1, 1]} : vector<72x3328xf32> to vector<8x3136xf32>
    %add3A_901 = arith.addf %add3A_899, %slice3A_900 : vector<8x3136xf32>
    %slice3A_902 = vector.extract_strided_slice %dot_general3A_466 {offsets = [40, 128], sizes = [8, 3136], strides = [1, 1]} : vector<72x3328xf32> to vector<8x3136xf32>
    %add3A_903 = arith.addf %add3A_901, %slice3A_902 : vector<8x3136xf32>
    %slice3A_904 = vector.extract_strided_slice %dot_general3A_514 {offsets = [48, 127], sizes = [8, 3136], strides = [1, 1]} : vector<72x3328xf32> to vector<8x3136xf32>
    %jit3A_905 = arith.constant 0.000000e+00 : f32
    %broadcast_in_dim3A_906 = vector.shape_cast %ne3A_22 : vector<1x3136xi1> to vector<1x3136xi1>
    %broadcast_in_dim3A_907 = vector.broadcast %broadcast_in_dim3A_906 : vector<1x3136xi1> to vector<8x3136xi1>
    %broadcast_in_dim3A_908 = vector.broadcast %jit3A_905 : f32 to vector<8x3136xf32>
    %select_n3A_909 = arith.select %broadcast_in_dim3A_907, %slice3A_904, %broadcast_in_dim3A_908 : vector<8x3136xi1>, vector<8x3136xf32>
    %add3A_910 = arith.addf %add3A_903, %select_n3A_909 : vector<8x3136xf32>
    %slice3A_911 = vector.extract_strided_slice %dot_general3A_490 {offsets = [56, 128], sizes = [8, 3136], strides = [1, 1]} : vector<72x3328xf32> to vector<8x3136xf32>
    %add3A_912 = arith.addf %add3A_910, %slice3A_911 : vector<8x3136xf32>
    %slice3A_913 = vector.extract_strided_slice %dot_general3A_498 {offsets = [64, 128], sizes = [8, 3136], strides = [1, 1]} : vector<72x3328xf32> to vector<8x3136xf32>
    %add3A_914 = arith.addf %add3A_912, %slice3A_913 : vector<8x3136xf32>
    %slice3A_915 = vector.extract_strided_slice %add3A_914 {offsets = [0, 0], sizes = [3, 3136], strides = [1, 1]} : vector<8x3136xf32> to vector<3x3136xf32>
    %add3A_916 = vector.broadcast %get3A_517 : vector<3x1xf32> to vector<3x3136xf32>
    %add3A_917 = arith.addf %slice3A_915, %add3A_916 : vector<3x3136xf32>
    %get3A_918 = arith.constant 0 : index
    %get3A_919 = arith.constant 2 : index
    %get3A_920 = arith.constant 0 : index
    %get3A_921 = arith.constant 0 : index
    %get3A_922 = arith.constant 0 : index
    %get3A_923 = vector.load %arg2[%get3A_918, %get3A_919, %get3A_920, %get3A_921, %get3A_922] : memref<1x4x4x3x3136xf32, #tpu.memory_space<vmem>>, vector<1x1x1x3x3136xf32>
    %get3A_924 = vector.shape_cast %get3A_923 : vector<1x1x1x3x3136xf32> to vector<3x3136xf32>
    %sub3A_925 = arith.subf %add3A_917, %get3A_924 : vector<3x3136xf32>
    %mul3A_926 = arith.mulf %sub3A_925, %sub3A_925 : vector<3x3136xf32>
    %reduce_sum3A_927 = vector.shape_cast %mul3A_926 : vector<3x3136xf32> to vector<1x3x3136xf32>
    %reduce_sum3A_928 = arith.constant dense<0.000000e+00> : vector<1xf32>
    %reduce_sum3A_929 = vector.multi_reduction <add>, %reduce_sum3A_927, %reduce_sum3A_928 [1, 2] : vector<1x3x3136xf32> to vector<1xf32>
    %reduce_sum3A_930 = vector.shape_cast %reduce_sum3A_929 : vector<1xf32> to vector<1x1x1xf32>
    %reduce_sum3A_931 = vector.extract %reduce_sum3A_930[0, 0, 0] : f32 from vector<1x1x1xf32>
    %add3A_932 = arith.addf %add3A_879, %reduce_sum3A_931 : f32
    %broadcast_in_dim3A_933 = arith.constant 0.000000e+00 : f32
    %broadcast_in_dim3A_934 = vector.broadcast %broadcast_in_dim3A_933 : f32 to vector<8x3136xf32>
    %slice3A_935 = vector.extract_strided_slice %dot_general3A_426 {offsets = [0, 128], sizes = [8, 3136], strides = [1, 1]} : vector<72x3328xf32> to vector<8x3136xf32>
    %add3A_936 = arith.addf %broadcast_in_dim3A_934, %slice3A_935 : vector<8x3136xf32>
    %slice3A_937 = vector.extract_strided_slice %dot_general3A_434 {offsets = [8, 128], sizes = [8, 3136], strides = [1, 1]} : vector<72x3328xf32> to vector<8x3136xf32>
    %add3A_938 = arith.addf %add3A_936, %slice3A_937 : vector<8x3136xf32>
    %slice3A_939 = vector.extract_strided_slice %dot_general3A_442 {offsets = [16, 128], sizes = [8, 3136], strides = [1, 1]} : vector<72x3328xf32> to vector<8x3136xf32>
    %add3A_940 = arith.addf %add3A_938, %slice3A_939 : vector<8x3136xf32>
    %slice3A_941 = vector.extract_strided_slice %dot_general3A_458 {offsets = [24, 128], sizes = [8, 3136], strides = [1, 1]} : vector<72x3328xf32> to vector<8x3136xf32>
    %add3A_942 = arith.addf %add3A_940, %slice3A_941 : vector<8x3136xf32>
    %slice3A_943 = vector.extract_strided_slice %dot_general3A_466 {offsets = [32, 128], sizes = [8, 3136], strides = [1, 1]} : vector<72x3328xf32> to vector<8x3136xf32>
    %add3A_944 = arith.addf %add3A_942, %slice3A_943 : vector<8x3136xf32>
    %slice3A_945 = vector.extract_strided_slice %dot_general3A_474 {offsets = [40, 128], sizes = [8, 3136], strides = [1, 1]} : vector<72x3328xf32> to vector<8x3136xf32>
    %add3A_946 = arith.addf %add3A_944, %slice3A_945 : vector<8x3136xf32>
    %slice3A_947 = vector.extract_strided_slice %dot_general3A_490 {offsets = [48, 128], sizes = [8, 3136], strides = [1, 1]} : vector<72x3328xf32> to vector<8x3136xf32>
    %add3A_948 = arith.addf %add3A_946, %slice3A_947 : vector<8x3136xf32>
    %slice3A_949 = vector.extract_strided_slice %dot_general3A_498 {offsets = [56, 128], sizes = [8, 3136], strides = [1, 1]} : vector<72x3328xf32> to vector<8x3136xf32>
    %add3A_950 = arith.addf %add3A_948, %slice3A_949 : vector<8x3136xf32>
    %slice3A_951 = vector.extract_strided_slice %dot_general3A_506 {offsets = [64, 128], sizes = [8, 3136], strides = [1, 1]} : vector<72x3328xf32> to vector<8x3136xf32>
    %add3A_952 = arith.addf %add3A_950, %slice3A_951 : vector<8x3136xf32>
    %slice3A_953 = vector.extract_strided_slice %add3A_952 {offsets = [0, 0], sizes = [3, 3136], strides = [1, 1]} : vector<8x3136xf32> to vector<3x3136xf32>
    %add3A_954 = vector.broadcast %get3A_517 : vector<3x1xf32> to vector<3x3136xf32>
    %add3A_955 = arith.addf %slice3A_953, %add3A_954 : vector<3x3136xf32>
    %get3A_956 = arith.constant 0 : index
    %get3A_957 = arith.constant 2 : index
    %get3A_958 = arith.constant 1 : index
    %get3A_959 = arith.constant 0 : index
    %get3A_960 = arith.constant 0 : index
    %get3A_961 = vector.load %arg2[%get3A_956, %get3A_957, %get3A_958, %get3A_959, %get3A_960] : memref<1x4x4x3x3136xf32, #tpu.memory_space<vmem>>, vector<1x1x1x3x3136xf32>
    %get3A_962 = vector.shape_cast %get3A_961 : vector<1x1x1x3x3136xf32> to vector<3x3136xf32>
    %sub3A_963 = arith.subf %add3A_955, %get3A_962 : vector<3x3136xf32>
    %mul3A_964 = arith.mulf %sub3A_963, %sub3A_963 : vector<3x3136xf32>
    %reduce_sum3A_965 = vector.shape_cast %mul3A_964 : vector<3x3136xf32> to vector<1x3x3136xf32>
    %reduce_sum3A_966 = arith.constant dense<0.000000e+00> : vector<1xf32>
    %reduce_sum3A_967 = vector.multi_reduction <add>, %reduce_sum3A_965, %reduce_sum3A_966 [1, 2] : vector<1x3x3136xf32> to vector<1xf32>
    %reduce_sum3A_968 = vector.shape_cast %reduce_sum3A_967 : vector<1xf32> to vector<1x1x1xf32>
    %reduce_sum3A_969 = vector.extract %reduce_sum3A_968[0, 0, 0] : f32 from vector<1x1x1xf32>
    %add3A_970 = arith.addf %add3A_932, %reduce_sum3A_969 : f32
    %broadcast_in_dim3A_971 = arith.constant 0.000000e+00 : f32
    %broadcast_in_dim3A_972 = vector.broadcast %broadcast_in_dim3A_971 : f32 to vector<8x3136xf32>
    %slice3A_973 = vector.extract_strided_slice %dot_general3A_434 {offsets = [0, 128], sizes = [8, 3136], strides = [1, 1]} : vector<72x3328xf32> to vector<8x3136xf32>
    %add3A_974 = arith.addf %broadcast_in_dim3A_972, %slice3A_973 : vector<8x3136xf32>
    %slice3A_975 = vector.extract_strided_slice %dot_general3A_442 {offsets = [8, 128], sizes = [8, 3136], strides = [1, 1]} : vector<72x3328xf32> to vector<8x3136xf32>
    %add3A_976 = arith.addf %add3A_974, %slice3A_975 : vector<8x3136xf32>
    %slice3A_977 = vector.extract_strided_slice %dot_general3A_450 {offsets = [16, 128], sizes = [8, 3136], strides = [1, 1]} : vector<72x3328xf32> to vector<8x3136xf32>
    %add3A_978 = arith.addf %add3A_976, %slice3A_977 : vector<8x3136xf32>
    %slice3A_979 = vector.extract_strided_slice %dot_general3A_466 {offsets = [24, 128], sizes = [8, 3136], strides = [1, 1]} : vector<72x3328xf32> to vector<8x3136xf32>
    %add3A_980 = arith.addf %add3A_978, %slice3A_979 : vector<8x3136xf32>
    %slice3A_981 = vector.extract_strided_slice %dot_general3A_474 {offsets = [32, 128], sizes = [8, 3136], strides = [1, 1]} : vector<72x3328xf32> to vector<8x3136xf32>
    %add3A_982 = arith.addf %add3A_980, %slice3A_981 : vector<8x3136xf32>
    %slice3A_983 = vector.extract_strided_slice %dot_general3A_482 {offsets = [40, 128], sizes = [8, 3136], strides = [1, 1]} : vector<72x3328xf32> to vector<8x3136xf32>
    %add3A_984 = arith.addf %add3A_982, %slice3A_983 : vector<8x3136xf32>
    %slice3A_985 = vector.extract_strided_slice %dot_general3A_498 {offsets = [48, 128], sizes = [8, 3136], strides = [1, 1]} : vector<72x3328xf32> to vector<8x3136xf32>
    %add3A_986 = arith.addf %add3A_984, %slice3A_985 : vector<8x3136xf32>
    %slice3A_987 = vector.extract_strided_slice %dot_general3A_506 {offsets = [56, 128], sizes = [8, 3136], strides = [1, 1]} : vector<72x3328xf32> to vector<8x3136xf32>
    %add3A_988 = arith.addf %add3A_986, %slice3A_987 : vector<8x3136xf32>
    %slice3A_989 = vector.extract_strided_slice %dot_general3A_514 {offsets = [64, 128], sizes = [8, 3136], strides = [1, 1]} : vector<72x3328xf32> to vector<8x3136xf32>
    %add3A_990 = arith.addf %add3A_988, %slice3A_989 : vector<8x3136xf32>
    %slice3A_991 = vector.extract_strided_slice %add3A_990 {offsets = [0, 0], sizes = [3, 3136], strides = [1, 1]} : vector<8x3136xf32> to vector<3x3136xf32>
    %add3A_992 = vector.broadcast %get3A_517 : vector<3x1xf32> to vector<3x3136xf32>
    %add3A_993 = arith.addf %slice3A_991, %add3A_992 : vector<3x3136xf32>
    %get3A_994 = arith.constant 0 : index
    %get3A_995 = arith.constant 2 : index
    %get3A_996 = arith.constant 2 : index
    %get3A_997 = arith.constant 0 : index
    %get3A_998 = arith.constant 0 : index
    %get3A_999 = vector.load %arg2[%get3A_994, %get3A_995, %get3A_996, %get3A_997, %get3A_998] : memref<1x4x4x3x3136xf32, #tpu.memory_space<vmem>>, vector<1x1x1x3x3136xf32>
    %get3A_1000 = vector.shape_cast %get3A_999 : vector<1x1x1x3x3136xf32> to vector<3x3136xf32>
    %sub3A_1001 = arith.subf %add3A_993, %get3A_1000 : vector<3x3136xf32>
    %mul3A_1002 = arith.mulf %sub3A_1001, %sub3A_1001 : vector<3x3136xf32>
    %reduce_sum3A_1003 = vector.shape_cast %mul3A_1002 : vector<3x3136xf32> to vector<1x3x3136xf32>
    %reduce_sum3A_1004 = arith.constant dense<0.000000e+00> : vector<1xf32>
    %reduce_sum3A_1005 = vector.multi_reduction <add>, %reduce_sum3A_1003, %reduce_sum3A_1004 [1, 2] : vector<1x3x3136xf32> to vector<1xf32>
    %reduce_sum3A_1006 = vector.shape_cast %reduce_sum3A_1005 : vector<1xf32> to vector<1x1x1xf32>
    %reduce_sum3A_1007 = vector.extract %reduce_sum3A_1006[0, 0, 0] : f32 from vector<1x1x1xf32>
    %add3A_1008 = arith.addf %add3A_970, %reduce_sum3A_1007 : f32
    %broadcast_in_dim3A_1009 = arith.constant 0.000000e+00 : f32
    %broadcast_in_dim3A_1010 = vector.broadcast %broadcast_in_dim3A_1009 : f32 to vector<8x3136xf32>
    %slice3A_1011 = vector.extract_strided_slice %dot_general3A_442 {offsets = [0, 128], sizes = [8, 3136], strides = [1, 1]} : vector<72x3328xf32> to vector<8x3136xf32>
    %add3A_1012 = arith.addf %broadcast_in_dim3A_1010, %slice3A_1011 : vector<8x3136xf32>
    %slice3A_1013 = vector.extract_strided_slice %dot_general3A_450 {offsets = [8, 128], sizes = [8, 3136], strides = [1, 1]} : vector<72x3328xf32> to vector<8x3136xf32>
    %add3A_1014 = arith.addf %add3A_1012, %slice3A_1013 : vector<8x3136xf32>
    %slice3A_1015 = vector.extract_strided_slice %dot_general3A_426 {offsets = [16, 129], sizes = [8, 3136], strides = [1, 1]} : vector<72x3328xf32> to vector<8x3136xf32>
    %jit3A_1016 = arith.constant 0.000000e+00 : f32
    %broadcast_in_dim3A_1017 = vector.shape_cast %ne3A_19 : vector<1x3136xi1> to vector<1x3136xi1>
    %broadcast_in_dim3A_1018 = vector.broadcast %broadcast_in_dim3A_1017 : vector<1x3136xi1> to vector<8x3136xi1>
    %broadcast_in_dim3A_1019 = vector.broadcast %jit3A_1016 : f32 to vector<8x3136xf32>
    %select_n3A_1020 = arith.select %broadcast_in_dim3A_1018, %slice3A_1015, %broadcast_in_dim3A_1019 : vector<8x3136xi1>, vector<8x3136xf32>
    %add3A_1021 = arith.addf %add3A_1014, %select_n3A_1020 : vector<8x3136xf32>
    %slice3A_1022 = vector.extract_strided_slice %dot_general3A_474 {offsets = [24, 128], sizes = [8, 3136], strides = [1, 1]} : vector<72x3328xf32> to vector<8x3136xf32>
    %add3A_1023 = arith.addf %add3A_1021, %slice3A_1022 : vector<8x3136xf32>
    %slice3A_1024 = vector.extract_strided_slice %dot_general3A_482 {offsets = [32, 128], sizes = [8, 3136], strides = [1, 1]} : vector<72x3328xf32> to vector<8x3136xf32>
    %add3A_1025 = arith.addf %add3A_1023, %slice3A_1024 : vector<8x3136xf32>
    %slice3A_1026 = vector.extract_strided_slice %dot_general3A_458 {offsets = [40, 129], sizes = [8, 3136], strides = [1, 1]} : vector<72x3328xf32> to vector<8x3136xf32>
    %jit3A_1027 = arith.constant 0.000000e+00 : f32
    %broadcast_in_dim3A_1028 = vector.shape_cast %ne3A_19 : vector<1x3136xi1> to vector<1x3136xi1>
    %broadcast_in_dim3A_1029 = vector.broadcast %broadcast_in_dim3A_1028 : vector<1x3136xi1> to vector<8x3136xi1>
    %broadcast_in_dim3A_1030 = vector.broadcast %jit3A_1027 : f32 to vector<8x3136xf32>
    %select_n3A_1031 = arith.select %broadcast_in_dim3A_1029, %slice3A_1026, %broadcast_in_dim3A_1030 : vector<8x3136xi1>, vector<8x3136xf32>
    %add3A_1032 = arith.addf %add3A_1025, %select_n3A_1031 : vector<8x3136xf32>
    %slice3A_1033 = vector.extract_strided_slice %dot_general3A_506 {offsets = [48, 128], sizes = [8, 3136], strides = [1, 1]} : vector<72x3328xf32> to vector<8x3136xf32>
    %add3A_1034 = arith.addf %add3A_1032, %slice3A_1033 : vector<8x3136xf32>
    %slice3A_1035 = vector.extract_strided_slice %dot_general3A_514 {offsets = [56, 128], sizes = [8, 3136], strides = [1, 1]} : vector<72x3328xf32> to vector<8x3136xf32>
    %add3A_1036 = arith.addf %add3A_1034, %slice3A_1035 : vector<8x3136xf32>
    %slice3A_1037 = vector.extract_strided_slice %dot_general3A_490 {offsets = [64, 129], sizes = [8, 3136], strides = [1, 1]} : vector<72x3328xf32> to vector<8x3136xf32>
    %jit3A_1038 = arith.constant 0.000000e+00 : f32
    %broadcast_in_dim3A_1039 = vector.shape_cast %ne3A_19 : vector<1x3136xi1> to vector<1x3136xi1>
    %broadcast_in_dim3A_1040 = vector.broadcast %broadcast_in_dim3A_1039 : vector<1x3136xi1> to vector<8x3136xi1>
    %broadcast_in_dim3A_1041 = vector.broadcast %jit3A_1038 : f32 to vector<8x3136xf32>
    %select_n3A_1042 = arith.select %broadcast_in_dim3A_1040, %slice3A_1037, %broadcast_in_dim3A_1041 : vector<8x3136xi1>, vector<8x3136xf32>
    %add3A_1043 = arith.addf %add3A_1036, %select_n3A_1042 : vector<8x3136xf32>
    %slice3A_1044 = vector.extract_strided_slice %add3A_1043 {offsets = [0, 0], sizes = [3, 3136], strides = [1, 1]} : vector<8x3136xf32> to vector<3x3136xf32>
    %add3A_1045 = vector.broadcast %get3A_517 : vector<3x1xf32> to vector<3x3136xf32>
    %add3A_1046 = arith.addf %slice3A_1044, %add3A_1045 : vector<3x3136xf32>
    %get3A_1047 = arith.constant 0 : index
    %get3A_1048 = arith.constant 2 : index
    %get3A_1049 = arith.constant 3 : index
    %get3A_1050 = arith.constant 0 : index
    %get3A_1051 = arith.constant 0 : index
    %get3A_1052 = vector.load %arg2[%get3A_1047, %get3A_1048, %get3A_1049, %get3A_1050, %get3A_1051] : memref<1x4x4x3x3136xf32, #tpu.memory_space<vmem>>, vector<1x1x1x3x3136xf32>
    %get3A_1053 = vector.shape_cast %get3A_1052 : vector<1x1x1x3x3136xf32> to vector<3x3136xf32>
    %sub3A_1054 = arith.subf %add3A_1046, %get3A_1053 : vector<3x3136xf32>
    %mul3A_1055 = arith.mulf %sub3A_1054, %sub3A_1054 : vector<3x3136xf32>
    %reduce_sum3A_1056 = vector.shape_cast %mul3A_1055 : vector<3x3136xf32> to vector<1x3x3136xf32>
    %reduce_sum3A_1057 = arith.constant dense<0.000000e+00> : vector<1xf32>
    %reduce_sum3A_1058 = vector.multi_reduction <add>, %reduce_sum3A_1056, %reduce_sum3A_1057 [1, 2] : vector<1x3x3136xf32> to vector<1xf32>
    %reduce_sum3A_1059 = vector.shape_cast %reduce_sum3A_1058 : vector<1xf32> to vector<1x1x1xf32>
    %reduce_sum3A_1060 = vector.extract %reduce_sum3A_1059[0, 0, 0] : f32 from vector<1x1x1xf32>
    %add3A_1061 = arith.addf %add3A_1008, %reduce_sum3A_1060 : f32
    %broadcast_in_dim3A_1062 = arith.constant 0.000000e+00 : f32
    %broadcast_in_dim3A_1063 = vector.broadcast %broadcast_in_dim3A_1062 : f32 to vector<8x3136xf32>
    %slice3A_1064 = vector.extract_strided_slice %dot_general3A_482 {offsets = [0, 127], sizes = [8, 3136], strides = [1, 1]} : vector<72x3328xf32> to vector<8x3136xf32>
    %jit3A_1065 = arith.constant 0.000000e+00 : f32
    %broadcast_in_dim3A_1066 = vector.shape_cast %ne3A_22 : vector<1x3136xi1> to vector<1x3136xi1>
    %broadcast_in_dim3A_1067 = vector.broadcast %broadcast_in_dim3A_1066 : vector<1x3136xi1> to vector<8x3136xi1>
    %broadcast_in_dim3A_1068 = vector.broadcast %jit3A_1065 : f32 to vector<8x3136xf32>
    %select_n3A_1069 = arith.select %broadcast_in_dim3A_1067, %slice3A_1064, %broadcast_in_dim3A_1068 : vector<8x3136xi1>, vector<8x3136xf32>
    %add3A_1070 = arith.addf %broadcast_in_dim3A_1063, %select_n3A_1069 : vector<8x3136xf32>
    %slice3A_1071 = vector.extract_strided_slice %dot_general3A_458 {offsets = [8, 128], sizes = [8, 3136], strides = [1, 1]} : vector<72x3328xf32> to vector<8x3136xf32>
    %add3A_1072 = arith.addf %add3A_1070, %slice3A_1071 : vector<8x3136xf32>
    %slice3A_1073 = vector.extract_strided_slice %dot_general3A_466 {offsets = [16, 128], sizes = [8, 3136], strides = [1, 1]} : vector<72x3328xf32> to vector<8x3136xf32>
    %add3A_1074 = arith.addf %add3A_1072, %slice3A_1073 : vector<8x3136xf32>
    %slice3A_1075 = vector.extract_strided_slice %dot_general3A_514 {offsets = [24, 127], sizes = [8, 3136], strides = [1, 1]} : vector<72x3328xf32> to vector<8x3136xf32>
    %jit3A_1076 = arith.constant 0.000000e+00 : f32
    %broadcast_in_dim3A_1077 = vector.shape_cast %ne3A_22 : vector<1x3136xi1> to vector<1x3136xi1>
    %broadcast_in_dim3A_1078 = vector.broadcast %broadcast_in_dim3A_1077 : vector<1x3136xi1> to vector<8x3136xi1>
    %broadcast_in_dim3A_1079 = vector.broadcast %jit3A_1076 : f32 to vector<8x3136xf32>
    %select_n3A_1080 = arith.select %broadcast_in_dim3A_1078, %slice3A_1075, %broadcast_in_dim3A_1079 : vector<8x3136xi1>, vector<8x3136xf32>
    %add3A_1081 = arith.addf %add3A_1074, %select_n3A_1080 : vector<8x3136xf32>
    %slice3A_1082 = vector.extract_strided_slice %dot_general3A_490 {offsets = [32, 128], sizes = [8, 3136], strides = [1, 1]} : vector<72x3328xf32> to vector<8x3136xf32>
    %add3A_1083 = arith.addf %add3A_1081, %slice3A_1082 : vector<8x3136xf32>
    %slice3A_1084 = vector.extract_strided_slice %dot_general3A_498 {offsets = [40, 128], sizes = [8, 3136], strides = [1, 1]} : vector<72x3328xf32> to vector<8x3136xf32>
    %add3A_1085 = arith.addf %add3A_1083, %slice3A_1084 : vector<8x3136xf32>
    %slice3A_1086 = vector.extract_strided_slice %dot_general3A_418 {offsets = [48, 183], sizes = [8, 3136], strides = [1, 1]} : vector<72x3328xf32> to vector<8x3136xf32>
    %jit3A_1087 = arith.constant 0.000000e+00 : f32
    %broadcast_in_dim3A_1088 = vector.shape_cast %ne3A_22 : vector<1x3136xi1> to vector<1x3136xi1>
    %broadcast_in_dim3A_1089 = vector.broadcast %broadcast_in_dim3A_1088 : vector<1x3136xi1> to vector<8x3136xi1>
    %broadcast_in_dim3A_1090 = vector.broadcast %jit3A_1087 : f32 to vector<8x3136xf32>
    %select_n3A_1091 = arith.select %broadcast_in_dim3A_1089, %slice3A_1086, %broadcast_in_dim3A_1090 : vector<8x3136xi1>, vector<8x3136xf32>
    %add3A_1092 = arith.addf %add3A_1085, %select_n3A_1091 : vector<8x3136xf32>
    %slice3A_1093 = vector.extract_strided_slice %dot_general3A_394 {offsets = [56, 184], sizes = [8, 3136], strides = [1, 1]} : vector<72x3328xf32> to vector<8x3136xf32>
    %add3A_1094 = arith.addf %add3A_1092, %slice3A_1093 : vector<8x3136xf32>
    %slice3A_1095 = vector.extract_strided_slice %dot_general3A_402 {offsets = [64, 184], sizes = [8, 3136], strides = [1, 1]} : vector<72x3328xf32> to vector<8x3136xf32>
    %add3A_1096 = arith.addf %add3A_1094, %slice3A_1095 : vector<8x3136xf32>
    %slice3A_1097 = vector.extract_strided_slice %add3A_1096 {offsets = [0, 0], sizes = [3, 3136], strides = [1, 1]} : vector<8x3136xf32> to vector<3x3136xf32>
    %add3A_1098 = vector.broadcast %get3A_517 : vector<3x1xf32> to vector<3x3136xf32>
    %add3A_1099 = arith.addf %slice3A_1097, %add3A_1098 : vector<3x3136xf32>
    %get3A_1100 = arith.constant 0 : index
    %get3A_1101 = arith.constant 3 : index
    %get3A_1102 = arith.constant 0 : index
    %get3A_1103 = arith.constant 0 : index
    %get3A_1104 = arith.constant 0 : index
    %get3A_1105 = vector.load %arg2[%get3A_1100, %get3A_1101, %get3A_1102, %get3A_1103, %get3A_1104] : memref<1x4x4x3x3136xf32, #tpu.memory_space<vmem>>, vector<1x1x1x3x3136xf32>
    %get3A_1106 = vector.shape_cast %get3A_1105 : vector<1x1x1x3x3136xf32> to vector<3x3136xf32>
    %sub3A_1107 = arith.subf %add3A_1099, %get3A_1106 : vector<3x3136xf32>
    %mul3A_1108 = arith.mulf %sub3A_1107, %sub3A_1107 : vector<3x3136xf32>
    %reduce_sum3A_1109 = vector.shape_cast %mul3A_1108 : vector<3x3136xf32> to vector<1x3x3136xf32>
    %reduce_sum3A_1110 = arith.constant dense<0.000000e+00> : vector<1xf32>
    %reduce_sum3A_1111 = vector.multi_reduction <add>, %reduce_sum3A_1109, %reduce_sum3A_1110 [1, 2] : vector<1x3x3136xf32> to vector<1xf32>
    %reduce_sum3A_1112 = vector.shape_cast %reduce_sum3A_1111 : vector<1xf32> to vector<1x1x1xf32>
    %reduce_sum3A_1113 = vector.extract %reduce_sum3A_1112[0, 0, 0] : f32 from vector<1x1x1xf32>
    %add3A_1114 = arith.addf %add3A_1061, %reduce_sum3A_1113 : f32
    %broadcast_in_dim3A_1115 = arith.constant 0.000000e+00 : f32
    %broadcast_in_dim3A_1116 = vector.broadcast %broadcast_in_dim3A_1115 : f32 to vector<8x3136xf32>
    %slice3A_1117 = vector.extract_strided_slice %dot_general3A_458 {offsets = [0, 128], sizes = [8, 3136], strides = [1, 1]} : vector<72x3328xf32> to vector<8x3136xf32>
    %add3A_1118 = arith.addf %broadcast_in_dim3A_1116, %slice3A_1117 : vector<8x3136xf32>
    %slice3A_1119 = vector.extract_strided_slice %dot_general3A_466 {offsets = [8, 128], sizes = [8, 3136], strides = [1, 1]} : vector<72x3328xf32> to vector<8x3136xf32>
    %add3A_1120 = arith.addf %add3A_1118, %slice3A_1119 : vector<8x3136xf32>
    %slice3A_1121 = vector.extract_strided_slice %dot_general3A_474 {offsets = [16, 128], sizes = [8, 3136], strides = [1, 1]} : vector<72x3328xf32> to vector<8x3136xf32>
    %add3A_1122 = arith.addf %add3A_1120, %slice3A_1121 : vector<8x3136xf32>
    %slice3A_1123 = vector.extract_strided_slice %dot_general3A_490 {offsets = [24, 128], sizes = [8, 3136], strides = [1, 1]} : vector<72x3328xf32> to vector<8x3136xf32>
    %add3A_1124 = arith.addf %add3A_1122, %slice3A_1123 : vector<8x3136xf32>
    %slice3A_1125 = vector.extract_strided_slice %dot_general3A_498 {offsets = [32, 128], sizes = [8, 3136], strides = [1, 1]} : vector<72x3328xf32> to vector<8x3136xf32>
    %add3A_1126 = arith.addf %add3A_1124, %slice3A_1125 : vector<8x3136xf32>
    %slice3A_1127 = vector.extract_strided_slice %dot_general3A_506 {offsets = [40, 128], sizes = [8, 3136], strides = [1, 1]} : vector<72x3328xf32> to vector<8x3136xf32>
    %add3A_1128 = arith.addf %add3A_1126, %slice3A_1127 : vector<8x3136xf32>
    %slice3A_1129 = vector.extract_strided_slice %dot_general3A_394 {offsets = [48, 184], sizes = [8, 3136], strides = [1, 1]} : vector<72x3328xf32> to vector<8x3136xf32>
    %add3A_1130 = arith.addf %add3A_1128, %slice3A_1129 : vector<8x3136xf32>
    %slice3A_1131 = vector.extract_strided_slice %dot_general3A_402 {offsets = [56, 184], sizes = [8, 3136], strides = [1, 1]} : vector<72x3328xf32> to vector<8x3136xf32>
    %add3A_1132 = arith.addf %add3A_1130, %slice3A_1131 : vector<8x3136xf32>
    %slice3A_1133 = vector.extract_strided_slice %dot_general3A_410 {offsets = [64, 184], sizes = [8, 3136], strides = [1, 1]} : vector<72x3328xf32> to vector<8x3136xf32>
    %add3A_1134 = arith.addf %add3A_1132, %slice3A_1133 : vector<8x3136xf32>
    %slice3A_1135 = vector.extract_strided_slice %add3A_1134 {offsets = [0, 0], sizes = [3, 3136], strides = [1, 1]} : vector<8x3136xf32> to vector<3x3136xf32>
    %add3A_1136 = vector.broadcast %get3A_517 : vector<3x1xf32> to vector<3x3136xf32>
    %add3A_1137 = arith.addf %slice3A_1135, %add3A_1136 : vector<3x3136xf32>
    %get3A_1138 = arith.constant 0 : index
    %get3A_1139 = arith.constant 3 : index
    %get3A_1140 = arith.constant 1 : index
    %get3A_1141 = arith.constant 0 : index
    %get3A_1142 = arith.constant 0 : index
    %get3A_1143 = vector.load %arg2[%get3A_1138, %get3A_1139, %get3A_1140, %get3A_1141, %get3A_1142] : memref<1x4x4x3x3136xf32, #tpu.memory_space<vmem>>, vector<1x1x1x3x3136xf32>
    %get3A_1144 = vector.shape_cast %get3A_1143 : vector<1x1x1x3x3136xf32> to vector<3x3136xf32>
    %sub3A_1145 = arith.subf %add3A_1137, %get3A_1144 : vector<3x3136xf32>
    %mul3A_1146 = arith.mulf %sub3A_1145, %sub3A_1145 : vector<3x3136xf32>
    %reduce_sum3A_1147 = vector.shape_cast %mul3A_1146 : vector<3x3136xf32> to vector<1x3x3136xf32>
    %reduce_sum3A_1148 = arith.constant dense<0.000000e+00> : vector<1xf32>
    %reduce_sum3A_1149 = vector.multi_reduction <add>, %reduce_sum3A_1147, %reduce_sum3A_1148 [1, 2] : vector<1x3x3136xf32> to vector<1xf32>
    %reduce_sum3A_1150 = vector.shape_cast %reduce_sum3A_1149 : vector<1xf32> to vector<1x1x1xf32>
    %reduce_sum3A_1151 = vector.extract %reduce_sum3A_1150[0, 0, 0] : f32 from vector<1x1x1xf32>
    %add3A_1152 = arith.addf %add3A_1114, %reduce_sum3A_1151 : f32
    %broadcast_in_dim3A_1153 = arith.constant 0.000000e+00 : f32
    %broadcast_in_dim3A_1154 = vector.broadcast %broadcast_in_dim3A_1153 : f32 to vector<8x3136xf32>
    %slice3A_1155 = vector.extract_strided_slice %dot_general3A_466 {offsets = [0, 128], sizes = [8, 3136], strides = [1, 1]} : vector<72x3328xf32> to vector<8x3136xf32>
    %add3A_1156 = arith.addf %broadcast_in_dim3A_1154, %slice3A_1155 : vector<8x3136xf32>
    %slice3A_1157 = vector.extract_strided_slice %dot_general3A_474 {offsets = [8, 128], sizes = [8, 3136], strides = [1, 1]} : vector<72x3328xf32> to vector<8x3136xf32>
    %add3A_1158 = arith.addf %add3A_1156, %slice3A_1157 : vector<8x3136xf32>
    %slice3A_1159 = vector.extract_strided_slice %dot_general3A_482 {offsets = [16, 128], sizes = [8, 3136], strides = [1, 1]} : vector<72x3328xf32> to vector<8x3136xf32>
    %add3A_1160 = arith.addf %add3A_1158, %slice3A_1159 : vector<8x3136xf32>
    %slice3A_1161 = vector.extract_strided_slice %dot_general3A_498 {offsets = [24, 128], sizes = [8, 3136], strides = [1, 1]} : vector<72x3328xf32> to vector<8x3136xf32>
    %add3A_1162 = arith.addf %add3A_1160, %slice3A_1161 : vector<8x3136xf32>
    %slice3A_1163 = vector.extract_strided_slice %dot_general3A_506 {offsets = [32, 128], sizes = [8, 3136], strides = [1, 1]} : vector<72x3328xf32> to vector<8x3136xf32>
    %add3A_1164 = arith.addf %add3A_1162, %slice3A_1163 : vector<8x3136xf32>
    %slice3A_1165 = vector.extract_strided_slice %dot_general3A_514 {offsets = [40, 128], sizes = [8, 3136], strides = [1, 1]} : vector<72x3328xf32> to vector<8x3136xf32>
    %add3A_1166 = arith.addf %add3A_1164, %slice3A_1165 : vector<8x3136xf32>
    %slice3A_1167 = vector.extract_strided_slice %dot_general3A_402 {offsets = [48, 184], sizes = [8, 3136], strides = [1, 1]} : vector<72x3328xf32> to vector<8x3136xf32>
    %add3A_1168 = arith.addf %add3A_1166, %slice3A_1167 : vector<8x3136xf32>
    %slice3A_1169 = vector.extract_strided_slice %dot_general3A_410 {offsets = [56, 184], sizes = [8, 3136], strides = [1, 1]} : vector<72x3328xf32> to vector<8x3136xf32>
    %add3A_1170 = arith.addf %add3A_1168, %slice3A_1169 : vector<8x3136xf32>
    %slice3A_1171 = vector.extract_strided_slice %dot_general3A_418 {offsets = [64, 184], sizes = [8, 3136], strides = [1, 1]} : vector<72x3328xf32> to vector<8x3136xf32>
    %add3A_1172 = arith.addf %add3A_1170, %slice3A_1171 : vector<8x3136xf32>
    %slice3A_1173 = vector.extract_strided_slice %add3A_1172 {offsets = [0, 0], sizes = [3, 3136], strides = [1, 1]} : vector<8x3136xf32> to vector<3x3136xf32>
    %add3A_1174 = vector.broadcast %get3A_517 : vector<3x1xf32> to vector<3x3136xf32>
    %add3A_1175 = arith.addf %slice3A_1173, %add3A_1174 : vector<3x3136xf32>
    %get3A_1176 = arith.constant 0 : index
    %get3A_1177 = arith.constant 3 : index
    %get3A_1178 = arith.constant 2 : index
    %get3A_1179 = arith.constant 0 : index
    %get3A_1180 = arith.constant 0 : index
    %get3A_1181 = vector.load %arg2[%get3A_1176, %get3A_1177, %get3A_1178, %get3A_1179, %get3A_1180] : memref<1x4x4x3x3136xf32, #tpu.memory_space<vmem>>, vector<1x1x1x3x3136xf32>
    %get3A_1182 = vector.shape_cast %get3A_1181 : vector<1x1x1x3x3136xf32> to vector<3x3136xf32>
    %sub3A_1183 = arith.subf %add3A_1175, %get3A_1182 : vector<3x3136xf32>
    %mul3A_1184 = arith.mulf %sub3A_1183, %sub3A_1183 : vector<3x3136xf32>
    %reduce_sum3A_1185 = vector.shape_cast %mul3A_1184 : vector<3x3136xf32> to vector<1x3x3136xf32>
    %reduce_sum3A_1186 = arith.constant dense<0.000000e+00> : vector<1xf32>
    %reduce_sum3A_1187 = vector.multi_reduction <add>, %reduce_sum3A_1185, %reduce_sum3A_1186 [1, 2] : vector<1x3x3136xf32> to vector<1xf32>
    %reduce_sum3A_1188 = vector.shape_cast %reduce_sum3A_1187 : vector<1xf32> to vector<1x1x1xf32>
    %reduce_sum3A_1189 = vector.extract %reduce_sum3A_1188[0, 0, 0] : f32 from vector<1x1x1xf32>
    %add3A_1190 = arith.addf %add3A_1152, %reduce_sum3A_1189 : f32
    %broadcast_in_dim3A_1191 = arith.constant 0.000000e+00 : f32
    %broadcast_in_dim3A_1192 = vector.broadcast %broadcast_in_dim3A_1191 : f32 to vector<8x3136xf32>
    %slice3A_1193 = vector.extract_strided_slice %dot_general3A_474 {offsets = [0, 128], sizes = [8, 3136], strides = [1, 1]} : vector<72x3328xf32> to vector<8x3136xf32>
    %add3A_1194 = arith.addf %broadcast_in_dim3A_1192, %slice3A_1193 : vector<8x3136xf32>
    %slice3A_1195 = vector.extract_strided_slice %dot_general3A_482 {offsets = [8, 128], sizes = [8, 3136], strides = [1, 1]} : vector<72x3328xf32> to vector<8x3136xf32>
    %add3A_1196 = arith.addf %add3A_1194, %slice3A_1195 : vector<8x3136xf32>
    %slice3A_1197 = vector.extract_strided_slice %dot_general3A_458 {offsets = [16, 129], sizes = [8, 3136], strides = [1, 1]} : vector<72x3328xf32> to vector<8x3136xf32>
    %jit3A_1198 = arith.constant 0.000000e+00 : f32
    %broadcast_in_dim3A_1199 = vector.shape_cast %ne3A_19 : vector<1x3136xi1> to vector<1x3136xi1>
    %broadcast_in_dim3A_1200 = vector.broadcast %broadcast_in_dim3A_1199 : vector<1x3136xi1> to vector<8x3136xi1>
    %broadcast_in_dim3A_1201 = vector.broadcast %jit3A_1198 : f32 to vector<8x3136xf32>
    %select_n3A_1202 = arith.select %broadcast_in_dim3A_1200, %slice3A_1197, %broadcast_in_dim3A_1201 : vector<8x3136xi1>, vector<8x3136xf32>
    %add3A_1203 = arith.addf %add3A_1196, %select_n3A_1202 : vector<8x3136xf32>
    %slice3A_1204 = vector.extract_strided_slice %dot_general3A_506 {offsets = [24, 128], sizes = [8, 3136], strides = [1, 1]} : vector<72x3328xf32> to vector<8x3136xf32>
    %add3A_1205 = arith.addf %add3A_1203, %slice3A_1204 : vector<8x3136xf32>
    %slice3A_1206 = vector.extract_strided_slice %dot_general3A_514 {offsets = [32, 128], sizes = [8, 3136], strides = [1, 1]} : vector<72x3328xf32> to vector<8x3136xf32>
    %add3A_1207 = arith.addf %add3A_1205, %slice3A_1206 : vector<8x3136xf32>
    %slice3A_1208 = vector.extract_strided_slice %dot_general3A_490 {offsets = [40, 129], sizes = [8, 3136], strides = [1, 1]} : vector<72x3328xf32> to vector<8x3136xf32>
    %jit3A_1209 = arith.constant 0.000000e+00 : f32
    %broadcast_in_dim3A_1210 = vector.shape_cast %ne3A_19 : vector<1x3136xi1> to vector<1x3136xi1>
    %broadcast_in_dim3A_1211 = vector.broadcast %broadcast_in_dim3A_1210 : vector<1x3136xi1> to vector<8x3136xi1>
    %broadcast_in_dim3A_1212 = vector.broadcast %jit3A_1209 : f32 to vector<8x3136xf32>
    %select_n3A_1213 = arith.select %broadcast_in_dim3A_1211, %slice3A_1208, %broadcast_in_dim3A_1212 : vector<8x3136xi1>, vector<8x3136xf32>
    %add3A_1214 = arith.addf %add3A_1207, %select_n3A_1213 : vector<8x3136xf32>
    %slice3A_1215 = vector.extract_strided_slice %dot_general3A_410 {offsets = [48, 184], sizes = [8, 3136], strides = [1, 1]} : vector<72x3328xf32> to vector<8x3136xf32>
    %add3A_1216 = arith.addf %add3A_1214, %slice3A_1215 : vector<8x3136xf32>
    %slice3A_1217 = vector.extract_strided_slice %dot_general3A_418 {offsets = [56, 184], sizes = [8, 3136], strides = [1, 1]} : vector<72x3328xf32> to vector<8x3136xf32>
    %add3A_1218 = arith.addf %add3A_1216, %slice3A_1217 : vector<8x3136xf32>
    %slice3A_1219 = vector.extract_strided_slice %dot_general3A_394 {offsets = [64, 185], sizes = [8, 3136], strides = [1, 1]} : vector<72x3328xf32> to vector<8x3136xf32>
    %jit3A_1220 = arith.constant 0.000000e+00 : f32
    %broadcast_in_dim3A_1221 = vector.shape_cast %ne3A_19 : vector<1x3136xi1> to vector<1x3136xi1>
    %broadcast_in_dim3A_1222 = vector.broadcast %broadcast_in_dim3A_1221 : vector<1x3136xi1> to vector<8x3136xi1>
    %broadcast_in_dim3A_1223 = vector.broadcast %jit3A_1220 : f32 to vector<8x3136xf32>
    %select_n3A_1224 = arith.select %broadcast_in_dim3A_1222, %slice3A_1219, %broadcast_in_dim3A_1223 : vector<8x3136xi1>, vector<8x3136xf32>
    %add3A_1225 = arith.addf %add3A_1218, %select_n3A_1224 : vector<8x3136xf32>
    %slice3A_1226 = vector.extract_strided_slice %add3A_1225 {offsets = [0, 0], sizes = [3, 3136], strides = [1, 1]} : vector<8x3136xf32> to vector<3x3136xf32>
    %add3A_1227 = vector.broadcast %get3A_517 : vector<3x1xf32> to vector<3x3136xf32>
    %add3A_1228 = arith.addf %slice3A_1226, %add3A_1227 : vector<3x3136xf32>
    %get3A_1229 = arith.constant 0 : index
    %get3A_1230 = arith.constant 3 : index
    %get3A_1231 = arith.constant 3 : index
    %get3A_1232 = arith.constant 0 : index
    %get3A_1233 = arith.constant 0 : index
    %get3A_1234 = vector.load %arg2[%get3A_1229, %get3A_1230, %get3A_1231, %get3A_1232, %get3A_1233] : memref<1x4x4x3x3136xf32, #tpu.memory_space<vmem>>, vector<1x1x1x3x3136xf32>
    %get3A_1235 = vector.shape_cast %get3A_1234 : vector<1x1x1x3x3136xf32> to vector<3x3136xf32>
    %sub3A_1236 = arith.subf %add3A_1228, %get3A_1235 : vector<3x3136xf32>
    %mul3A_1237 = arith.mulf %sub3A_1236, %sub3A_1236 : vector<3x3136xf32>
    %reduce_sum3A_1238 = vector.shape_cast %mul3A_1237 : vector<3x3136xf32> to vector<1x3x3136xf32>
    %reduce_sum3A_1239 = arith.constant dense<0.000000e+00> : vector<1xf32>
    %reduce_sum3A_1240 = vector.multi_reduction <add>, %reduce_sum3A_1238, %reduce_sum3A_1239 [1, 2] : vector<1x3x3136xf32> to vector<1xf32>
    %reduce_sum3A_1241 = vector.shape_cast %reduce_sum3A_1240 : vector<1xf32> to vector<1x1x1xf32>
    %reduce_sum3A_1242 = vector.extract %reduce_sum3A_1241[0, 0, 0] : f32 from vector<1x1x1xf32>
    %add3A_1243 = arith.addf %add3A_1190, %reduce_sum3A_1242 : f32
    %get3A_1244 = arith.constant 0 : index
    %get3A_1245 = arith.constant 0 : index
    %get3A_1246 = vector.load %arg9[%get3A_1244, %get3A_1245] : memref<8x128xf32, #tpu.memory_space<vmem>>, vector<8x128xf32>
    %add3A_1247 = vector.broadcast %add3A_1243 : f32 to vector<8x128xf32>
    %add3A_1248 = arith.addf %get3A_1246, %add3A_1247 : vector<8x128xf32>
    %swap3A_1249 = arith.constant 0 : index
    %swap3A_1250 = arith.constant 0 : index
    %swap3A_1251 = vector.load %arg9[%swap3A_1249, %swap3A_1250] : memref<8x128xf32, #tpu.memory_space<vmem>>, vector<8x128xf32>
    tpu.vector_store %arg9[%swap3A_1249, %swap3A_1250], %add3A_1248 {strides = array<i32>} : memref<8x128xf32, #tpu.memory_space<vmem>>, vector<8x128xf32>,
    return
  }
  func.func @transform_0(%arg0: i32) -> (i32, i32, i32) {
    %c0_i32 = arith.constant 0 : i32
    %c0_i32_0 = arith.constant 0 : i32
    %c0_i32_1 = arith.constant 0 : i32
    return %arg0, %c0_i32, %c0_i32_0 : i32, i32, i32
  }
  func.func @transform_1(%arg0: i32) -> (i32, i32, i32, i32, i32) {
    %c0_i32 = arith.constant 0 : i32
    %c0_i32_0 = arith.constant 0 : i32
    %c0_i32_1 = arith.constant 0 : i32
    %c0_i32_2 = arith.constant 0 : i32
    %c0_i32_3 = arith.constant 0 : i32
    return %arg0, %c0_i32, %c0_i32_0, %c0_i32_1, %c0_i32_2 : i32, i32, i32, i32, i32
  }
  func.func @transform_2(%arg0: i32) -> (i32, i32) {
    %c0_i32 = arith.constant 0 : i32
    %c0_i32_0 = arith.constant 0 : i32
    %c0_i32_1 = arith.constant 0 : i32
    return %c0_i32, %c0_i32_0 : i32, i32
  }
  func.func @transform_3(%arg0: i32) -> (i32, i32) {
    %c0_i32 = arith.constant 0 : i32
    %c0_i32_0 = arith.constant 0 : i32
    %c0_i32_1 = arith.constant 0 : i32
    return %c0_i32, %c0_i32_0 : i32, i32
  }
  func.func @transform_4(%arg0: i32) -> (i32, i32) {
    %c0_i32 = arith.constant 0 : i32
    %c0_i32_0 = arith.constant 0 : i32
    %c0_i32_1 = arith.constant 0 : i32
    return %c0_i32, %c0_i32_0 : i32, i32
  }
  func.func @transform_5(%arg0: i32) -> (i32, i32) {
    %c0_i32 = arith.constant 0 : i32
    %c0_i32_0 = arith.constant 0 : i32
    %c0_i32_1 = arith.constant 0 : i32
    return %c0_i32, %c0_i32_0 : i32, i32
  }
  func.func @transform_6(%arg0: i32) -> (i32, i32) {
    %c0_i32 = arith.constant 0 : i32
    %c0_i32_0 = arith.constant 0 : i32
    %c0_i32_1 = arith.constant 0 : i32
    return %c0_i32, %c0_i32_0 : i32, i32
  }
  func.func @transform_7(%arg0: i32) -> (i32, i32) {
    %c0_i32 = arith.constant 0 : i32
    %c0_i32_0 = arith.constant 0 : i32
    %c0_i32_1 = arith.constant 0 : i32
    return %c0_i32, %c0_i32_0 : i32, i32
  }
  func.func @transform_8(%arg0: i32) -> (i32, i32) {
    %c0_i32 = arith.constant 0 : i32
    %c0_i32_0 = arith.constant 0 : i32
    %c0_i32_1 = arith.constant 0 : i32
    return %c0_i32, %c0_i32_0 : i32, i32
  }
}

</mosaic_0001>

<sc_bundles>
// kernel: kernel.5.cloned.1.call-start
scs
__scs_entry_jumppad:
0x0: {  	(pc) =	sbr.rel $0x88, $3  }
0x1: {  	(tag) =	ssettag $0x0;
	lr =	simm.s32 $0x1  }
0x2: {  	[smem:$0x3F93] =	sst lr;
	_ =	strace $0xD0000000  }
0x3: {  	_ = 	snop  }
0x4: {  	_ = 	snop  }
0x5: {  	_ = 	snop  }
0x6: {  	_ = 	snop  }
0x7: {  	_ = 	snop  }
__scs_overlays_trampoline_lowered:
0x8: {  	[smem:$0x3FA2] =	sst s0  }
0x9: {  	[smem:$0x3FA3] =	sst s1  }
0xa: {  	[smem:$0x3FA4] =	sst s2  }
0xb: {  	[smem:$0x3FA5] =	sst s3  }
0xc: {  	[smem:$0x3FA6] =	sst s4  }
0xd: {  	[smem:$0x3FA7] =	sst s5  }
0xe: {  	[smem:$0x3FA8] =	sst s6  }
0xf: {  	[smem:$0x3FA9] =	sst s7  }
0x10: {  	[smem:$0x3FAA] =	sst s8  }
0x11: {  	[smem:$0x3FAB] =	sst s9;
	s0 =	simm.s32 @!p0 $0x0  }
0x12: {  	s1 =	sld [smem:$0x3F91];
	s0 =	simm.s32 @p0 $0x1  }
0x13: {  	[smem:$0x3FAC] =	sst s0;
	s0 =	simm.s32 @!p1 $0x0  }
0x14: {  	s2 =	sld [smem:$0x3F90];
	s0 =	simm.s32 @p1 $0x1  }
0x15: {  	[smem:$0x3FAD] =	sst s0;
	s0 =	simm.s32 @!p2 $0x0  }
0x16: {  	s3 =	sld [smem:$0x3FDB];
	s0 =	simm.s32 @p2 $0x1  }
0x17: {  	s4 =	simm.s32 $0x1BF5;
	[smem:$0x3FAF] =	sst s0  }
0x18: {  	s0 =	sld [smem:$0x3F92];
	_ =	swait.ge [sflag:s4], $0x0  }
0x19: {  	s7 =	sld [smem:$0x3F93]  }
0x1a: {  	s8 =	sadd.s32 $0xFFFFE003, lr  }
0x1b: {  	s9 =	sadd.s32 $0xFFFFFEF7, lr;
	s5 =	simm.s32 $0xFFFFFFFF;
	p2 =	slt.u32 s8, $0xFFFFF086  }
0x1c: {  	p1 =	slt.u32 s9, $0xF7A;
	s5 =	simm.s32 @!p2 $0x0  }
0x1d: {  	s5 =	simm.s32 @p1 $0x1;
	p0 =	seq.s32 s7, s2  }
0x1e: {  	s7 =	smul.u32 @!p0 $0xF7A, s2;
	p2 =	seq.s32 @!p0 s5, $0x0  }
0x1f: {  	s9 =	smul.u32 $0xF7A, s1;
	s8 =	simm.s32 @!p0 $0x1BF5;
	p2 =	por !p2, p0  }
0x20: {  	[sflag:s8] =	ssyncset.s32 @!p0 $0xFFFFF086;
	s6 =	sadd.s32 @!p0 s3, s7;
	s7 =	simm.s32 @!p0 $0x108  }
0x21: {  	s3 =	sadd.s32 s3, s9;
	s6 =	sadd.s32 @!p0 $0x88, s6;
	s7 =	simm.s32 @p2 $0x1082  }
0x22: {  	[simem:s7], [sflag:s8] =	dma.local @!p0 [hbm:s6], $0xF7A  }
0x23: {  	s9 =	sor.u32 $0xD0000000, s2;
	s6 =	simm.s32 $0x108;
	_ =	swait.ge @!p0 [sflag:s8], $0x0  }
0x24: {  	s3 =	sadd.s32 $0x88, s3;
	s6 =	simm.s32 @!p1 $0x1082;
	[sflag:s4] =	ssyncset.s32 $0xFFFFF086  }
0x25: {  	[simem:s6], [sflag:s4] =	dma.local [hbm:s3], $0xF7A  }
0x26: {  	[smem:$0x3F93] =	sst s1;
	(tag) =	ssettag s2;
	_ =	strace s9  }
0x27: {  	s1 =	sld [smem:$0x3FA3]  }
0x28: {  	s2 =	sld [smem:$0x3FA4]  }
0x29: {  	s4 =	sld [smem:$0x3FA6]  }
0x2a: {  	p0 =	seq.s32 s5, $0x0;
	s5 =	sld [smem:$0x3FA7]  }
0x2b: {  	s6 =	sld [smem:$0x3FA8]  }
0x2c: {  	s7 =	sld [smem:$0x3FA9]  }
0x2d: {  	s3 =	simm.s32 $0x108;
	s8 =	sld [smem:$0x3FAA]  }
0x2e: {  	s3 =	simm.s32 @!p0 $0x1082;
	s9 =	sld [smem:$0x3FAB]  }
0x2f: {  	lr =	sadd.s32 s0, s3;
	s0 =	sld [smem:$0x3FA2]  }
0x30: {  	s3 =	sld [smem:$0x3FA5]  }
0x31: {  	[smem:$0x3FAE] =	sst s10  }
0x32: {  	s10 =	sld [smem:$0x3FAC];
	_ =	sdelay $0x3  }
0x33: {  	p0 =	seq.s32 s10, $0x1;
	s10 =	sld [smem:$0x3FAE];
	_ =	sdelay $0x3  }
0x34: {  	[smem:$0x3FAE] =	sst s10  }
0x35: {  	s10 =	sld [smem:$0x3FAD];
	_ =	sdelay $0x3  }
0x36: {  	p1 =	seq.s32 s10, $0x1;
	s10 =	sld [smem:$0x3FAE];
	_ =	sdelay $0x3  }
0x37: {  	[smem:$0x3FAE] =	sst s10  }
0x38: {  	s10 =	sld [smem:$0x3FAF]  }
0x39: {  	_ = 	snop;
	(pc) =	sbr.ind lr, $3  }
0x3a: {  	_ = 	snop  }
0x3b: {  	_ = 	snop  }
0x3c: {  	p2 =	seq.s32 s10, $0x1;
	s10 =	sld [smem:$0x3FAE]  }
0x3d: {  	_ =	shalt  }
0x3e: {  	_ =	shalt  }
0x3f: {  	_ =	shalt  }
0x40: {  	_ =	shalt  }
0x41: {  	_ =	shalt  }
0x42: {  	_ =	shalt  }
0x43: {  	_ =	shalt  }
0x44: {  	_ =	shalt  }
0x45: {  	_ =	shalt  }
0x46: {  	_ =	shalt  }
0x47: {  	_ =	shalt  }
0x48: {  	_ =	shalt  }
0x49: {  	_ =	shalt  }
0x4a: {  	_ =	shalt  }
0x4b: {  	_ =	shalt  }
0x4c: {  	_ =	shalt  }
0x4d: {  	_ =	shalt  }
0x4e: {  	_ =	shalt  }
0x4f: {  	_ =	shalt  }
0x50: {  	_ =	shalt  }
0x51: {  	_ =	shalt  }
0x52: {  	_ =	shalt  }
0x53: {  	_ =	shalt  }
0x54: {  	_ =	shalt  }
0x55: {  	_ =	shalt  }
0x56: {  	_ =	shalt  }
0x57: {  	_ =	shalt  }
0x58: {  	_ =	shalt  }
0x59: {  	_ =	shalt  }
0x5a: {  	_ =	shalt  }
0x5b: {  	_ =	shalt  }
0x5c: {  	_ =	shalt  }
0x5d: {  	_ =	shalt  }
0x5e: {  	_ =	shalt  }
0x5f: {  	_ =	shalt  }
0x60: {  	_ =	shalt  }
0x61: {  	_ =	shalt  }
0x62: {  	_ =	shalt  }
0x63: {  	_ =	shalt  }
0x64: {  	_ =	shalt  }
0x65: {  	_ =	shalt  }
0x66: {  	_ =	shalt  }
0x67: {  	_ =	shalt  }
0x68: {  	_ =	shalt  }
0x69: {  	_ =	shalt  }
0x6a: {  	_ =	shalt  }
0x6b: {  	_ =	shalt  }
0x6c: {  	_ =	shalt  }
0x6d: {  	_ =	shalt  }
0x6e: {  	_ =	shalt  }
0x6f: {  	_ =	shalt  }
0x70: {  	_ =	shalt  }
0x71: {  	_ =	shalt  }
0x72: {  	_ =	shalt  }
0x73: {  	_ =	shalt  }
0x74: {  	_ =	shalt  }
0x75: {  	_ =	shalt  }
0x76: {  	_ =	shalt  }
0x77: {  	_ =	shalt  }
0x78: {  	_ =	shalt  }
0x79: {  	_ =	shalt  }
0x7a: {  	_ =	shalt  }
0x7b: {  	_ =	shalt  }
0x7c: {  	_ =	shalt  }
0x7d: {  	_ =	shalt  }
0x7e: {  	_ =	shalt  }
0x7f: {  	_ =	shalt  }
0x80: {  	_ =	shalt  }
0x81: {  	_ =	shalt  }
0x82: {  	_ =	shalt  }
0x83: {  	_ =	shalt  }
0x84: {  	_ =	shalt  }
0x85: {  	_ =	shalt  }
0x86: {  	_ =	shalt  }
0x87: {  	_ =	shalt  }
.Lfunc_end0:
.L_simem_size_0:
called_computation_lowered:
.L_overlay_start_0:
0x88: {  	s2 =	sld [smem:$0x3FD9]  }
0x89: {  	s3 =	sld [smem:$0x3FFE];
	_ =	sdelay $0x1  }
0x8a: {  	s1 =	srdreg.scid  }
0x8b: {  	s0 =	sand.u32 $0x1, s1  }
0x8c: {  	s16 =	sshll.u32 s0, $0xA;
	s2 =	sadd.s32 s3, s2  }
0x8d: {  	s2 =	sadd.s32 s2, s16  }
0x8e: {  	[smem:$0x3FBA] =	sst s2  }
0x8f: {  	_ = 	snop  }
0x90: {  	(tm) =	ssettm $0x1  }
0x91: {  	s17 =	sld [smem:$0x3FFB];
	_ =	sdelay $0x3  }
0x92: {  	_ =	strace s17  }
0x93: {  	s2 =	sld [smem:$0x3FFC];
	_ =	sdelay $0x3  }
0x94: {  	_ =	strace s2  }
0x95: {  	s2 =	sld [smem:$0x3FFD];
	_ =	sdelay $0x3  }
0x96: {  	_ =	strace s2  }
0x97: {  	_ =	strace $0x8FFFFFFF  }
0x98: {  	s18 =	sld [smem:$0x3FDB];
	_ =	sdelay $0x1  }
0x99: {  	s19 =	simm.s32 $_scs_section_size  }
0x9a: {  	s4 =	simm.s32 $_size__tile_overlayer_lowered;
	s5 =	simm.s32 $_tile_overlayer_lowered  }
0x9b: {  	s22 =	simm.s32 $0x1BFF;
	s21 =	sshll.u32 s5, $0x1;
	s2 =	sadd.s32 s19, s18  }
0x9c: {  	s6 =	simm.s32 $0x0;
	s20 =	sshll.u32 s4, $0x1;
	s4 =	sadd.s32 s21, s2  }
0x9d: {  	[timem:s6], [sflag:s22] =	dma.local [hbm:s4], s20  }
0x9e: {  	_ =	swait.ge [sflag:s22], s20  }
0x9f: {  	s3 =	ssub.s32 $0x0, s20;
	[sflag:s22] =	ssyncset.done $0x0  }
0xa0: {  	[sflag:s22] =	ssyncadd.s32 s3;
	_ =	sdelay $0x1  }
0xa1: {  	s23 =	simm.s32 $0x1B8B  }
0xa2: {  	_ =	swait.ge [sflag:s23], $0x1  }
0xa3: {  	[sflag:s23] =	ssyncset.done $0x0  }
0xa4: {  	s25 =	simm.s32 $0x1B8E;
	s24 =	sld [smem:$0x3FFE];
	[sflag:s23] =	ssyncadd.s32 $0xFFFFFFFF  }
0xa5: {  	s26 =	simm.s32 $execute0_lowered;
	[smem:$0x3FD2] =	sst s25  }
0xa6: {  	s4 =	sshll.u32 s26, $0x1;
	_ =	strace $0x80000046;
	[dreg:$0x1] =	wrdreg $0xFFFFFFFF  }
0xa7: {  	s28 =	simm.s32 $_size_execute0_lowered;
	s2 =	sadd.s32 s2, s4;
	[dreg:$0x0] =	wrdreg $0x0  }
0xa8: {  	s4 =	sshll.u32 s28, $0x1;
	[dreg:$0x2] =	wrdreg s2  }
0xa9: {  	[dreg:$0x3] =	wrdreg s4  }
0xaa: {  	[dreg:$0x4] =	wrdreg $0xC0  }
0xab: {  	_ =	task [dreg:s6], $0x5FFFF  }
0xac: {  	[dreg:$0x1] =	wrdreg $0xFFFFFFFF  }
0xad: {  	[dreg:$0x0] =	wrdreg $0x60  }
0xae: {  	[dreg:$0x2] =	wrdreg s24  }
0xaf: {  	[dreg:$0x3] =	wrdreg $0x6800  }
0xb0: {  	[dreg:$0x4] =	wrdreg $0x9  }
0xb1: {  	_ =	task.clear_ibuf [dreg:s6], $0x5FFFF;
	_ =	strace $0x90000046  }
0xb2: {  	s29 =	simm.s32 $0x9;
	_ =	strace $0x80000048  }
0xb3: {  	_ =	swait.ge [sflag:s29], $0x1  }
0xb4: {  	[sflag:s29] =	ssyncadd.s32 $0xFFFFFFFF  }
0xb5: {  	_ =	strace $0x90000048  }
0xb6: {  	_ =	sfence  }
0xb7: {  	s30 =	sld [smem:$0x0];
	_ =	sdelay $0x2  }
0xb8: {  	s31 =	sshll.u32 s1, $0xD;
	s1 =	sshrl.u32 s1, $0x2  }
0xb9: {  	s3 =	sand.u32 $0x4000, s31;
	s1 =	sadd.s32 s1, s30  }
0xba: {  	s0 =	sor.u32 s3, s0;
	s1 =	sshll.u32 s1, $0x11  }
0xbb: {  	s0 =	sor.u32 s1, s0  }
0xbc: {  	s0 =	sadd.s32 $0x8F2B, s0  }
0xbd: {  	[sflag:s0] =	ssyncadd.remote.s32 $0x1  }
0xbe: {  	_ =	sfence.sel $0xFFFF  }
0xbf: {  	[dreg:$0x0] =	wrdreg $0xFFFFFFFF;
	(pc) =	sbr.abs _section_cstart, $3  }
0xc0: {  	[dreg:$0x1] =	wrdreg $0xFFFFFFFF  }
0xc1: {  	_ =	task.clear_ibuf [dreg:s6], $0x2FFFF;
	_ =	strace $0x9FFFFFFF  }
0xc2: {  	(tm) =	ssettm $0x7FFFFFFF  }
0xc3: {  	_ =	shalt  }
tec
execute0_lowered:
.L_overlay_start_1:
0x0: {  	(tag) =	ssettag $0x1  }
0x1: {  	s0 =	srdreg.scid;
	s4 =	stileid.u32  }
0x2: {  	s31 =	sand.u32 $0x1, s0;
	s5 =	sshll.u32 s4, $0x1  }
0x3: {  	s3 =	rddreg [dreg:$0x0];
	s5 =	sor.u32 s31, s5  }
0x4: {  	s1 =	rddreg [dreg:$0x1];
	s2 =	simm.s32 $0x0;
	s6 =	smul.u32 $0xC4, s5  }
0x5: {  	[smem:$0x7FF] =	sst s2;
	s8 =	sadd.s32 $0x3000, s3;
	s7 =	smul.u32 $0x6200, s5  }
0x6: {  	_ =	strace $0x80000047;
	s5 =	smul.u32 $0x31000, s5;
	s6 =	sadd.s32 s6, s3  }
0x7: {  	[dreg:$0x3] =	wrdreg s8;
	s3 =	sadd.s32 $0x5000, s3;
	s6 =	sadd.s32 $0x1600, s6  }
0x8: {  	s5 =	sshrl.u32 s5, $0x3;
	s25 =	sadd.s32 s3, s7;
	[dreg:$0x4] =	wrdreg s6  }
0x9: {  	p0 =	sne.s32 s4, $0x0;
	s29 =	sadd.s32 s3, s5;
	[dreg:$0x5] =	wrdreg s25  }
0xa: {  	s4 =	simm.s32 @!p0 $0x1C09;
	s3 =	sadd.s32 $0xE00, s29;
	s6 =	rddreg [dreg:$0x3]  }
0xb: {  	s5 =	simm.s32 @!p0 $0x9;
	[dreg:$0x6] =	wrdreg s3;
	s3 =	sshrl.u32 @!p0 s1, $0x3  }
0xc: {  	[spmem:s3], [sflag:s4] =	dma.local @!p0 [hbm:s6], $0x2000  }
0xd: {  	_ =	swait.ge @!p0 [sflag:s5], $0x2000  }
0xe: {  	[sflag:s5] =	ssyncset.done @!p0 $0x0  }
0xf: {  	s6 =	simm.s32 $0x9;
	s26 =	rddreg [dreg:$0x4];
	[sflag:s5] =	ssyncadd.s32 @!p0 $0xFFFFE000  }
0x10: {  	[tilespmem:s2], [sflag:$0x9] =	stream.linear.gather [hbm4b:s26+s2], $0x620, $0x38;
	[tilespmem:$0x1D680] =	vst v63  }
0x11: {  	_ =	swait.ge [sflag:s6], $0x620  }
0x12: {  	[sflag:s6] =	ssyncset.done $0x0  }
0x13: {  	[sflag:s6] =	ssyncadd.s32 $0xFFFFF9E0  }
0x14: {  	s8 =	simm.s32 $0x1680;
	s7 =	simm.s32 $0xE0;
	[bflag:$0x0] =	sbarrier.arrive $0xFFFF  }
0x15: {  	[tilespmem:s8], [sflag:$0x1] =	stream.indirect.gather [spmem:s1], $0x80, s2, s7, $0xb8;
	[tilespmem:$0x1D680] =	vst v63  }
0x16: {  	s9 =	simm.s32 $0x8680  }
0x17: {  	[tilespmem:s9], [sflag:$0x2] =	stream.indirect.gather [spmem:s1], $0x80, s7, s7, $0xb8;
	[tilespmem:$0x1D680] =	vst v63  }
0x18: {  	s10 =	simm.s32 $0x1C0;
	s11 =	simm.s32 $0xF680  }
0x19: {  	[tilespmem:s11], [sflag:$0x3] =	stream.indirect.gather [spmem:s1], $0x80, s10, s7, $0xb8;
	[tilespmem:$0x1D680] =	vst v63  }
0x1a: {  	s12 =	simm.s32 $0x2A0;
	s13 =	simm.s32 $0x16680;
	s14 =	simm.s32 $0x1  }
0x1b: {  	[tilespmem:s13], [sflag:$0x4] =	stream.indirect.gather [spmem:s1], $0x80, s12, s7, $0xb8;
	[tilespmem:$0x1D680] =	vst v63  }
0x1c: {  	_ =	swait.ge [sflag:s14], $0x7000  }
0x1d: {  	[sflag:s14] =	ssyncset.done $0x0  }
0x1e: {  	s15 =	simm.s32 $0x5;
	s16 =	rddreg [dreg:$0x5];
	[sflag:s14] =	ssyncadd.s32 $0xFFFF9000  }
0x1f: {  	[hbm4b:s16+s2] =	stream.linear.scatter [tilespmem:s8], [sflag:$0x5], $0x7000, $0x38;
	[tilespmem:$0x1D680] =	vst v63  }
0x20: {  	_ =	swait.ge [sflag:s15], $0x7000  }
0x21: {  	[sflag:s15] =	ssyncset.done $0x0  }
0x22: {  	s17 =	simm.s32 $0x2;
	s16 =	simm.s32 $0x380;
	[sflag:s15] =	ssyncadd.s32 $0xFFFF9000  }
0x23: {  	[tilespmem:s8], [sflag:$0x1] =	stream.indirect.gather [spmem:s1], $0x80, s16, s7, $0xb8;
	[tilespmem:$0x1D680] =	vst v63  }
0x24: {  	_ =	swait.ge [sflag:s17], $0x7000  }
0x25: {  	[sflag:s17] =	ssyncset.done $0x0  }
0x26: {  	s18 =	simm.s32 $0x6;
	s19 =	rddreg [dreg:$0x6];
	[sflag:s17] =	ssyncadd.s32 $0xFFFF9000  }
0x27: {  	[hbm4b:s19+s2] =	stream.linear.scatter [tilespmem:s9], [sflag:$0x6], $0x7000, $0x38;
	[tilespmem:$0x1D680] =	vst v63  }
0x28: {  	_ =	swait.ge [sflag:s18], $0x7000  }
0x29: {  	[sflag:s18] =	ssyncset.done $0x0  }
0x2a: {  	s20 =	simm.s32 $0x3;
	s19 =	simm.s32 $0x460;
	[sflag:s18] =	ssyncadd.s32 $0xFFFF9000  }
0x2b: {  	[tilespmem:s9], [sflag:$0x2] =	stream.indirect.gather [spmem:s1], $0x80, s19, s7, $0xb8;
	[tilespmem:$0x1D680] =	vst v63  }
0x2c: {  	_ =	swait.ge [sflag:s20], $0x7000  }
0x2d: {  	[sflag:s20] =	ssyncset.done $0x0  }
0x2e: {  	s21 =	simm.s32 $0x7;
	s22 =	sadd.s32 $0x1C00, s29;
	[sflag:s20] =	ssyncadd.s32 $0xFFFF9000  }
0x2f: {  	[hbm4b:s22+s2] =	stream.linear.scatter [tilespmem:s11], [sflag:$0x7], $0x7000, $0x38;
	[tilespmem:$0x1D680] =	vst v63  }
0x30: {  	_ =	swait.ge [sflag:s21], $0x7000  }
0x31: {  	[sflag:s21] =	ssyncset.done $0x0  }
0x32: {  	s23 =	simm.s32 $0x540;
	s24 =	simm.s32 $0x4;
	[sflag:s21] =	ssyncadd.s32 $0xFFFF9000  }
0x33: {  	[tilespmem:s11], [sflag:$0x3] =	stream.indirect.gather [spmem:s1], $0x80, s23, s7, $0xb8;
	[tilespmem:$0x1D680] =	vst v63  }
0x34: {  	_ =	swait.ge [sflag:s24], $0x7000  }
0x35: {  	[sflag:s24] =	ssyncset.done $0x0  }
0x36: {  	s25 =	sadd.s32 $0x2A00, s29;
	[sflag:s24] =	ssyncadd.s32 $0xFFFF9000  }
0x37: {  	[hbm4b:s25+s2] =	stream.linear.scatter [tilespmem:s13], [sflag:$0x8], $0x7000, $0x38;
	[tilespmem:$0x1D680] =	vst v63  }
0x38: {  	_ =	swait.ge [sflag:s14], $0x7000  }
0x39: {  	[sflag:s14] =	ssyncset.done $0x0  }
0x3a: {  	s26 =	sadd.s32 $0x3800, s29;
	[sflag:s14] =	ssyncadd.s32 $0xFFFF9000  }
0x3b: {  	[hbm4b:s26+s2] =	stream.linear.scatter [tilespmem:s8], [sflag:$0x5], $0x7000, $0x38;
	[tilespmem:$0x1D680] =	vst v63  }
0x3c: {  	_ =	swait.ge [sflag:s17], $0x7000  }
0x3d: {  	[sflag:s17] =	ssyncset.done $0x0  }
0x3e: {  	s28 =	sadd.s32 $0x4600, s29;
	[sflag:s17] =	ssyncadd.s32 $0xFFFF9000  }
0x3f: {  	[hbm4b:s28+s2] =	stream.linear.scatter [tilespmem:s9], [sflag:$0x6], $0x7000, $0x38;
	[tilespmem:$0x1D680] =	vst v63  }
0x40: {  	_ =	swait.ge [sflag:s20], $0x7000  }
0x41: {  	s30 =	simm.s32 $0x8;
	[sflag:s20] =	ssyncset.done $0x0  }
0x42: {  	s31 =	ssub.s32 $0x2, s31;
	s29 =	sadd.s32 $0x5400, s29;
	[sflag:s20] =	ssyncadd.s32 $0xFFFF9000  }
0x43: {  	[hbm4b:s29+s2] =	stream.linear.scatter [tilespmem:s11], [sflag:$0x7], $0x7000, $0x38;
	[tilespmem:$0x1D680] =	vst v63  }
0x44: {  	s0 =	sshrl.u32 s31, $0x1;
	_ =	swait.ge [sflag:s30], $0x7000  }
0x45: {  	s0 =	ssub.s32 s31, s0;
	[sflag:s30] =	ssyncset.done $0x0  }
0x46: {  	s0 =	smax.u32 s0, $0x1;
	[sflag:s30] =	ssyncadd.s32 $0xFFFF9000  }
0x47: {  	s31 =	sadd.s32 $0xFFFFFFFF, s0;
	_ =	swait.ge [sflag:s15], $0x7000  }
0x48: {  	p1 =	sne.s32 s31, $0x0;
	[sflag:s15] =	ssyncset.done $0x0  }
.Ltmp0:
0x49: {  	[sflag:s15] =	ssyncadd.s32 $0xFFFF9000;
	(pc) =	sbr.rel @!p1 .LBB2_2-.Ltmp0, $4  }
0x4a: {  	_ =	swait.ge [sflag:s18], $0x7000  }
0x4b: {  	[sflag:s18] =	ssyncset.done $0x0  }
0x4c: {  	[sflag:s18] =	ssyncadd.s32 $0xFFFF9000  }
0x4d: {  	_ =	swait.ge [sflag:s21], $0x7000  }
.LBB2_1:
0x4e: {  	[sflag:s21] =	ssyncset.done $0x0  }
0x4f: {  	s0 =	rddreg [dreg:$0x3];
	[sflag:s21] =	ssyncadd.s32 $0xFFFF9000  }
0x50: {  	[spmem:s3], [sflag:s4] =	dma.local @!p0 [hbm:s0], $0x2000  }
0x51: {  	_ =	swait.ge @!p0 [sflag:s5], $0x2000  }
0x52: {  	[sflag:s5] =	ssyncset.done @!p0 $0x0  }
0x53: {  	s0 =	rddreg [dreg:$0x4];
	[sflag:s5] =	ssyncadd.s32 @!p0 $0xFFFFE000  }
0x54: {  	[tilespmem:s2], [sflag:$0x9] =	stream.linear.gather [hbm4b:s0+s2], $0x620, $0x38;
	[tilespmem:$0x1D680] =	vst v63  }
0x55: {  	_ =	swait.ge [sflag:s6], $0x620  }
0x56: {  	[sflag:s6] =	ssyncset.done $0x0  }
0x57: {  	[sflag:s6] =	ssyncadd.s32 $0xFFFFF9E0  }
0x58: {  	[bflag:$0x0] =	sbarrier.arrive $0xFFFF  }
0x59: {  	[tilespmem:s8], [sflag:$0x1] =	stream.indirect.gather [spmem:s1], $0x80, s2, s7, $0xb8;
	[tilespmem:$0x1D680] =	vst v63  }
0x5a: {  	_ = 	snop  }
0x5b: {  	[tilespmem:s9], [sflag:$0x2] =	stream.indirect.gather [spmem:s1], $0x80, s7, s7, $0xb8;
	[tilespmem:$0x1D680] =	vst v63  }
0x5c: {  	_ = 	snop  }
0x5d: {  	[tilespmem:s11], [sflag:$0x3] =	stream.indirect.gather [spmem:s1], $0x80, s10, s7, $0xb8;
	[tilespmem:$0x1D680] =	vst v63  }
0x5e: {  	_ = 	snop  }
0x5f: {  	[tilespmem:s13], [sflag:$0x4] =	stream.indirect.gather [spmem:s1], $0x80, s12, s7, $0xb8;
	[tilespmem:$0x1D680] =	vst v63  }
0x60: {  	_ =	swait.ge [sflag:s14], $0x7000  }
0x61: {  	[sflag:s14] =	ssyncset.done $0x0  }
0x62: {  	s0 =	rddreg [dreg:$0x5];
	[sflag:s14] =	ssyncadd.s32 $0xFFFF9000  }
0x63: {  	[hbm4b:s0+s2] =	stream.linear.scatter [tilespmem:s8], [sflag:$0x5], $0x7000, $0x38;
	[tilespmem:$0x1D680] =	vst v63  }
0x64: {  	_ =	swait.ge [sflag:s15], $0x7000  }
0x65: {  	[sflag:s15] =	ssyncset.done $0x0  }
0x66: {  	[sflag:s15] =	ssyncadd.s32 $0xFFFF9000  }
0x67: {  	[tilespmem:s8], [sflag:$0x1] =	stream.indirect.gather [spmem:s1], $0x80, s16, s7, $0xb8;
	[tilespmem:$0x1D680] =	vst v63  }
0x68: {  	_ =	swait.ge [sflag:s17], $0x7000  }
0x69: {  	[sflag:s17] =	ssyncset.done $0x0  }
0x6a: {  	s0 =	rddreg [dreg:$0x6];
	[sflag:s17] =	ssyncadd.s32 $0xFFFF9000  }
0x6b: {  	[hbm4b:s0+s2] =	stream.linear.scatter [tilespmem:s9], [sflag:$0x6], $0x7000, $0x38;
	[tilespmem:$0x1D680] =	vst v63  }
0x6c: {  	_ =	swait.ge [sflag:s18], $0x7000  }
0x6d: {  	[sflag:s18] =	ssyncset.done $0x0  }
0x6e: {  	[sflag:s18] =	ssyncadd.s32 $0xFFFF9000  }
0x6f: {  	[tilespmem:s9], [sflag:$0x2] =	stream.indirect.gather [spmem:s1], $0x80, s19, s7, $0xb8;
	[tilespmem:$0x1D680] =	vst v63  }
0x70: {  	_ =	swait.ge [sflag:s20], $0x7000  }
0x71: {  	[sflag:s20] =	ssyncset.done $0x0  }
0x72: {  	[sflag:s20] =	ssyncadd.s32 $0xFFFF9000  }
0x73: {  	[hbm4b:s22+s2] =	stream.linear.scatter [tilespmem:s11], [sflag:$0x7], $0x7000, $0x38;
	[tilespmem:$0x1D680] =	vst v63  }
0x74: {  	_ =	swait.ge [sflag:s21], $0x7000  }
0x75: {  	[sflag:s21] =	ssyncset.done $0x0  }
0x76: {  	[sflag:s21] =	ssyncadd.s32 $0xFFFF9000  }
0x77: {  	[tilespmem:s11], [sflag:$0x3] =	stream.indirect.gather [spmem:s1], $0x80, s23, s7, $0xb8;
	[tilespmem:$0x1D680] =	vst v63  }
0x78: {  	_ =	swait.ge [sflag:s24], $0x7000  }
0x79: {  	[sflag:s24] =	ssyncset.done $0x0  }
0x7a: {  	[sflag:s24] =	ssyncadd.s32 $0xFFFF9000  }
0x7b: {  	[hbm4b:s25+s2] =	stream.linear.scatter [tilespmem:s13], [sflag:$0x8], $0x7000, $0x38;
	[tilespmem:$0x1D680] =	vst v63  }
0x7c: {  	_ =	swait.ge [sflag:s14], $0x7000  }
0x7d: {  	[sflag:s14] =	ssyncset.done $0x0  }
0x7e: {  	[sflag:s14] =	ssyncadd.s32 $0xFFFF9000  }
0x7f: {  	[hbm4b:s26+s2] =	stream.linear.scatter [tilespmem:s8], [sflag:$0x5], $0x7000, $0x38;
	[tilespmem:$0x1D680] =	vst v63  }
0x80: {  	_ =	swait.ge [sflag:s17], $0x7000  }
0x81: {  	[sflag:s17] =	ssyncset.done $0x0  }
0x82: {  	[sflag:s17] =	ssyncadd.s32 $0xFFFF9000  }
0x83: {  	[hbm4b:s28+s2] =	stream.linear.scatter [tilespmem:s9], [sflag:$0x6], $0x7000, $0x38;
	[tilespmem:$0x1D680] =	vst v63  }
0x84: {  	_ =	swait.ge [sflag:s20], $0x7000  }
0x85: {  	[sflag:s20] =	ssyncset.done $0x0  }
0x86: {  	[sflag:s20] =	ssyncadd.s32 $0xFFFF9000  }
0x87: {  	[hbm4b:s29+s2] =	stream.linear.scatter [tilespmem:s11], [sflag:$0x7], $0x7000, $0x38;
	[tilespmem:$0x1D680] =	vst v63  }
0x88: {  	_ =	swait.ge [sflag:s30], $0x7000  }
0x89: {  	[sflag:s30] =	ssyncset.done $0x0  }
0x8a: {  	[sflag:s30] =	ssyncadd.s32 $0xFFFF9000  }
0x8b: {  	s31 =	sadd.s32 $0xFFFFFFFF, s31;
	_ =	swait.ge [sflag:s15], $0x7000  }
0x8c: {  	p1 =	sne.s32 s31, $0x0;
	[sflag:s15] =	ssyncset.done $0x0  }
.Ltmp1:
0x8d: {  	[sflag:s15] =	ssyncadd.s32 $0xFFFF9000;
	(pc) =	sbr.rel @p1 .LBB2_1-.Ltmp1, $4  }
0x8e: {  	_ =	swait.ge [sflag:s18], $0x7000  }
0x8f: {  	[sflag:s18] =	ssyncset.done $0x0  }
0x90: {  	[sflag:s18] =	ssyncadd.s32 $0xFFFF9000  }
0x91: {  	_ =	swait.ge [sflag:s21], $0x7000  }
.LBB2_2:
0x92: {  	[sflag:s21] =	ssyncset.done $0x0  }
0x93: {  	[sflag:s21] =	ssyncadd.s32 $0xFFFF9000  }
0x94: {  	_ =	sfence.sel $0x180000  }
0x95: {  	[bflag:$0x0] =	sbarrier.arrive $0xFFFF  }
0x96: {  	_ =	strace $0x90000047  }
0x97: {  	[bflag:$0x2] =	sbarrier.arrive $0xFFFF  }
0x98: {  	s0 =	rddreg [dreg:$0x2]  }
0x99: {  	s0 =	sadd.s32 @!p0 $0x100000, s0  }
0x9a: {  	[sflag:s0] =	ssyncadd.tile.s32 @!p0 $0x1;
	_ =	shalt  }
.Lfunc_end2:
_tile_overlayer_lowered:
.L_overlay_start_2:
0x9b: {  	(tag) =	ssettag $0x2  }
0x9c: {  	s0 =	rddreg [dreg:$0x0];
	s2 =	stileid.u32  }
0x9d: {  	s1 =	rddreg [dreg:$0x1];
	p0 =	sne.s32 s2, $0x0  }
0x9e: {  	s3 =	rddreg [dreg:$0x2];
	[bflag:$0x3] =	sbarrier.arrive $0xFFFF;
	s2 =	simm.s32 @!p0 $0x1C09  }
0x9f: {  	[timem:s3], [sflag:s2] =	dma.local @!p0 [hbm:s0], s1  }
0xa0: {  	s0 =	simm.s32 @!p0 $0x9  }
0xa1: {  	_ =	swait.ge @!p0 [sflag:s0], s1  }
0xa2: {  	s1 =	ssub.s32 @!p0 $0x0, s1;
	[sflag:s0] =	ssyncset.done @!p0 $0x0  }
0xa3: {  	[sflag:s0] =	ssyncadd.s32 @!p0 s1  }
0xa4: {  	[bflag:$0x3] =	sbarrier.arrive $0xFFFF  }
0xa5: {  	_ =	shalt  }

</sc_bundles>
